<compile_context>
chip_gen: v7x
topology: tpu7x:2x2x1
jax: 0.10.2.dev20260603
libtpu: 0.0.44.dev20260713+nightly
codegen_flags: <defaults>
</compile_context>

<pallas_src>
import functools

import jax
import jax.numpy as jnp
from jax import lax
from jax.experimental import pallas as pl
from jax.experimental.pallas import tpu as pltpu
from jax.experimental.pallas import tpu_sc as plsc

_B = 16384
_E = 128
_NC = 2
_NS = 16
_NW = _NC * _NS
_PW = _B // _NW
_C = 128
_NCHUNK = _PW // _C
_NBUF = 3


def _sc_body(xt_hbm, xc_hbm, wt_hbm, wc_hbm, out_hbm,
             idxt_v, idxc_v, rt0, rc0, rt1, rc1, rt2, rc2, out_v,
             sem0, sem1, sem2):
    wid = lax.axis_index("s") * _NC + lax.axis_index("c")
    base = wid * _PW

    rows = [(rt0, rc0), (rt1, rc1), (rt2, rc2)]
    sems = [sem0, sem1, sem2]

    def start(c):
        rt, rc = rows[c % _NBUF]
        sem = sems[c % _NBUF]
        cp_t = pltpu.async_copy(wt_hbm.at[idxt_v.at[pl.ds(c * _C, _C)]], rt, sem)
        cp_c = pltpu.async_copy(wc_hbm.at[idxc_v.at[pl.ds(c * _C, _C)]], rc, sem)
        return cp_t, cp_c

    cp0t = pltpu.async_copy(xt_hbm.at[pl.ds(base, _C)],
                            idxt_v.at[pl.ds(0, _C)], sem0)
    cp0c = pltpu.async_copy(xc_hbm.at[pl.ds(base, _C)],
                            idxc_v.at[pl.ds(0, _C)], sem0)
    cp0t.wait()
    cp0c.wait()
    inflight = [start(0)]
    cp1t = pltpu.async_copy(xt_hbm.at[pl.ds(base + _C, _PW - _C)],
                            idxt_v.at[pl.ds(_C, _PW - _C)], sem1)
    cp1c = pltpu.async_copy(xc_hbm.at[pl.ds(base + _C, _PW - _C)],
                            idxc_v.at[pl.ds(_C, _PW - _C)], sem1)
    cp1t.wait()
    cp1c.wait()
    inflight.append(start(1))

    lane = lax.iota(jnp.int32, 16)
    perms = [lane ^ jnp.int32(1 << p) for p in (3, 2, 1, 0)]

    for c in range(_NCHUNK):
        for cp in inflight[0]:
            cp.wait()
        inflight.pop(0)
        if c + 2 < _NCHUNK:
            inflight.append(start(c + 2))
        rt, rc = rows[c % _NBUF]

        def grp_body(g, carry, rt=rt, rc=rc, c=c):
            def tok_body(i, res, rt=rt, rc=rc):
                t = g * 16 + i
                s = rt[t, pl.ds(0, 16)] * rc[t, pl.ds(0, 16)]
                for k in range(1, _E // 16):
                    s = s + (rt[t, pl.ds(k * 16, 16)]
                             * rc[t, pl.ds(k * 16, 16)])
                for pv in perms:
                    s = s + s.at[pv].get(mode="promise_in_bounds")
                return jnp.where(lane == i, s, res)

            res = lax.fori_loop(0, 16, tok_body,
                                jnp.zeros((16,), jnp.float32), unroll=4)
            out_v[pl.ds(c * _C + g * 16, 16)] = res
            return carry

        lax.fori_loop(0, _C // 16, grp_body, 0)

    pltpu.sync_copy(out_v, out_hbm.at[pl.ds(base, _PW)])


@jax.jit
def _skipgram_sc(xt, xc, wt, wc):
    f = functools.partial(
        pl.kernel,
        out_type=jax.ShapeDtypeStruct((_B,), jnp.float32),
        mesh=plsc.VectorSubcoreMesh(core_axis_name="c", subcore_axis_name="s"),
        scratch_types=[
            pltpu.VMEM((_PW,), jnp.int32),
            pltpu.VMEM((_PW,), jnp.int32),
            pltpu.VMEM((_C, _E), jnp.float32),
            pltpu.VMEM((_C, _E), jnp.float32),
            pltpu.VMEM((_C, _E), jnp.float32),
            pltpu.VMEM((_C, _E), jnp.float32),
            pltpu.VMEM((_C, _E), jnp.float32),
            pltpu.VMEM((_C, _E), jnp.float32),
            pltpu.VMEM((_PW,), jnp.float32),
            pltpu.SemaphoreType.DMA,
            pltpu.SemaphoreType.DMA,
            pltpu.SemaphoreType.DMA,
        ],
    )(_sc_body)
    return f(xt, xc, wt, wc)


def kernel(X_target, X_context, W_target, W_context):
    xt = X_target.astype(jnp.int32)
    xc = X_context.astype(jnp.int32)
    return _skipgram_sc(xt, xc, W_target, W_context)

# --- scband reference (transcript-rebuilt; emitter-appended) ---
"""Pipeline reference for scband-skipgram-31920196944231 (READ-ONLY COPY).

The authoritative reference and input builder live on the scoring server;
editing this copy changes nothing except your own understanding.
"""

import jax, jax.numpy as jnp
import numpy as np

VOCAB = 100000
CTX_VOCAB = 100000
EMBED = 128
BATCH = 16384


def setup_inputs(seed: int = 0) -> dict:
    key = jax.random.key(seed)
    k1, k2, k3, k4 = jax.random.split(key, 4)
    X_target = jax.random.randint(k1, (BATCH,), 0, VOCAB, dtype=jnp.int64) if jax.config.jax_enable_x64 else jax.random.randint(k1, (BATCH,), 0, VOCAB, dtype=jnp.int32)
    X_context = jax.random.randint(k2, (BATCH,), 0, CTX_VOCAB, dtype=jnp.int32)
    W_target = jax.random.normal(k3, (VOCAB, EMBED), dtype=jnp.float32)
    W_context = jax.random.normal(k4, (CTX_VOCAB, EMBED), dtype=jnp.float32)
    return {
        "X_target": X_target,
        "X_context": X_context,
        "W_target": W_target,
        "W_context": W_context,
    }


def reference(X_target, X_context, W_target, W_context):
    # target_embedding lookup
    target_vecs = jnp.take(W_target, X_target, axis=0)   # [B, E]
    # context_embedding lookup
    context_vecs = jnp.take(W_context, X_context, axis=0)  # [B, E]
    # elementwise product + reduce over embedding dim
    batch_dot = jnp.sum(target_vecs * context_vecs, axis=1)  # [B]
    return batch_dot

if __name__ == "__main__":
    import jax
    _d = setup_inputs()
    print(jax.jit(kernel)(*tuple(_d.values())))

</pallas_src>

<mosaic_0001>
#map = affine_map<(d0, d1) -> (0)>
#map1 = affine_map<(d0, d1) -> (0, 0)>
module attributes {stable_mosaic.version = 14 : i64} {
  func.func @_sc_body(%arg0: i32, %arg1: i32, %arg2: memref<16384xi32, #tpu.memory_space<hbm>>, %arg3: memref<16384xi32, #tpu.memory_space<hbm>>, %arg4: memref<100000x128xf32, #tpu.memory_space<hbm>>, %arg5: memref<100000x128xf32, #tpu.memory_space<hbm>>, %arg6: memref<16384xf32, #tpu.memory_space<hbm>>, %arg7: memref<512xi32, #tpu.memory_space<vmem>>, %arg8: memref<512xi32, #tpu.memory_space<vmem>>, %arg9: memref<128x128xf32, #tpu.memory_space<vmem>>, %arg10: memref<128x128xf32, #tpu.memory_space<vmem>>, %arg11: memref<128x128xf32, #tpu.memory_space<vmem>>, %arg12: memref<128x128xf32, #tpu.memory_space<vmem>>, %arg13: memref<128x128xf32, #tpu.memory_space<vmem>>, %arg14: memref<128x128xf32, #tpu.memory_space<vmem>>, %arg15: memref<512xf32, #tpu.memory_space<vmem>>, %arg16: memref<!tpu.dma_semaphore, #tpu.memory_space<semaphore_mem>>, %arg17: memref<!tpu.dma_semaphore, #tpu.memory_space<semaphore_mem>>, %arg18: memref<!tpu.dma_semaphore, #tpu.memory_space<semaphore_mem>>) attributes {dimension_semantics = [#tpu.dimension_semantics<core_parallel>, #tpu.dimension_semantics<subcore_parallel>], iteration_bounds = array<i64: 2, 16>, scalar_prefetch = 0 : i64, scratch_operands = 12 : i64, tpu.core_type = #tpu.core_type<sc_vector_subcore>, window_params = [{transform_indices = #map}, {transform_indices = #map}, {transform_indices = #map1}, {transform_indices = #map1}, {transform_indices = #map}]} {
    %mul3A = arith.constant 2 : i32
    %mul3A_0 = arith.muli %arg1, %mul3A : i32
    %add3A = arith.addi %mul3A_0, %arg0 : i32
    %mul3A_1 = arith.constant 512 : i32
    %mul3A_2 = arith.muli %add3A, %mul3A_1 : i32
    %dma_start3A = arith.constant 0 : i32
    %dma_start3A_3 = tpu.memref_slice %arg7[%dma_start3A] : memref<512xi32, #tpu.memory_space<vmem>> -> memref<128xi32, #tpu.memory_space<vmem>>
    %dma_start3A_4 = tpu.memref_slice %arg2[%mul3A_2] : memref<16384xi32, #tpu.memory_space<hbm>> -> memref<128xi32, #tpu.memory_space<hbm>>
    %dma_start3A_5 = arith.constant 0 : i32
    %dma_start3A_6 = tpu.memref_slice %arg7[%dma_start3A_5] : memref<512xi32, #tpu.memory_space<vmem>> -> memref<128xi32, #tpu.memory_space<vmem>>
    %dma_start3A_7 = tpu.memref_slice %arg2[%mul3A_2] : memref<16384xi32, #tpu.memory_space<hbm>> -> memref<128xi32, #tpu.memory_space<hbm>>
    tpu.enqueue_dma source(%dma_start3A_7 : memref<128xi32, #tpu.memory_space<hbm>>) target(%dma_start3A_6 : memref<128xi32, #tpu.memory_space<vmem>>) target_semaphore(%arg16 : memref<!tpu.dma_semaphore, #tpu.memory_space<semaphore_mem>>)
    %dma_start3A_8 = arith.constant 0 : i32
    %dma_start3A_9 = tpu.memref_slice %arg8[%dma_start3A_8] : memref<512xi32, #tpu.memory_space<vmem>> -> memref<128xi32, #tpu.memory_space<vmem>>
    %dma_start3A_10 = tpu.memref_slice %arg3[%mul3A_2] : memref<16384xi32, #tpu.memory_space<hbm>> -> memref<128xi32, #tpu.memory_space<hbm>>
    %dma_start3A_11 = arith.constant 0 : i32
    %dma_start3A_12 = tpu.memref_slice %arg8[%dma_start3A_11] : memref<512xi32, #tpu.memory_space<vmem>> -> memref<128xi32, #tpu.memory_space<vmem>>
    %dma_start3A_13 = tpu.memref_slice %arg3[%mul3A_2] : memref<16384xi32, #tpu.memory_space<hbm>> -> memref<128xi32, #tpu.memory_space<hbm>>
    tpu.enqueue_dma source(%dma_start3A_13 : memref<128xi32, #tpu.memory_space<hbm>>) target(%dma_start3A_12 : memref<128xi32, #tpu.memory_space<vmem>>) target_semaphore(%arg16 : memref<!tpu.dma_semaphore, #tpu.memory_space<semaphore_mem>>)
    %dma_wait3A = arith.constant 0 : i32
    %dma_wait3A_14 = tpu.memref_slice %arg7[%dma_wait3A] : memref<512xi32, #tpu.memory_space<vmem>> -> memref<128xi32, #tpu.memory_space<vmem>>
    %dma_wait3A_15 = tpu.memref_slice %arg2[%mul3A_2] : memref<16384xi32, #tpu.memory_space<hbm>> -> memref<128xi32, #tpu.memory_space<hbm>>
    %dma_wait3A_16 = arith.constant 0 : i32
    %dma_wait3A_17 = tpu.memref_slice %arg7[%dma_wait3A_16] : memref<512xi32, #tpu.memory_space<vmem>> -> memref<128xi32, #tpu.memory_space<vmem>>
    %dma_wait3A_18 = tpu.memref_slice %arg2[%mul3A_2] : memref<16384xi32, #tpu.memory_space<hbm>> -> memref<128xi32, #tpu.memory_space<hbm>>
    tpu.wait_dma2 semaphore(%arg16 : memref<!tpu.dma_semaphore, #tpu.memory_space<semaphore_mem>>) src(%dma_wait3A_18 : memref<128xi32, #tpu.memory_space<hbm>>) dst(%dma_wait3A_17 : memref<128xi32, #tpu.memory_space<vmem>>)
    %dma_wait3A_19 = arith.constant 0 : i32
    %dma_wait3A_20 = tpu.memref_slice %arg8[%dma_wait3A_19] : memref<512xi32, #tpu.memory_space<vmem>> -> memref<128xi32, #tpu.memory_space<vmem>>
    %dma_wait3A_21 = tpu.memref_slice %arg3[%mul3A_2] : memref<16384xi32, #tpu.memory_space<hbm>> -> memref<128xi32, #tpu.memory_space<hbm>>
    %dma_wait3A_22 = arith.constant 0 : i32
    %dma_wait3A_23 = tpu.memref_slice %arg8[%dma_wait3A_22] : memref<512xi32, #tpu.memory_space<vmem>> -> memref<128xi32, #tpu.memory_space<vmem>>
    %dma_wait3A_24 = tpu.memref_slice %arg3[%mul3A_2] : memref<16384xi32, #tpu.memory_space<hbm>> -> memref<128xi32, #tpu.memory_space<hbm>>
    tpu.wait_dma2 semaphore(%arg16 : memref<!tpu.dma_semaphore, #tpu.memory_space<semaphore_mem>>) src(%dma_wait3A_24 : memref<128xi32, #tpu.memory_space<hbm>>) dst(%dma_wait3A_23 : memref<128xi32, #tpu.memory_space<vmem>>)
    %dma_start3A_25 = arith.constant 0 : i32
    %dma_start3A_26 = tpu.memref_slice %arg7[%dma_start3A_25] : memref<512xi32, #tpu.memory_space<vmem>> -> memref<128xi32, #tpu.memory_space<vmem>>
    %dma_start3A_27 = arith.constant 0 : i32
    %dma_start3A_28 = arith.constant 0 : i32
    %dma_start3A_29 = tpu.memref_slice %arg4[%dma_start3A_27, %dma_start3A_28] : memref<100000x128xf32, #tpu.memory_space<hbm>> -> memref<100000x128xf32, #tpu.memory_space<hbm>>
    tpu.enqueue_indirect_dma source(%dma_start3A_29 : memref<100000x128xf32, #tpu.memory_space<hbm>>) target(%arg9 : memref<128x128xf32, #tpu.memory_space<vmem>>) offsets(%dma_start3A_26 : memref<128xi32, #tpu.memory_space<vmem>>) semaphore(%arg16 : memref<!tpu.dma_semaphore, #tpu.memory_space<semaphore_mem>>)
    %dma_start3A_30 = arith.constant 0 : i32
    %dma_start3A_31 = tpu.memref_slice %arg8[%dma_start3A_30] : memref<512xi32, #tpu.memory_space<vmem>> -> memref<128xi32, #tpu.memory_space<vmem>>
    %dma_start3A_32 = arith.constant 0 : i32
    %dma_start3A_33 = arith.constant 0 : i32
    %dma_start3A_34 = tpu.memref_slice %arg5[%dma_start3A_32, %dma_start3A_33] : memref<100000x128xf32, #tpu.memory_space<hbm>> -> memref<100000x128xf32, #tpu.memory_space<hbm>>
    tpu.enqueue_indirect_dma source(%dma_start3A_34 : memref<100000x128xf32, #tpu.memory_space<hbm>>) target(%arg10 : memref<128x128xf32, #tpu.memory_space<vmem>>) offsets(%dma_start3A_31 : memref<128xi32, #tpu.memory_space<vmem>>) semaphore(%arg16 : memref<!tpu.dma_semaphore, #tpu.memory_space<semaphore_mem>>)
    %add3A_35 = arith.constant 128 : i32
    %add3A_36 = arith.addi %mul3A_2, %add3A_35 : i32
    %dma_start3A_37 = arith.constant 128 : i32
    %dma_start3A_38 = tpu.memref_slice %arg7[%dma_start3A_37] : memref<512xi32, #tpu.memory_space<vmem>> -> memref<384xi32, #tpu.memory_space<vmem>>
    %dma_start3A_39 = tpu.memref_slice %arg2[%add3A_36] : memref<16384xi32, #tpu.memory_space<hbm>> -> memref<384xi32, #tpu.memory_space<hbm>>
    %dma_start3A_40 = arith.constant 128 : i32
    %dma_start3A_41 = tpu.memref_slice %arg7[%dma_start3A_40] : memref<512xi32, #tpu.memory_space<vmem>> -> memref<384xi32, #tpu.memory_space<vmem>>
    %dma_start3A_42 = tpu.memref_slice %arg2[%add3A_36] : memref<16384xi32, #tpu.memory_space<hbm>> -> memref<384xi32, #tpu.memory_space<hbm>>
    tpu.enqueue_dma source(%dma_start3A_42 : memref<384xi32, #tpu.memory_space<hbm>>) target(%dma_start3A_41 : memref<384xi32, #tpu.memory_space<vmem>>) target_semaphore(%arg17 : memref<!tpu.dma_semaphore, #tpu.memory_space<semaphore_mem>>)
    %add3A_43 = arith.constant 128 : i32
    %add3A_44 = arith.addi %mul3A_2, %add3A_43 : i32
    %dma_start3A_45 = arith.constant 128 : i32
    %dma_start3A_46 = tpu.memref_slice %arg8[%dma_start3A_45] : memref<512xi32, #tpu.memory_space<vmem>> -> memref<384xi32, #tpu.memory_space<vmem>>
    %dma_start3A_47 = tpu.memref_slice %arg3[%add3A_44] : memref<16384xi32, #tpu.memory_space<hbm>> -> memref<384xi32, #tpu.memory_space<hbm>>
    %dma_start3A_48 = arith.constant 128 : i32
    %dma_start3A_49 = tpu.memref_slice %arg8[%dma_start3A_48] : memref<512xi32, #tpu.memory_space<vmem>> -> memref<384xi32, #tpu.memory_space<vmem>>
    %dma_start3A_50 = tpu.memref_slice %arg3[%add3A_44] : memref<16384xi32, #tpu.memory_space<hbm>> -> memref<384xi32, #tpu.memory_space<hbm>>
    tpu.enqueue_dma source(%dma_start3A_50 : memref<384xi32, #tpu.memory_space<hbm>>) target(%dma_start3A_49 : memref<384xi32, #tpu.memory_space<vmem>>) target_semaphore(%arg17 : memref<!tpu.dma_semaphore, #tpu.memory_space<semaphore_mem>>)
    %dma_wait3A_51 = arith.constant 128 : i32
    %dma_wait3A_52 = tpu.memref_slice %arg7[%dma_wait3A_51] : memref<512xi32, #tpu.memory_space<vmem>> -> memref<384xi32, #tpu.memory_space<vmem>>
    %dma_wait3A_53 = tpu.memref_slice %arg2[%add3A_36] : memref<16384xi32, #tpu.memory_space<hbm>> -> memref<384xi32, #tpu.memory_space<hbm>>
    %dma_wait3A_54 = arith.constant 128 : i32
    %dma_wait3A_55 = tpu.memref_slice %arg7[%dma_wait3A_54] : memref<512xi32, #tpu.memory_space<vmem>> -> memref<384xi32, #tpu.memory_space<vmem>>
    %dma_wait3A_56 = tpu.memref_slice %arg2[%add3A_36] : memref<16384xi32, #tpu.memory_space<hbm>> -> memref<384xi32, #tpu.memory_space<hbm>>
    tpu.wait_dma2 semaphore(%arg17 : memref<!tpu.dma_semaphore, #tpu.memory_space<semaphore_mem>>) src(%dma_wait3A_56 : memref<384xi32, #tpu.memory_space<hbm>>) dst(%dma_wait3A_55 : memref<384xi32, #tpu.memory_space<vmem>>)
    %dma_wait3A_57 = arith.constant 128 : i32
    %dma_wait3A_58 = tpu.memref_slice %arg8[%dma_wait3A_57] : memref<512xi32, #tpu.memory_space<vmem>> -> memref<384xi32, #tpu.memory_space<vmem>>
    %dma_wait3A_59 = tpu.memref_slice %arg3[%add3A_44] : memref<16384xi32, #tpu.memory_space<hbm>> -> memref<384xi32, #tpu.memory_space<hbm>>
    %dma_wait3A_60 = arith.constant 128 : i32
    %dma_wait3A_61 = tpu.memref_slice %arg8[%dma_wait3A_60] : memref<512xi32, #tpu.memory_space<vmem>> -> memref<384xi32, #tpu.memory_space<vmem>>
    %dma_wait3A_62 = tpu.memref_slice %arg3[%add3A_44] : memref<16384xi32, #tpu.memory_space<hbm>> -> memref<384xi32, #tpu.memory_space<hbm>>
    tpu.wait_dma2 semaphore(%arg17 : memref<!tpu.dma_semaphore, #tpu.memory_space<semaphore_mem>>) src(%dma_wait3A_62 : memref<384xi32, #tpu.memory_space<hbm>>) dst(%dma_wait3A_61 : memref<384xi32, #tpu.memory_space<vmem>>)
    %dma_start3A_63 = arith.constant 128 : i32
    %dma_start3A_64 = tpu.memref_slice %arg7[%dma_start3A_63] : memref<512xi32, #tpu.memory_space<vmem>> -> memref<128xi32, #tpu.memory_space<vmem>>
    %dma_start3A_65 = arith.constant 0 : i32
    %dma_start3A_66 = arith.constant 0 : i32
    %dma_start3A_67 = tpu.memref_slice %arg4[%dma_start3A_65, %dma_start3A_66] : memref<100000x128xf32, #tpu.memory_space<hbm>> -> memref<100000x128xf32, #tpu.memory_space<hbm>>
    tpu.enqueue_indirect_dma source(%dma_start3A_67 : memref<100000x128xf32, #tpu.memory_space<hbm>>) target(%arg11 : memref<128x128xf32, #tpu.memory_space<vmem>>) offsets(%dma_start3A_64 : memref<128xi32, #tpu.memory_space<vmem>>) semaphore(%arg17 : memref<!tpu.dma_semaphore, #tpu.memory_space<semaphore_mem>>)
    %dma_start3A_68 = arith.constant 128 : i32
    %dma_start3A_69 = tpu.memref_slice %arg8[%dma_start3A_68] : memref<512xi32, #tpu.memory_space<vmem>> -> memref<128xi32, #tpu.memory_space<vmem>>
    %dma_start3A_70 = arith.constant 0 : i32
    %dma_start3A_71 = arith.constant 0 : i32
    %dma_start3A_72 = tpu.memref_slice %arg5[%dma_start3A_70, %dma_start3A_71] : memref<100000x128xf32, #tpu.memory_space<hbm>> -> memref<100000x128xf32, #tpu.memory_space<hbm>>
    tpu.enqueue_indirect_dma source(%dma_start3A_72 : memref<100000x128xf32, #tpu.memory_space<hbm>>) target(%arg12 : memref<128x128xf32, #tpu.memory_space<vmem>>) offsets(%dma_start3A_69 : memref<128xi32, #tpu.memory_space<vmem>>) semaphore(%arg17 : memref<!tpu.dma_semaphore, #tpu.memory_space<semaphore_mem>>)
    %iota3A = tpu.iota {dimensions = array<i32: 0>} : vector<16xi32>
    %xor3A = arith.constant 8 : i32
    %xor3A_73 = vector.broadcast %xor3A : i32 to vector<16xi32>
    %xor3A_74 = arith.xori %iota3A, %xor3A_73 : vector<16xi32>
    %xor3A_75 = arith.constant 4 : i32
    %xor3A_76 = vector.broadcast %xor3A_75 : i32 to vector<16xi32>
    %xor3A_77 = arith.xori %iota3A, %xor3A_76 : vector<16xi32>
    %xor3A_78 = arith.constant 2 : i32
    %xor3A_79 = vector.broadcast %xor3A_78 : i32 to vector<16xi32>
    %xor3A_80 = arith.xori %iota3A, %xor3A_79 : vector<16xi32>
    %xor3A_81 = arith.constant 1 : i32
    %xor3A_82 = vector.broadcast %xor3A_81 : i32 to vector<16xi32>
    %xor3A_83 = arith.xori %iota3A, %xor3A_82 : vector<16xi32>
    %dma_wait3A_84 = arith.constant 0 : i32
    %dma_wait3A_85 = tpu.memref_slice %arg7[%dma_wait3A_84] : memref<512xi32, #tpu.memory_space<vmem>> -> memref<128xi32, #tpu.memory_space<vmem>>
    %dma_wait3A_86 = arith.constant 0 : i32
    %dma_wait3A_87 = arith.constant 0 : i32
    %dma_wait3A_88 = tpu.memref_slice %arg4[%dma_wait3A_86, %dma_wait3A_87] : memref<100000x128xf32, #tpu.memory_space<hbm>> -> memref<100000x128xf32, #tpu.memory_space<hbm>>
    tpu.wait_indirect_dma semaphore(%arg16 : memref<!tpu.dma_semaphore, #tpu.memory_space<semaphore_mem>>) src(%dma_wait3A_88 : memref<100000x128xf32, #tpu.memory_space<hbm>>) dst(%arg9 : memref<128x128xf32, #tpu.memory_space<vmem>>)
    %dma_wait3A_89 = arith.constant 0 : i32
    %dma_wait3A_90 = tpu.memref_slice %arg8[%dma_wait3A_89] : memref<512xi32, #tpu.memory_space<vmem>> -> memref<128xi32, #tpu.memory_space<vmem>>
    %dma_wait3A_91 = arith.constant 0 : i32
    %dma_wait3A_92 = arith.constant 0 : i32
    %dma_wait3A_93 = tpu.memref_slice %arg5[%dma_wait3A_91, %dma_wait3A_92] : memref<100000x128xf32, #tpu.memory_space<hbm>> -> memref<100000x128xf32, #tpu.memory_space<hbm>>
    tpu.wait_indirect_dma semaphore(%arg16 : memref<!tpu.dma_semaphore, #tpu.memory_space<semaphore_mem>>) src(%dma_wait3A_93 : memref<100000x128xf32, #tpu.memory_space<hbm>>) dst(%arg10 : memref<128x128xf32, #tpu.memory_space<vmem>>)
    %dma_start3A_94 = arith.constant 256 : i32
    %dma_start3A_95 = tpu.memref_slice %arg7[%dma_start3A_94] : memref<512xi32, #tpu.memory_space<vmem>> -> memref<128xi32, #tpu.memory_space<vmem>>
    %dma_start3A_96 = arith.constant 0 : i32
    %dma_start3A_97 = arith.constant 0 : i32
    %dma_start3A_98 = tpu.memref_slice %arg4[%dma_start3A_96, %dma_start3A_97] : memref<100000x128xf32, #tpu.memory_space<hbm>> -> memref<100000x128xf32, #tpu.memory_space<hbm>>
    tpu.enqueue_indirect_dma source(%dma_start3A_98 : memref<100000x128xf32, #tpu.memory_space<hbm>>) target(%arg13 : memref<128x128xf32, #tpu.memory_space<vmem>>) offsets(%dma_start3A_95 : memref<128xi32, #tpu.memory_space<vmem>>) semaphore(%arg18 : memref<!tpu.dma_semaphore, #tpu.memory_space<semaphore_mem>>)
    %dma_start3A_99 = arith.constant 256 : i32
    %dma_start3A_100 = tpu.memref_slice %arg8[%dma_start3A_99] : memref<512xi32, #tpu.memory_space<vmem>> -> memref<128xi32, #tpu.memory_space<vmem>>
    %dma_start3A_101 = arith.constant 0 : i32
    %dma_start3A_102 = arith.constant 0 : i32
    %dma_start3A_103 = tpu.memref_slice %arg5[%dma_start3A_101, %dma_start3A_102] : memref<100000x128xf32, #tpu.memory_space<hbm>> -> memref<100000x128xf32, #tpu.memory_space<hbm>>
    tpu.enqueue_indirect_dma source(%dma_start3A_103 : memref<100000x128xf32, #tpu.memory_space<hbm>>) target(%arg14 : memref<128x128xf32, #tpu.memory_space<vmem>>) offsets(%dma_start3A_100 : memref<128xi32, #tpu.memory_space<vmem>>) semaphore(%arg18 : memref<!tpu.dma_semaphore, #tpu.memory_space<semaphore_mem>>)
    %scan3A = arith.constant 0 : i32
    %scan3A_104 = arith.constant 0 : i32
    %scan3A_105 = arith.constant 8 : i32
    %scan3A_106 = arith.addi %scan3A_104, %scan3A_105 : i32
    %scan3A_107 = arith.constant 1 : i32
    scf.for %scan3A_167 = %scan3A_104 to %scan3A_106 step %scan3A_107  : i32 {
      %broadcast_in_dim3A = arith.constant 0.000000e+00 : f32
      %broadcast_in_dim3A_168 = vector.broadcast %broadcast_in_dim3A : f32 to vector<16xf32>
      %scan3A_169 = arith.constant 0 : i32
      %scan3A_170 = arith.constant 16 : i32
      %scan3A_171 = arith.addi %scan3A_169, %scan3A_170 : i32
      %scan3A_172 = arith.constant 4 : i32
      %scan3A_173 = scf.for %scan3A_182 = %scan3A_169 to %scan3A_171 step %scan3A_172 iter_args(%scan3A_183 = %broadcast_in_dim3A_168) -> (vector<16xf32>)  : i32 {
        %mul3A_184 = arith.constant 16 : i32
        %mul3A_185 = arith.muli %scan3A_167, %mul3A_184 : i32
        %add3A_186 = arith.addi %mul3A_185, %scan3A_182 : i32
        %get3A = arith.index_cast %add3A_186 : i32 to index
        %get3A_187 = arith.constant 0 : index
        %get3A_188 = tpu.vector_load %arg9[%get3A, %get3A_187] {strides = array<i32>} : memref<128x128xf32, #tpu.memory_space<vmem>>, vector<1x16xf32>,
        %get3A_189 = vector.shape_cast %get3A_188 : vector<1x16xf32> to vector<16xf32>
        %get3A_190 = arith.index_cast %add3A_186 : i32 to index
        %get3A_191 = arith.constant 0 : index
        %get3A_192 = tpu.vector_load %arg10[%get3A_190, %get3A_191] {strides = array<i32>} : memref<128x128xf32, #tpu.memory_space<vmem>>, vector<1x16xf32>,
        %get3A_193 = vector.shape_cast %get3A_192 : vector<1x16xf32> to vector<16xf32>
        %mul3A_194 = arith.mulf %get3A_189, %get3A_193 : vector<16xf32>
        %get3A_195 = arith.index_cast %add3A_186 : i32 to index
        %get3A_196 = arith.constant 16 : index
        %get3A_197 = tpu.vector_load %arg9[%get3A_195, %get3A_196] {strides = array<i32>} : memref<128x128xf32, #tpu.memory_space<vmem>>, vector<1x16xf32>,
        %get3A_198 = vector.shape_cast %get3A_197 : vector<1x16xf32> to vector<16xf32>
        %get3A_199 = arith.index_cast %add3A_186 : i32 to index
        %get3A_200 = arith.constant 16 : index
        %get3A_201 = tpu.vector_load %arg10[%get3A_199, %get3A_200] {strides = array<i32>} : memref<128x128xf32, #tpu.memory_space<vmem>>, vector<1x16xf32>,
        %get3A_202 = vector.shape_cast %get3A_201 : vector<1x16xf32> to vector<16xf32>
        %mul3A_203 = arith.mulf %get3A_198, %get3A_202 : vector<16xf32>
        %add3A_204 = arith.addf %mul3A_194, %mul3A_203 : vector<16xf32>
        %get3A_205 = arith.index_cast %add3A_186 : i32 to index
        %get3A_206 = arith.constant 32 : index
        %get3A_207 = tpu.vector_load %arg9[%get3A_205, %get3A_206] {strides = array<i32>} : memref<128x128xf32, #tpu.memory_space<vmem>>, vector<1x16xf32>,
        %get3A_208 = vector.shape_cast %get3A_207 : vector<1x16xf32> to vector<16xf32>
        %get3A_209 = arith.index_cast %add3A_186 : i32 to index
        %get3A_210 = arith.constant 32 : index
        %get3A_211 = tpu.vector_load %arg10[%get3A_209, %get3A_210] {strides = array<i32>} : memref<128x128xf32, #tpu.memory_space<vmem>>, vector<1x16xf32>,
        %get3A_212 = vector.shape_cast %get3A_211 : vector<1x16xf32> to vector<16xf32>
        %mul3A_213 = arith.mulf %get3A_208, %get3A_212 : vector<16xf32>
        %add3A_214 = arith.addf %add3A_204, %mul3A_213 : vector<16xf32>
        %get3A_215 = arith.index_cast %add3A_186 : i32 to index
        %get3A_216 = arith.constant 48 : index
        %get3A_217 = tpu.vector_load %arg9[%get3A_215, %get3A_216] {strides = array<i32>} : memref<128x128xf32, #tpu.memory_space<vmem>>, vector<1x16xf32>,
        %get3A_218 = vector.shape_cast %get3A_217 : vector<1x16xf32> to vector<16xf32>
        %get3A_219 = arith.index_cast %add3A_186 : i32 to index
        %get3A_220 = arith.constant 48 : index
        %get3A_221 = tpu.vector_load %arg10[%get3A_219, %get3A_220] {strides = array<i32>} : memref<128x128xf32, #tpu.memory_space<vmem>>, vector<1x16xf32>,
        %get3A_222 = vector.shape_cast %get3A_221 : vector<1x16xf32> to vector<16xf32>
        %mul3A_223 = arith.mulf %get3A_218, %get3A_222 : vector<16xf32>
        %add3A_224 = arith.addf %add3A_214, %mul3A_223 : vector<16xf32>
        %get3A_225 = arith.index_cast %add3A_186 : i32 to index
        %get3A_226 = arith.constant 64 : index
        %get3A_227 = tpu.vector_load %arg9[%get3A_225, %get3A_226] {strides = array<i32>} : memref<128x128xf32, #tpu.memory_space<vmem>>, vector<1x16xf32>,
        %get3A_228 = vector.shape_cast %get3A_227 : vector<1x16xf32> to vector<16xf32>
        %get3A_229 = arith.index_cast %add3A_186 : i32 to index
        %get3A_230 = arith.constant 64 : index
        %get3A_231 = tpu.vector_load %arg10[%get3A_229, %get3A_230] {strides = array<i32>} : memref<128x128xf32, #tpu.memory_space<vmem>>, vector<1x16xf32>,
        %get3A_232 = vector.shape_cast %get3A_231 : vector<1x16xf32> to vector<16xf32>
        %mul3A_233 = arith.mulf %get3A_228, %get3A_232 : vector<16xf32>
        %add3A_234 = arith.addf %add3A_224, %mul3A_233 : vector<16xf32>
        %get3A_235 = arith.index_cast %add3A_186 : i32 to index
        %get3A_236 = arith.constant 80 : index
        %get3A_237 = tpu.vector_load %arg9[%get3A_235, %get3A_236] {strides = array<i32>} : memref<128x128xf32, #tpu.memory_space<vmem>>, vector<1x16xf32>,
        %get3A_238 = vector.shape_cast %get3A_237 : vector<1x16xf32> to vector<16xf32>
        %get3A_239 = arith.index_cast %add3A_186 : i32 to index
        %get3A_240 = arith.constant 80 : index
        %get3A_241 = tpu.vector_load %arg10[%get3A_239, %get3A_240] {strides = array<i32>} : memref<128x128xf32, #tpu.memory_space<vmem>>, vector<1x16xf32>,
        %get3A_242 = vector.shape_cast %get3A_241 : vector<1x16xf32> to vector<16xf32>
        %mul3A_243 = arith.mulf %get3A_238, %get3A_242 : vector<16xf32>
        %add3A_244 = arith.addf %add3A_234, %mul3A_243 : vector<16xf32>
        %get3A_245 = arith.index_cast %add3A_186 : i32 to index
        %get3A_246 = arith.constant 96 : index
        %get3A_247 = tpu.vector_load %arg9[%get3A_245, %get3A_246] {strides = array<i32>} : memref<128x128xf32, #tpu.memory_space<vmem>>, vector<1x16xf32>,
        %get3A_248 = vector.shape_cast %get3A_247 : vector<1x16xf32> to vector<16xf32>
        %get3A_249 = arith.index_cast %add3A_186 : i32 to index
        %get3A_250 = arith.constant 96 : index
        %get3A_251 = tpu.vector_load %arg10[%get3A_249, %get3A_250] {strides = array<i32>} : memref<128x128xf32, #tpu.memory_space<vmem>>, vector<1x16xf32>,
        %get3A_252 = vector.shape_cast %get3A_251 : vector<1x16xf32> to vector<16xf32>
        %mul3A_253 = arith.mulf %get3A_248, %get3A_252 : vector<16xf32>
        %add3A_254 = arith.addf %add3A_244, %mul3A_253 : vector<16xf32>
        %get3A_255 = arith.index_cast %add3A_186 : i32 to index
        %get3A_256 = arith.constant 112 : index
        %get3A_257 = tpu.vector_load %arg9[%get3A_255, %get3A_256] {strides = array<i32>} : memref<128x128xf32, #tpu.memory_space<vmem>>, vector<1x16xf32>,
        %get3A_258 = vector.shape_cast %get3A_257 : vector<1x16xf32> to vector<16xf32>
        %get3A_259 = arith.index_cast %add3A_186 : i32 to index
        %get3A_260 = arith.constant 112 : index
        %get3A_261 = tpu.vector_load %arg10[%get3A_259, %get3A_260] {strides = array<i32>} : memref<128x128xf32, #tpu.memory_space<vmem>>, vector<1x16xf32>,
        %get3A_262 = vector.shape_cast %get3A_261 : vector<1x16xf32> to vector<16xf32>
        %mul3A_263 = arith.mulf %get3A_258, %get3A_262 : vector<16xf32>
        %add3A_264 = arith.addf %add3A_254, %mul3A_263 : vector<16xf32>
        %lt3A = arith.constant 0 : i32
        %lt3A_265 = vector.broadcast %lt3A : i32 to vector<16xi32>
        %lt3A_266 = arith.cmpi slt, %xor3A_74, %lt3A_265 : vector<16xi32>
        %add3A_267 = arith.constant 16 : i32
        %add3A_268 = vector.broadcast %add3A_267 : i32 to vector<16xi32>
        %add3A_269 = arith.addi %xor3A_74, %add3A_268 : vector<16xi32>
        %select_n3A = arith.select %lt3A_266, %add3A_269, %xor3A_74 : vector<16xi1>, vector<16xi32>
        %broadcast_in_dim3A_270 = vector.shape_cast %select_n3A : vector<16xi32> to vector<16x1xi32>
        %gather3A = vector.shape_cast %broadcast_in_dim3A_270 : vector<16x1xi32> to vector<16xi32>
        %gather3A_271 = tpu.dynamic_gather %add3A_264[%gather3A] in [0] : vector<16xf32>, vector<16xi32> -> vector<16xf32>
        %add3A_272 = arith.addf %add3A_264, %gather3A_271 : vector<16xf32>
        %lt3A_273 = arith.constant 0 : i32
        %lt3A_274 = vector.broadcast %lt3A_273 : i32 to vector<16xi32>
        %lt3A_275 = arith.cmpi slt, %xor3A_77, %lt3A_274 : vector<16xi32>
        %add3A_276 = arith.constant 16 : i32
        %add3A_277 = vector.broadcast %add3A_276 : i32 to vector<16xi32>
        %add3A_278 = arith.addi %xor3A_77, %add3A_277 : vector<16xi32>
        %select_n3A_279 = arith.select %lt3A_275, %add3A_278, %xor3A_77 : vector<16xi1>, vector<16xi32>
        %broadcast_in_dim3A_280 = vector.shape_cast %select_n3A_279 : vector<16xi32> to vector<16x1xi32>
        %gather3A_281 = vector.shape_cast %broadcast_in_dim3A_280 : vector<16x1xi32> to vector<16xi32>
        %gather3A_282 = tpu.dynamic_gather %add3A_272[%gather3A_281] in [0] : vector<16xf32>, vector<16xi32> -> vector<16xf32>
        %add3A_283 = arith.addf %add3A_272, %gather3A_282 : vector<16xf32>
        %lt3A_284 = arith.constant 0 : i32
        %lt3A_285 = vector.broadcast %lt3A_284 : i32 to vector<16xi32>
        %lt3A_286 = arith.cmpi slt, %xor3A_80, %lt3A_285 : vector<16xi32>
        %add3A_287 = arith.constant 16 : i32
        %add3A_288 = vector.broadcast %add3A_287 : i32 to vector<16xi32>
        %add3A_289 = arith.addi %xor3A_80, %add3A_288 : vector<16xi32>
        %select_n3A_290 = arith.select %lt3A_286, %add3A_289, %xor3A_80 : vector<16xi1>, vector<16xi32>
        %broadcast_in_dim3A_291 = vector.shape_cast %select_n3A_290 : vector<16xi32> to vector<16x1xi32>
        %gather3A_292 = vector.shape_cast %broadcast_in_dim3A_291 : vector<16x1xi32> to vector<16xi32>
        %gather3A_293 = tpu.dynamic_gather %add3A_283[%gather3A_292] in [0] : vector<16xf32>, vector<16xi32> -> vector<16xf32>
        %add3A_294 = arith.addf %add3A_283, %gather3A_293 : vector<16xf32>
        %lt3A_295 = arith.constant 0 : i32
        %lt3A_296 = vector.broadcast %lt3A_295 : i32 to vector<16xi32>
        %lt3A_297 = arith.cmpi slt, %xor3A_83, %lt3A_296 : vector<16xi32>
        %add3A_298 = arith.constant 16 : i32
        %add3A_299 = vector.broadcast %add3A_298 : i32 to vector<16xi32>
        %add3A_300 = arith.addi %xor3A_83, %add3A_299 : vector<16xi32>
        %select_n3A_301 = arith.select %lt3A_297, %add3A_300, %xor3A_83 : vector<16xi1>, vector<16xi32>
        %broadcast_in_dim3A_302 = vector.shape_cast %select_n3A_301 : vector<16xi32> to vector<16x1xi32>
        %gather3A_303 = vector.shape_cast %broadcast_in_dim3A_302 : vector<16x1xi32> to vector<16xi32>
        %gather3A_304 = tpu.dynamic_gather %add3A_294[%gather3A_303] in [0] : vector<16xf32>, vector<16xi32> -> vector<16xf32>
        %add3A_305 = arith.addf %add3A_294, %gather3A_304 : vector<16xf32>
        %eq3A = vector.broadcast %scan3A_182 : i32 to vector<16xi32>
        %eq3A_306 = arith.cmpi eq, %iota3A, %eq3A : vector<16xi32>
        %select_n3A_307 = arith.select %eq3A_306, %add3A_305, %scan3A_183 : vector<16xi1>, vector<16xf32>
        %scan3A_308 = arith.constant 1 : i32
        %scan3A_309 = arith.addi %scan3A_182, %scan3A_308 : i32
        %mul3A_310 = arith.constant 16 : i32
        %mul3A_311 = arith.muli %scan3A_167, %mul3A_310 : i32
        %add3A_312 = arith.addi %mul3A_311, %scan3A_309 : i32
        %get3A_313 = arith.index_cast %add3A_312 : i32 to index
        %get3A_314 = arith.constant 0 : index
        %get3A_315 = tpu.vector_load %arg9[%get3A_313, %get3A_314] {strides = array<i32>} : memref<128x128xf32, #tpu.memory_space<vmem>>, vector<1x16xf32>,
        %get3A_316 = vector.shape_cast %get3A_315 : vector<1x16xf32> to vector<16xf32>
        %get3A_317 = arith.index_cast %add3A_312 : i32 to index
        %get3A_318 = arith.constant 0 : index
        %get3A_319 = tpu.vector_load %arg10[%get3A_317, %get3A_318] {strides = array<i32>} : memref<128x128xf32, #tpu.memory_space<vmem>>, vector<1x16xf32>,
        %get3A_320 = vector.shape_cast %get3A_319 : vector<1x16xf32> to vector<16xf32>
        %mul3A_321 = arith.mulf %get3A_316, %get3A_320 : vector<16xf32>
        %get3A_322 = arith.index_cast %add3A_312 : i32 to index
        %get3A_323 = arith.constant 16 : index
        %get3A_324 = tpu.vector_load %arg9[%get3A_322, %get3A_323] {strides = array<i32>} : memref<128x128xf32, #tpu.memory_space<vmem>>, vector<1x16xf32>,
        %get3A_325 = vector.shape_cast %get3A_324 : vector<1x16xf32> to vector<16xf32>
        %get3A_326 = arith.index_cast %add3A_312 : i32 to index
        %get3A_327 = arith.constant 16 : index
        %get3A_328 = tpu.vector_load %arg10[%get3A_326, %get3A_327] {strides = array<i32>} : memref<128x128xf32, #tpu.memory_space<vmem>>, vector<1x16xf32>,
        %get3A_329 = vector.shape_cast %get3A_328 : vector<1x16xf32> to vector<16xf32>
        %mul3A_330 = arith.mulf %get3A_325, %get3A_329 : vector<16xf32>
        %add3A_331 = arith.addf %mul3A_321, %mul3A_330 : vector<16xf32>
        %get3A_332 = arith.index_cast %add3A_312 : i32 to index
        %get3A_333 = arith.constant 32 : index
        %get3A_334 = tpu.vector_load %arg9[%get3A_332, %get3A_333] {strides = array<i32>} : memref<128x128xf32, #tpu.memory_space<vmem>>, vector<1x16xf32>,
        %get3A_335 = vector.shape_cast %get3A_334 : vector<1x16xf32> to vector<16xf32>
        %get3A_336 = arith.index_cast %add3A_312 : i32 to index
        %get3A_337 = arith.constant 32 : index
        %get3A_338 = tpu.vector_load %arg10[%get3A_336, %get3A_337] {strides = array<i32>} : memref<128x128xf32, #tpu.memory_space<vmem>>, vector<1x16xf32>,
        %get3A_339 = vector.shape_cast %get3A_338 : vector<1x16xf32> to vector<16xf32>
        %mul3A_340 = arith.mulf %get3A_335, %get3A_339 : vector<16xf32>
        %add3A_341 = arith.addf %add3A_331, %mul3A_340 : vector<16xf32>
        %get3A_342 = arith.index_cast %add3A_312 : i32 to index
        %get3A_343 = arith.constant 48 : index
        %get3A_344 = tpu.vector_load %arg9[%get3A_342, %get3A_343] {strides = array<i32>} : memref<128x128xf32, #tpu.memory_space<vmem>>, vector<1x16xf32>,
        %get3A_345 = vector.shape_cast %get3A_344 : vector<1x16xf32> to vector<16xf32>
        %get3A_346 = arith.index_cast %add3A_312 : i32 to index
        %get3A_347 = arith.constant 48 : index
        %get3A_348 = tpu.vector_load %arg10[%get3A_346, %get3A_347] {strides = array<i32>} : memref<128x128xf32, #tpu.memory_space<vmem>>, vector<1x16xf32>,
        %get3A_349 = vector.shape_cast %get3A_348 : vector<1x16xf32> to vector<16xf32>
        %mul3A_350 = arith.mulf %get3A_345, %get3A_349 : vector<16xf32>
        %add3A_351 = arith.addf %add3A_341, %mul3A_350 : vector<16xf32>
        %get3A_352 = arith.index_cast %add3A_312 : i32 to index
        %get3A_353 = arith.constant 64 : index
        %get3A_354 = tpu.vector_load %arg9[%get3A_352, %get3A_353] {strides = array<i32>} : memref<128x128xf32, #tpu.memory_space<vmem>>, vector<1x16xf32>,
        %get3A_355 = vector.shape_cast %get3A_354 : vector<1x16xf32> to vector<16xf32>
        %get3A_356 = arith.index_cast %add3A_312 : i32 to index
        %get3A_357 = arith.constant 64 : index
        %get3A_358 = tpu.vector_load %arg10[%get3A_356, %get3A_357] {strides = array<i32>} : memref<128x128xf32, #tpu.memory_space<vmem>>, vector<1x16xf32>,
        %get3A_359 = vector.shape_cast %get3A_358 : vector<1x16xf32> to vector<16xf32>
        %mul3A_360 = arith.mulf %get3A_355, %get3A_359 : vector<16xf32>
        %add3A_361 = arith.addf %add3A_351, %mul3A_360 : vector<16xf32>
        %get3A_362 = arith.index_cast %add3A_312 : i32 to index
        %get3A_363 = arith.constant 80 : index
        %get3A_364 = tpu.vector_load %arg9[%get3A_362, %get3A_363] {strides = array<i32>} : memref<128x128xf32, #tpu.memory_space<vmem>>, vector<1x16xf32>,
        %get3A_365 = vector.shape_cast %get3A_364 : vector<1x16xf32> to vector<16xf32>
        %get3A_366 = arith.index_cast %add3A_312 : i32 to index
        %get3A_367 = arith.constant 80 : index
        %get3A_368 = tpu.vector_load %arg10[%get3A_366, %get3A_367] {strides = array<i32>} : memref<128x128xf32, #tpu.memory_space<vmem>>, vector<1x16xf32>,
        %get3A_369 = vector.shape_cast %get3A_368 : vector<1x16xf32> to vector<16xf32>
        %mul3A_370 = arith.mulf %get3A_365, %get3A_369 : vector<16xf32>
        %add3A_371 = arith.addf %add3A_361, %mul3A_370 : vector<16xf32>
        %get3A_372 = arith.index_cast %add3A_312 : i32 to index
        %get3A_373 = arith.constant 96 : index
        %get3A_374 = tpu.vector_load %arg9[%get3A_372, %get3A_373] {strides = array<i32>} : memref<128x128xf32, #tpu.memory_space<vmem>>, vector<1x16xf32>,
        %get3A_375 = vector.shape_cast %get3A_374 : vector<1x16xf32> to vector<16xf32>
        %get3A_376 = arith.index_cast %add3A_312 : i32 to index
        %get3A_377 = arith.constant 96 : index
        %get3A_378 = tpu.vector_load %arg10[%get3A_376, %get3A_377] {strides = array<i32>} : memref<128x128xf32, #tpu.memory_space<vmem>>, vector<1x16xf32>,
        %get3A_379 = vector.shape_cast %get3A_378 : vector<1x16xf32> to vector<16xf32>
        %mul3A_380 = arith.mulf %get3A_375, %get3A_379 : vector<16xf32>
        %add3A_381 = arith.addf %add3A_371, %mul3A_380 : vector<16xf32>
        %get3A_382 = arith.index_cast %add3A_312 : i32 to index
        %get3A_383 = arith.constant 112 : index
        %get3A_384 = tpu.vector_load %arg9[%get3A_382, %get3A_383] {strides = array<i32>} : memref<128x128xf32, #tpu.memory_space<vmem>>, vector<1x16xf32>,
        %get3A_385 = vector.shape_cast %get3A_384 : vector<1x16xf32> to vector<16xf32>
        %get3A_386 = arith.index_cast %add3A_312 : i32 to index
        %get3A_387 = arith.constant 112 : index
        %get3A_388 = tpu.vector_load %arg10[%get3A_386, %get3A_387] {strides = array<i32>} : memref<128x128xf32, #tpu.memory_space<vmem>>, vector<1x16xf32>,
        %get3A_389 = vector.shape_cast %get3A_388 : vector<1x16xf32> to vector<16xf32>
        %mul3A_390 = arith.mulf %get3A_385, %get3A_389 : vector<16xf32>
        %add3A_391 = arith.addf %add3A_381, %mul3A_390 : vector<16xf32>
        %lt3A_392 = arith.constant 0 : i32
        %lt3A_393 = vector.broadcast %lt3A_392 : i32 to vector<16xi32>
        %lt3A_394 = arith.cmpi slt, %xor3A_74, %lt3A_393 : vector<16xi32>
        %add3A_395 = arith.constant 16 : i32
        %add3A_396 = vector.broadcast %add3A_395 : i32 to vector<16xi32>
        %add3A_397 = arith.addi %xor3A_74, %add3A_396 : vector<16xi32>
        %select_n3A_398 = arith.select %lt3A_394, %add3A_397, %xor3A_74 : vector<16xi1>, vector<16xi32>
        %broadcast_in_dim3A_399 = vector.shape_cast %select_n3A_398 : vector<16xi32> to vector<16x1xi32>
        %gather3A_400 = vector.shape_cast %broadcast_in_dim3A_399 : vector<16x1xi32> to vector<16xi32>
        %gather3A_401 = tpu.dynamic_gather %add3A_391[%gather3A_400] in [0] : vector<16xf32>, vector<16xi32> -> vector<16xf32>
        %add3A_402 = arith.addf %add3A_391, %gather3A_401 : vector<16xf32>
        %lt3A_403 = arith.constant 0 : i32
        %lt3A_404 = vector.broadcast %lt3A_403 : i32 to vector<16xi32>
        %lt3A_405 = arith.cmpi slt, %xor3A_77, %lt3A_404 : vector<16xi32>
        %add3A_406 = arith.constant 16 : i32
        %add3A_407 = vector.broadcast %add3A_406 : i32 to vector<16xi32>
        %add3A_408 = arith.addi %xor3A_77, %add3A_407 : vector<16xi32>
        %select_n3A_409 = arith.select %lt3A_405, %add3A_408, %xor3A_77 : vector<16xi1>, vector<16xi32>
        %broadcast_in_dim3A_410 = vector.shape_cast %select_n3A_409 : vector<16xi32> to vector<16x1xi32>
        %gather3A_411 = vector.shape_cast %broadcast_in_dim3A_410 : vector<16x1xi32> to vector<16xi32>
        %gather3A_412 = tpu.dynamic_gather %add3A_402[%gather3A_411] in [0] : vector<16xf32>, vector<16xi32> -> vector<16xf32>
        %add3A_413 = arith.addf %add3A_402, %gather3A_412 : vector<16xf32>
        %lt3A_414 = arith.constant 0 : i32
        %lt3A_415 = vector.broadcast %lt3A_414 : i32 to vector<16xi32>
        %lt3A_416 = arith.cmpi slt, %xor3A_80, %lt3A_415 : vector<16xi32>
        %add3A_417 = arith.constant 16 : i32
        %add3A_418 = vector.broadcast %add3A_417 : i32 to vector<16xi32>
        %add3A_419 = arith.addi %xor3A_80, %add3A_418 : vector<16xi32>
        %select_n3A_420 = arith.select %lt3A_416, %add3A_419, %xor3A_80 : vector<16xi1>, vector<16xi32>
        %broadcast_in_dim3A_421 = vector.shape_cast %select_n3A_420 : vector<16xi32> to vector<16x1xi32>
        %gather3A_422 = vector.shape_cast %broadcast_in_dim3A_421 : vector<16x1xi32> to vector<16xi32>
        %gather3A_423 = tpu.dynamic_gather %add3A_413[%gather3A_422] in [0] : vector<16xf32>, vector<16xi32> -> vector<16xf32>
        %add3A_424 = arith.addf %add3A_413, %gather3A_423 : vector<16xf32>
        %lt3A_425 = arith.constant 0 : i32
        %lt3A_426 = vector.broadcast %lt3A_425 : i32 to vector<16xi32>
        %lt3A_427 = arith.cmpi slt, %xor3A_83, %lt3A_426 : vector<16xi32>
        %add3A_428 = arith.constant 16 : i32
        %add3A_429 = vector.broadcast %add3A_428 : i32 to vector<16xi32>
        %add3A_430 = arith.addi %xor3A_83, %add3A_429 : vector<16xi32>
        %select_n3A_431 = arith.select %lt3A_427, %add3A_430, %xor3A_83 : vector<16xi1>, vector<16xi32>
        %broadcast_in_dim3A_432 = vector.shape_cast %select_n3A_431 : vector<16xi32> to vector<16x1xi32>
        %gather3A_433 = vector.shape_cast %broadcast_in_dim3A_432 : vector<16x1xi32> to vector<16xi32>
        %gather3A_434 = tpu.dynamic_gather %add3A_424[%gather3A_433] in [0] : vector<16xf32>, vector<16xi32> -> vector<16xf32>
        %add3A_435 = arith.addf %add3A_424, %gather3A_434 : vector<16xf32>
        %eq3A_436 = vector.broadcast %scan3A_309 : i32 to vector<16xi32>
        %eq3A_437 = arith.cmpi eq, %iota3A, %eq3A_436 : vector<16xi32>
        %select_n3A_438 = arith.select %eq3A_437, %add3A_435, %select_n3A_307 : vector<16xi1>, vector<16xf32>
        %scan3A_439 = arith.constant 2 : i32
        %scan3A_440 = arith.addi %scan3A_182, %scan3A_439 : i32
        %mul3A_441 = arith.constant 16 : i32
        %mul3A_442 = arith.muli %scan3A_167, %mul3A_441 : i32
        %add3A_443 = arith.addi %mul3A_442, %scan3A_440 : i32
        %get3A_444 = arith.index_cast %add3A_443 : i32 to index
        %get3A_445 = arith.constant 0 : index
        %get3A_446 = tpu.vector_load %arg9[%get3A_444, %get3A_445] {strides = array<i32>} : memref<128x128xf32, #tpu.memory_space<vmem>>, vector<1x16xf32>,
        %get3A_447 = vector.shape_cast %get3A_446 : vector<1x16xf32> to vector<16xf32>
        %get3A_448 = arith.index_cast %add3A_443 : i32 to index
        %get3A_449 = arith.constant 0 : index
        %get3A_450 = tpu.vector_load %arg10[%get3A_448, %get3A_449] {strides = array<i32>} : memref<128x128xf32, #tpu.memory_space<vmem>>, vector<1x16xf32>,
        %get3A_451 = vector.shape_cast %get3A_450 : vector<1x16xf32> to vector<16xf32>
        %mul3A_452 = arith.mulf %get3A_447, %get3A_451 : vector<16xf32>
        %get3A_453 = arith.index_cast %add3A_443 : i32 to index
        %get3A_454 = arith.constant 16 : index
        %get3A_455 = tpu.vector_load %arg9[%get3A_453, %get3A_454] {strides = array<i32>} : memref<128x128xf32, #tpu.memory_space<vmem>>, vector<1x16xf32>,
        %get3A_456 = vector.shape_cast %get3A_455 : vector<1x16xf32> to vector<16xf32>
        %get3A_457 = arith.index_cast %add3A_443 : i32 to index
        %get3A_458 = arith.constant 16 : index
        %get3A_459 = tpu.vector_load %arg10[%get3A_457, %get3A_458] {strides = array<i32>} : memref<128x128xf32, #tpu.memory_space<vmem>>, vector<1x16xf32>,
        %get3A_460 = vector.shape_cast %get3A_459 : vector<1x16xf32> to vector<16xf32>
        %mul3A_461 = arith.mulf %get3A_456, %get3A_460 : vector<16xf32>
        %add3A_462 = arith.addf %mul3A_452, %mul3A_461 : vector<16xf32>
        %get3A_463 = arith.index_cast %add3A_443 : i32 to index
        %get3A_464 = arith.constant 32 : index
        %get3A_465 = tpu.vector_load %arg9[%get3A_463, %get3A_464] {strides = array<i32>} : memref<128x128xf32, #tpu.memory_space<vmem>>, vector<1x16xf32>,
        %get3A_466 = vector.shape_cast %get3A_465 : vector<1x16xf32> to vector<16xf32>
        %get3A_467 = arith.index_cast %add3A_443 : i32 to index
        %get3A_468 = arith.constant 32 : index
        %get3A_469 = tpu.vector_load %arg10[%get3A_467, %get3A_468] {strides = array<i32>} : memref<128x128xf32, #tpu.memory_space<vmem>>, vector<1x16xf32>,
        %get3A_470 = vector.shape_cast %get3A_469 : vector<1x16xf32> to vector<16xf32>
        %mul3A_471 = arith.mulf %get3A_466, %get3A_470 : vector<16xf32>
        %add3A_472 = arith.addf %add3A_462, %mul3A_471 : vector<16xf32>
        %get3A_473 = arith.index_cast %add3A_443 : i32 to index
        %get3A_474 = arith.constant 48 : index
        %get3A_475 = tpu.vector_load %arg9[%get3A_473, %get3A_474] {strides = array<i32>} : memref<128x128xf32, #tpu.memory_space<vmem>>, vector<1x16xf32>,
        %get3A_476 = vector.shape_cast %get3A_475 : vector<1x16xf32> to vector<16xf32>
        %get3A_477 = arith.index_cast %add3A_443 : i32 to index
        %get3A_478 = arith.constant 48 : index
        %get3A_479 = tpu.vector_load %arg10[%get3A_477, %get3A_478] {strides = array<i32>} : memref<128x128xf32, #tpu.memory_space<vmem>>, vector<1x16xf32>,
        %get3A_480 = vector.shape_cast %get3A_479 : vector<1x16xf32> to vector<16xf32>
        %mul3A_481 = arith.mulf %get3A_476, %get3A_480 : vector<16xf32>
        %add3A_482 = arith.addf %add3A_472, %mul3A_481 : vector<16xf32>
        %get3A_483 = arith.index_cast %add3A_443 : i32 to index
        %get3A_484 = arith.constant 64 : index
        %get3A_485 = tpu.vector_load %arg9[%get3A_483, %get3A_484] {strides = array<i32>} : memref<128x128xf32, #tpu.memory_space<vmem>>, vector<1x16xf32>,
        %get3A_486 = vector.shape_cast %get3A_485 : vector<1x16xf32> to vector<16xf32>
        %get3A_487 = arith.index_cast %add3A_443 : i32 to index
        %get3A_488 = arith.constant 64 : index
        %get3A_489 = tpu.vector_load %arg10[%get3A_487, %get3A_488] {strides = array<i32>} : memref<128x128xf32, #tpu.memory_space<vmem>>, vector<1x16xf32>,
        %get3A_490 = vector.shape_cast %get3A_489 : vector<1x16xf32> to vector<16xf32>
        %mul3A_491 = arith.mulf %get3A_486, %get3A_490 : vector<16xf32>
        %add3A_492 = arith.addf %add3A_482, %mul3A_491 : vector<16xf32>
        %get3A_493 = arith.index_cast %add3A_443 : i32 to index
        %get3A_494 = arith.constant 80 : index
        %get3A_495 = tpu.vector_load %arg9[%get3A_493, %get3A_494] {strides = array<i32>} : memref<128x128xf32, #tpu.memory_space<vmem>>, vector<1x16xf32>,
        %get3A_496 = vector.shape_cast %get3A_495 : vector<1x16xf32> to vector<16xf32>
        %get3A_497 = arith.index_cast %add3A_443 : i32 to index
        %get3A_498 = arith.constant 80 : index
        %get3A_499 = tpu.vector_load %arg10[%get3A_497, %get3A_498] {strides = array<i32>} : memref<128x128xf32, #tpu.memory_space<vmem>>, vector<1x16xf32>,
        %get3A_500 = vector.shape_cast %get3A_499 : vector<1x16xf32> to vector<16xf32>
        %mul3A_501 = arith.mulf %get3A_496, %get3A_500 : vector<16xf32>
        %add3A_502 = arith.addf %add3A_492, %mul3A_501 : vector<16xf32>
        %get3A_503 = arith.index_cast %add3A_443 : i32 to index
        %get3A_504 = arith.constant 96 : index
        %get3A_505 = tpu.vector_load %arg9[%get3A_503, %get3A_504] {strides = array<i32>} : memref<128x128xf32, #tpu.memory_space<vmem>>, vector<1x16xf32>,
        %get3A_506 = vector.shape_cast %get3A_505 : vector<1x16xf32> to vector<16xf32>
        %get3A_507 = arith.index_cast %add3A_443 : i32 to index
        %get3A_508 = arith.constant 96 : index
        %get3A_509 = tpu.vector_load %arg10[%get3A_507, %get3A_508] {strides = array<i32>} : memref<128x128xf32, #tpu.memory_space<vmem>>, vector<1x16xf32>,
        %get3A_510 = vector.shape_cast %get3A_509 : vector<1x16xf32> to vector<16xf32>
        %mul3A_511 = arith.mulf %get3A_506, %get3A_510 : vector<16xf32>
        %add3A_512 = arith.addf %add3A_502, %mul3A_511 : vector<16xf32>
        %get3A_513 = arith.index_cast %add3A_443 : i32 to index
        %get3A_514 = arith.constant 112 : index
        %get3A_515 = tpu.vector_load %arg9[%get3A_513, %get3A_514] {strides = array<i32>} : memref<128x128xf32, #tpu.memory_space<vmem>>, vector<1x16xf32>,
        %get3A_516 = vector.shape_cast %get3A_515 : vector<1x16xf32> to vector<16xf32>
        %get3A_517 = arith.index_cast %add3A_443 : i32 to index
        %get3A_518 = arith.constant 112 : index
        %get3A_519 = tpu.vector_load %arg10[%get3A_517, %get3A_518] {strides = array<i32>} : memref<128x128xf32, #tpu.memory_space<vmem>>, vector<1x16xf32>,
        %get3A_520 = vector.shape_cast %get3A_519 : vector<1x16xf32> to vector<16xf32>
        %mul3A_521 = arith.mulf %get3A_516, %get3A_520 : vector<16xf32>
        %add3A_522 = arith.addf %add3A_512, %mul3A_521 : vector<16xf32>
        %lt3A_523 = arith.constant 0 : i32
        %lt3A_524 = vector.broadcast %lt3A_523 : i32 to vector<16xi32>
        %lt3A_525 = arith.cmpi slt, %xor3A_74, %lt3A_524 : vector<16xi32>
        %add3A_526 = arith.constant 16 : i32
        %add3A_527 = vector.broadcast %add3A_526 : i32 to vector<16xi32>
        %add3A_528 = arith.addi %xor3A_74, %add3A_527 : vector<16xi32>
        %select_n3A_529 = arith.select %lt3A_525, %add3A_528, %xor3A_74 : vector<16xi1>, vector<16xi32>
        %broadcast_in_dim3A_530 = vector.shape_cast %select_n3A_529 : vector<16xi32> to vector<16x1xi32>
        %gather3A_531 = vector.shape_cast %broadcast_in_dim3A_530 : vector<16x1xi32> to vector<16xi32>
        %gather3A_532 = tpu.dynamic_gather %add3A_522[%gather3A_531] in [0] : vector<16xf32>, vector<16xi32> -> vector<16xf32>
        %add3A_533 = arith.addf %add3A_522, %gather3A_532 : vector<16xf32>
        %lt3A_534 = arith.constant 0 : i32
        %lt3A_535 = vector.broadcast %lt3A_534 : i32 to vector<16xi32>
        %lt3A_536 = arith.cmpi slt, %xor3A_77, %lt3A_535 : vector<16xi32>
        %add3A_537 = arith.constant 16 : i32
        %add3A_538 = vector.broadcast %add3A_537 : i32 to vector<16xi32>
        %add3A_539 = arith.addi %xor3A_77, %add3A_538 : vector<16xi32>
        %select_n3A_540 = arith.select %lt3A_536, %add3A_539, %xor3A_77 : vector<16xi1>, vector<16xi32>
        %broadcast_in_dim3A_541 = vector.shape_cast %select_n3A_540 : vector<16xi32> to vector<16x1xi32>
        %gather3A_542 = vector.shape_cast %broadcast_in_dim3A_541 : vector<16x1xi32> to vector<16xi32>
        %gather3A_543 = tpu.dynamic_gather %add3A_533[%gather3A_542] in [0] : vector<16xf32>, vector<16xi32> -> vector<16xf32>
        %add3A_544 = arith.addf %add3A_533, %gather3A_543 : vector<16xf32>
        %lt3A_545 = arith.constant 0 : i32
        %lt3A_546 = vector.broadcast %lt3A_545 : i32 to vector<16xi32>
        %lt3A_547 = arith.cmpi slt, %xor3A_80, %lt3A_546 : vector<16xi32>
        %add3A_548 = arith.constant 16 : i32
        %add3A_549 = vector.broadcast %add3A_548 : i32 to vector<16xi32>
        %add3A_550 = arith.addi %xor3A_80, %add3A_549 : vector<16xi32>
        %select_n3A_551 = arith.select %lt3A_547, %add3A_550, %xor3A_80 : vector<16xi1>, vector<16xi32>
        %broadcast_in_dim3A_552 = vector.shape_cast %select_n3A_551 : vector<16xi32> to vector<16x1xi32>
        %gather3A_553 = vector.shape_cast %broadcast_in_dim3A_552 : vector<16x1xi32> to vector<16xi32>
        %gather3A_554 = tpu.dynamic_gather %add3A_544[%gather3A_553] in [0] : vector<16xf32>, vector<16xi32> -> vector<16xf32>
        %add3A_555 = arith.addf %add3A_544, %gather3A_554 : vector<16xf32>
        %lt3A_556 = arith.constant 0 : i32
        %lt3A_557 = vector.broadcast %lt3A_556 : i32 to vector<16xi32>
        %lt3A_558 = arith.cmpi slt, %xor3A_83, %lt3A_557 : vector<16xi32>
        %add3A_559 = arith.constant 16 : i32
        %add3A_560 = vector.broadcast %add3A_559 : i32 to vector<16xi32>
        %add3A_561 = arith.addi %xor3A_83, %add3A_560 : vector<16xi32>
        %select_n3A_562 = arith.select %lt3A_558, %add3A_561, %xor3A_83 : vector<16xi1>, vector<16xi32>
        %broadcast_in_dim3A_563 = vector.shape_cast %select_n3A_562 : vector<16xi32> to vector<16x1xi32>
        %gather3A_564 = vector.shape_cast %broadcast_in_dim3A_563 : vector<16x1xi32> to vector<16xi32>
        %gather3A_565 = tpu.dynamic_gather %add3A_555[%gather3A_564] in [0] : vector<16xf32>, vector<16xi32> -> vector<16xf32>
        %add3A_566 = arith.addf %add3A_555, %gather3A_565 : vector<16xf32>
        %eq3A_567 = vector.broadcast %scan3A_440 : i32 to vector<16xi32>
        %eq3A_568 = arith.cmpi eq, %iota3A, %eq3A_567 : vector<16xi32>
        %select_n3A_569 = arith.select %eq3A_568, %add3A_566, %select_n3A_438 : vector<16xi1>, vector<16xf32>
        %scan3A_570 = arith.constant 3 : i32
        %scan3A_571 = arith.addi %scan3A_182, %scan3A_570 : i32
        %mul3A_572 = arith.constant 16 : i32
        %mul3A_573 = arith.muli %scan3A_167, %mul3A_572 : i32
        %add3A_574 = arith.addi %mul3A_573, %scan3A_571 : i32
        %get3A_575 = arith.index_cast %add3A_574 : i32 to index
        %get3A_576 = arith.constant 0 : index
        %get3A_577 = tpu.vector_load %arg9[%get3A_575, %get3A_576] {strides = array<i32>} : memref<128x128xf32, #tpu.memory_space<vmem>>, vector<1x16xf32>,
        %get3A_578 = vector.shape_cast %get3A_577 : vector<1x16xf32> to vector<16xf32>
        %get3A_579 = arith.index_cast %add3A_574 : i32 to index
        %get3A_580 = arith.constant 0 : index
        %get3A_581 = tpu.vector_load %arg10[%get3A_579, %get3A_580] {strides = array<i32>} : memref<128x128xf32, #tpu.memory_space<vmem>>, vector<1x16xf32>,
        %get3A_582 = vector.shape_cast %get3A_581 : vector<1x16xf32> to vector<16xf32>
        %mul3A_583 = arith.mulf %get3A_578, %get3A_582 : vector<16xf32>
        %get3A_584 = arith.index_cast %add3A_574 : i32 to index
        %get3A_585 = arith.constant 16 : index
        %get3A_586 = tpu.vector_load %arg9[%get3A_584, %get3A_585] {strides = array<i32>} : memref<128x128xf32, #tpu.memory_space<vmem>>, vector<1x16xf32>,
        %get3A_587 = vector.shape_cast %get3A_586 : vector<1x16xf32> to vector<16xf32>
        %get3A_588 = arith.index_cast %add3A_574 : i32 to index
        %get3A_589 = arith.constant 16 : index
        %get3A_590 = tpu.vector_load %arg10[%get3A_588, %get3A_589] {strides = array<i32>} : memref<128x128xf32, #tpu.memory_space<vmem>>, vector<1x16xf32>,
        %get3A_591 = vector.shape_cast %get3A_590 : vector<1x16xf32> to vector<16xf32>
        %mul3A_592 = arith.mulf %get3A_587, %get3A_591 : vector<16xf32>
        %add3A_593 = arith.addf %mul3A_583, %mul3A_592 : vector<16xf32>
        %get3A_594 = arith.index_cast %add3A_574 : i32 to index
        %get3A_595 = arith.constant 32 : index
        %get3A_596 = tpu.vector_load %arg9[%get3A_594, %get3A_595] {strides = array<i32>} : memref<128x128xf32, #tpu.memory_space<vmem>>, vector<1x16xf32>,
        %get3A_597 = vector.shape_cast %get3A_596 : vector<1x16xf32> to vector<16xf32>
        %get3A_598 = arith.index_cast %add3A_574 : i32 to index
        %get3A_599 = arith.constant 32 : index
        %get3A_600 = tpu.vector_load %arg10[%get3A_598, %get3A_599] {strides = array<i32>} : memref<128x128xf32, #tpu.memory_space<vmem>>, vector<1x16xf32>,
        %get3A_601 = vector.shape_cast %get3A_600 : vector<1x16xf32> to vector<16xf32>
        %mul3A_602 = arith.mulf %get3A_597, %get3A_601 : vector<16xf32>
        %add3A_603 = arith.addf %add3A_593, %mul3A_602 : vector<16xf32>
        %get3A_604 = arith.index_cast %add3A_574 : i32 to index
        %get3A_605 = arith.constant 48 : index
        %get3A_606 = tpu.vector_load %arg9[%get3A_604, %get3A_605] {strides = array<i32>} : memref<128x128xf32, #tpu.memory_space<vmem>>, vector<1x16xf32>,
        %get3A_607 = vector.shape_cast %get3A_606 : vector<1x16xf32> to vector<16xf32>
        %get3A_608 = arith.index_cast %add3A_574 : i32 to index
        %get3A_609 = arith.constant 48 : index
        %get3A_610 = tpu.vector_load %arg10[%get3A_608, %get3A_609] {strides = array<i32>} : memref<128x128xf32, #tpu.memory_space<vmem>>, vector<1x16xf32>,
        %get3A_611 = vector.shape_cast %get3A_610 : vector<1x16xf32> to vector<16xf32>
        %mul3A_612 = arith.mulf %get3A_607, %get3A_611 : vector<16xf32>
        %add3A_613 = arith.addf %add3A_603, %mul3A_612 : vector<16xf32>
        %get3A_614 = arith.index_cast %add3A_574 : i32 to index
        %get3A_615 = arith.constant 64 : index
        %get3A_616 = tpu.vector_load %arg9[%get3A_614, %get3A_615] {strides = array<i32>} : memref<128x128xf32, #tpu.memory_space<vmem>>, vector<1x16xf32>,
        %get3A_617 = vector.shape_cast %get3A_616 : vector<1x16xf32> to vector<16xf32>
        %get3A_618 = arith.index_cast %add3A_574 : i32 to index
        %get3A_619 = arith.constant 64 : index
        %get3A_620 = tpu.vector_load %arg10[%get3A_618, %get3A_619] {strides = array<i32>} : memref<128x128xf32, #tpu.memory_space<vmem>>, vector<1x16xf32>,
        %get3A_621 = vector.shape_cast %get3A_620 : vector<1x16xf32> to vector<16xf32>
        %mul3A_622 = arith.mulf %get3A_617, %get3A_621 : vector<16xf32>
        %add3A_623 = arith.addf %add3A_613, %mul3A_622 : vector<16xf32>
        %get3A_624 = arith.index_cast %add3A_574 : i32 to index
        %get3A_625 = arith.constant 80 : index
        %get3A_626 = tpu.vector_load %arg9[%get3A_624, %get3A_625] {strides = array<i32>} : memref<128x128xf32, #tpu.memory_space<vmem>>, vector<1x16xf32>,
        %get3A_627 = vector.shape_cast %get3A_626 : vector<1x16xf32> to vector<16xf32>
        %get3A_628 = arith.index_cast %add3A_574 : i32 to index
        %get3A_629 = arith.constant 80 : index
        %get3A_630 = tpu.vector_load %arg10[%get3A_628, %get3A_629] {strides = array<i32>} : memref<128x128xf32, #tpu.memory_space<vmem>>, vector<1x16xf32>,
        %get3A_631 = vector.shape_cast %get3A_630 : vector<1x16xf32> to vector<16xf32>
        %mul3A_632 = arith.mulf %get3A_627, %get3A_631 : vector<16xf32>
        %add3A_633 = arith.addf %add3A_623, %mul3A_632 : vector<16xf32>
        %get3A_634 = arith.index_cast %add3A_574 : i32 to index
        %get3A_635 = arith.constant 96 : index
        %get3A_636 = tpu.vector_load %arg9[%get3A_634, %get3A_635] {strides = array<i32>} : memref<128x128xf32, #tpu.memory_space<vmem>>, vector<1x16xf32>,
        %get3A_637 = vector.shape_cast %get3A_636 : vector<1x16xf32> to vector<16xf32>
        %get3A_638 = arith.index_cast %add3A_574 : i32 to index
        %get3A_639 = arith.constant 96 : index
        %get3A_640 = tpu.vector_load %arg10[%get3A_638, %get3A_639] {strides = array<i32>} : memref<128x128xf32, #tpu.memory_space<vmem>>, vector<1x16xf32>,
        %get3A_641 = vector.shape_cast %get3A_640 : vector<1x16xf32> to vector<16xf32>
        %mul3A_642 = arith.mulf %get3A_637, %get3A_641 : vector<16xf32>
        %add3A_643 = arith.addf %add3A_633, %mul3A_642 : vector<16xf32>
        %get3A_644 = arith.index_cast %add3A_574 : i32 to index
        %get3A_645 = arith.constant 112 : index
        %get3A_646 = tpu.vector_load %arg9[%get3A_644, %get3A_645] {strides = array<i32>} : memref<128x128xf32, #tpu.memory_space<vmem>>, vector<1x16xf32>,
        %get3A_647 = vector.shape_cast %get3A_646 : vector<1x16xf32> to vector<16xf32>
        %get3A_648 = arith.index_cast %add3A_574 : i32 to index
        %get3A_649 = arith.constant 112 : index
        %get3A_650 = tpu.vector_load %arg10[%get3A_648, %get3A_649] {strides = array<i32>} : memref<128x128xf32, #tpu.memory_space<vmem>>, vector<1x16xf32>,
        %get3A_651 = vector.shape_cast %get3A_650 : vector<1x16xf32> to vector<16xf32>
        %mul3A_652 = arith.mulf %get3A_647, %get3A_651 : vector<16xf32>
        %add3A_653 = arith.addf %add3A_643, %mul3A_652 : vector<16xf32>
        %lt3A_654 = arith.constant 0 : i32
        %lt3A_655 = vector.broadcast %lt3A_654 : i32 to vector<16xi32>
        %lt3A_656 = arith.cmpi slt, %xor3A_74, %lt3A_655 : vector<16xi32>
        %add3A_657 = arith.constant 16 : i32
        %add3A_658 = vector.broadcast %add3A_657 : i32 to vector<16xi32>
        %add3A_659 = arith.addi %xor3A_74, %add3A_658 : vector<16xi32>
        %select_n3A_660 = arith.select %lt3A_656, %add3A_659, %xor3A_74 : vector<16xi1>, vector<16xi32>
        %broadcast_in_dim3A_661 = vector.shape_cast %select_n3A_660 : vector<16xi32> to vector<16x1xi32>
        %gather3A_662 = vector.shape_cast %broadcast_in_dim3A_661 : vector<16x1xi32> to vector<16xi32>
        %gather3A_663 = tpu.dynamic_gather %add3A_653[%gather3A_662] in [0] : vector<16xf32>, vector<16xi32> -> vector<16xf32>
        %add3A_664 = arith.addf %add3A_653, %gather3A_663 : vector<16xf32>
        %lt3A_665 = arith.constant 0 : i32
        %lt3A_666 = vector.broadcast %lt3A_665 : i32 to vector<16xi32>
        %lt3A_667 = arith.cmpi slt, %xor3A_77, %lt3A_666 : vector<16xi32>
        %add3A_668 = arith.constant 16 : i32
        %add3A_669 = vector.broadcast %add3A_668 : i32 to vector<16xi32>
        %add3A_670 = arith.addi %xor3A_77, %add3A_669 : vector<16xi32>
        %select_n3A_671 = arith.select %lt3A_667, %add3A_670, %xor3A_77 : vector<16xi1>, vector<16xi32>
        %broadcast_in_dim3A_672 = vector.shape_cast %select_n3A_671 : vector<16xi32> to vector<16x1xi32>
        %gather3A_673 = vector.shape_cast %broadcast_in_dim3A_672 : vector<16x1xi32> to vector<16xi32>
        %gather3A_674 = tpu.dynamic_gather %add3A_664[%gather3A_673] in [0] : vector<16xf32>, vector<16xi32> -> vector<16xf32>
        %add3A_675 = arith.addf %add3A_664, %gather3A_674 : vector<16xf32>
        %lt3A_676 = arith.constant 0 : i32
        %lt3A_677 = vector.broadcast %lt3A_676 : i32 to vector<16xi32>
        %lt3A_678 = arith.cmpi slt, %xor3A_80, %lt3A_677 : vector<16xi32>
        %add3A_679 = arith.constant 16 : i32
        %add3A_680 = vector.broadcast %add3A_679 : i32 to vector<16xi32>
        %add3A_681 = arith.addi %xor3A_80, %add3A_680 : vector<16xi32>
        %select_n3A_682 = arith.select %lt3A_678, %add3A_681, %xor3A_80 : vector<16xi1>, vector<16xi32>
        %broadcast_in_dim3A_683 = vector.shape_cast %select_n3A_682 : vector<16xi32> to vector<16x1xi32>
        %gather3A_684 = vector.shape_cast %broadcast_in_dim3A_683 : vector<16x1xi32> to vector<16xi32>
        %gather3A_685 = tpu.dynamic_gather %add3A_675[%gather3A_684] in [0] : vector<16xf32>, vector<16xi32> -> vector<16xf32>
        %add3A_686 = arith.addf %add3A_675, %gather3A_685 : vector<16xf32>
        %lt3A_687 = arith.constant 0 : i32
        %lt3A_688 = vector.broadcast %lt3A_687 : i32 to vector<16xi32>
        %lt3A_689 = arith.cmpi slt, %xor3A_83, %lt3A_688 : vector<16xi32>
        %add3A_690 = arith.constant 16 : i32
        %add3A_691 = vector.broadcast %add3A_690 : i32 to vector<16xi32>
        %add3A_692 = arith.addi %xor3A_83, %add3A_691 : vector<16xi32>
        %select_n3A_693 = arith.select %lt3A_689, %add3A_692, %xor3A_83 : vector<16xi1>, vector<16xi32>
        %broadcast_in_dim3A_694 = vector.shape_cast %select_n3A_693 : vector<16xi32> to vector<16x1xi32>
        %gather3A_695 = vector.shape_cast %broadcast_in_dim3A_694 : vector<16x1xi32> to vector<16xi32>
        %gather3A_696 = tpu.dynamic_gather %add3A_686[%gather3A_695] in [0] : vector<16xf32>, vector<16xi32> -> vector<16xf32>
        %add3A_697 = arith.addf %add3A_686, %gather3A_696 : vector<16xf32>
        %eq3A_698 = vector.broadcast %scan3A_571 : i32 to vector<16xi32>
        %eq3A_699 = arith.cmpi eq, %iota3A, %eq3A_698 : vector<16xi32>
        %select_n3A_700 = arith.select %eq3A_699, %add3A_697, %select_n3A_569 : vector<16xi1>, vector<16xf32>
        scf.yield %select_n3A_700 : vector<16xf32>
      }
      %scan3A_174 = arith.constant 16 : i32
      %mul3A_175 = arith.constant 16 : i32
      %mul3A_176 = arith.muli %scan3A_167, %mul3A_175 : i32
      %add3A_177 = arith.constant 0 : i32
      %add3A_178 = arith.addi %add3A_177, %mul3A_176 : i32
      %swap3A = arith.index_cast %add3A_178 : i32 to index
      %swap3A_179 = tpu.vector_load %arg15[%swap3A] {strides = array<i32>} : memref<512xf32, #tpu.memory_space<vmem>>, vector<16xf32>,
      %swap3A_180 = vector.shape_cast %swap3A_179 : vector<16xf32> to vector<16xf32>
      %swap3A_181 = vector.shape_cast %scan3A_173 : vector<16xf32> to vector<16xf32>
      tpu.vector_store %arg15[%swap3A], %swap3A_181 {strides = array<i32>} : memref<512xf32, #tpu.memory_space<vmem>>, vector<16xf32>,
    }
    %scan3A_108 = arith.constant 8 : i32
    %dma_wait3A_109 = arith.constant 128 : i32
    %dma_wait3A_110 = tpu.memref_slice %arg7[%dma_wait3A_109] : memref<512xi32, #tpu.memory_space<vmem>> -> memref<128xi32, #tpu.memory_space<vmem>>
    %dma_wait3A_111 = arith.constant 0 : i32
    %dma_wait3A_112 = arith.constant 0 : i32
    %dma_wait3A_113 = tpu.memref_slice %arg4[%dma_wait3A_111, %dma_wait3A_112] : memref<100000x128xf32, #tpu.memory_space<hbm>> -> memref<100000x128xf32, #tpu.memory_space<hbm>>
    tpu.wait_indirect_dma semaphore(%arg17 : memref<!tpu.dma_semaphore, #tpu.memory_space<semaphore_mem>>) src(%dma_wait3A_113 : memref<100000x128xf32, #tpu.memory_space<hbm>>) dst(%arg11 : memref<128x128xf32, #tpu.memory_space<vmem>>)
    %dma_wait3A_114 = arith.constant 128 : i32
    %dma_wait3A_115 = tpu.memref_slice %arg8[%dma_wait3A_114] : memref<512xi32, #tpu.memory_space<vmem>> -> memref<128xi32, #tpu.memory_space<vmem>>
    %dma_wait3A_116 = arith.constant 0 : i32
    %dma_wait3A_117 = arith.constant 0 : i32
    %dma_wait3A_118 = tpu.memref_slice %arg5[%dma_wait3A_116, %dma_wait3A_117] : memref<100000x128xf32, #tpu.memory_space<hbm>> -> memref<100000x128xf32, #tpu.memory_space<hbm>>
    tpu.wait_indirect_dma semaphore(%arg17 : memref<!tpu.dma_semaphore, #tpu.memory_space<semaphore_mem>>) src(%dma_wait3A_118 : memref<100000x128xf32, #tpu.memory_space<hbm>>) dst(%arg12 : memref<128x128xf32, #tpu.memory_space<vmem>>)
    %dma_start3A_119 = arith.constant 384 : i32
    %dma_start3A_120 = tpu.memref_slice %arg7[%dma_start3A_119] : memref<512xi32, #tpu.memory_space<vmem>> -> memref<128xi32, #tpu.memory_space<vmem>>
    %dma_start3A_121 = arith.constant 0 : i32
    %dma_start3A_122 = arith.constant 0 : i32
    %dma_start3A_123 = tpu.memref_slice %arg4[%dma_start3A_121, %dma_start3A_122] : memref<100000x128xf32, #tpu.memory_space<hbm>> -> memref<100000x128xf32, #tpu.memory_space<hbm>>
    tpu.enqueue_indirect_dma source(%dma_start3A_123 : memref<100000x128xf32, #tpu.memory_space<hbm>>) target(%arg9 : memref<128x128xf32, #tpu.memory_space<vmem>>) offsets(%dma_start3A_120 : memref<128xi32, #tpu.memory_space<vmem>>) semaphore(%arg16 : memref<!tpu.dma_semaphore, #tpu.memory_space<semaphore_mem>>)
    %dma_start3A_124 = arith.constant 384 : i32
    %dma_start3A_125 = tpu.memref_slice %arg8[%dma_start3A_124] : memref<512xi32, #tpu.memory_space<vmem>> -> memref<128xi32, #tpu.memory_space<vmem>>
    %dma_start3A_126 = arith.constant 0 : i32
    %dma_start3A_127 = arith.constant 0 : i32
    %dma_start3A_128 = tpu.memref_slice %arg5[%dma_start3A_126, %dma_start3A_127] : memref<100000x128xf32, #tpu.memory_space<hbm>> -> memref<100000x128xf32, #tpu.memory_space<hbm>>
    tpu.enqueue_indirect_dma source(%dma_start3A_128 : memref<100000x128xf32, #tpu.memory_space<hbm>>) target(%arg10 : memref<128x128xf32, #tpu.memory_space<vmem>>) offsets(%dma_start3A_125 : memref<128xi32, #tpu.memory_space<vmem>>) semaphore(%arg16 : memref<!tpu.dma_semaphore, #tpu.memory_space<semaphore_mem>>)
    %scan3A_129 = arith.constant 0 : i32
    %scan3A_130 = arith.constant 0 : i32
    %scan3A_131 = arith.constant 8 : i32
    %scan3A_132 = arith.addi %scan3A_130, %scan3A_131 : i32
    %scan3A_133 = arith.constant 1 : i32
    scf.for %scan3A_167 = %scan3A_130 to %scan3A_132 step %scan3A_133  : i32 {
      %broadcast_in_dim3A = arith.constant 0.000000e+00 : f32
      %broadcast_in_dim3A_168 = vector.broadcast %broadcast_in_dim3A : f32 to vector<16xf32>
      %scan3A_169 = arith.constant 0 : i32
      %scan3A_170 = arith.constant 16 : i32
      %scan3A_171 = arith.addi %scan3A_169, %scan3A_170 : i32
      %scan3A_172 = arith.constant 4 : i32
      %scan3A_173 = scf.for %scan3A_182 = %scan3A_169 to %scan3A_171 step %scan3A_172 iter_args(%scan3A_183 = %broadcast_in_dim3A_168) -> (vector<16xf32>)  : i32 {
        %mul3A_184 = arith.constant 16 : i32
        %mul3A_185 = arith.muli %scan3A_167, %mul3A_184 : i32
        %add3A_186 = arith.addi %mul3A_185, %scan3A_182 : i32
        %get3A = arith.index_cast %add3A_186 : i32 to index
        %get3A_187 = arith.constant 0 : index
        %get3A_188 = tpu.vector_load %arg11[%get3A, %get3A_187] {strides = array<i32>} : memref<128x128xf32, #tpu.memory_space<vmem>>, vector<1x16xf32>,
        %get3A_189 = vector.shape_cast %get3A_188 : vector<1x16xf32> to vector<16xf32>
        %get3A_190 = arith.index_cast %add3A_186 : i32 to index
        %get3A_191 = arith.constant 0 : index
        %get3A_192 = tpu.vector_load %arg12[%get3A_190, %get3A_191] {strides = array<i32>} : memref<128x128xf32, #tpu.memory_space<vmem>>, vector<1x16xf32>,
        %get3A_193 = vector.shape_cast %get3A_192 : vector<1x16xf32> to vector<16xf32>
        %mul3A_194 = arith.mulf %get3A_189, %get3A_193 : vector<16xf32>
        %get3A_195 = arith.index_cast %add3A_186 : i32 to index
        %get3A_196 = arith.constant 16 : index
        %get3A_197 = tpu.vector_load %arg11[%get3A_195, %get3A_196] {strides = array<i32>} : memref<128x128xf32, #tpu.memory_space<vmem>>, vector<1x16xf32>,
        %get3A_198 = vector.shape_cast %get3A_197 : vector<1x16xf32> to vector<16xf32>
        %get3A_199 = arith.index_cast %add3A_186 : i32 to index
        %get3A_200 = arith.constant 16 : index
        %get3A_201 = tpu.vector_load %arg12[%get3A_199, %get3A_200] {strides = array<i32>} : memref<128x128xf32, #tpu.memory_space<vmem>>, vector<1x16xf32>,
        %get3A_202 = vector.shape_cast %get3A_201 : vector<1x16xf32> to vector<16xf32>
        %mul3A_203 = arith.mulf %get3A_198, %get3A_202 : vector<16xf32>
        %add3A_204 = arith.addf %mul3A_194, %mul3A_203 : vector<16xf32>
        %get3A_205 = arith.index_cast %add3A_186 : i32 to index
        %get3A_206 = arith.constant 32 : index
        %get3A_207 = tpu.vector_load %arg11[%get3A_205, %get3A_206] {strides = array<i32>} : memref<128x128xf32, #tpu.memory_space<vmem>>, vector<1x16xf32>,
        %get3A_208 = vector.shape_cast %get3A_207 : vector<1x16xf32> to vector<16xf32>
        %get3A_209 = arith.index_cast %add3A_186 : i32 to index
        %get3A_210 = arith.constant 32 : index
        %get3A_211 = tpu.vector_load %arg12[%get3A_209, %get3A_210] {strides = array<i32>} : memref<128x128xf32, #tpu.memory_space<vmem>>, vector<1x16xf32>,
        %get3A_212 = vector.shape_cast %get3A_211 : vector<1x16xf32> to vector<16xf32>
        %mul3A_213 = arith.mulf %get3A_208, %get3A_212 : vector<16xf32>
        %add3A_214 = arith.addf %add3A_204, %mul3A_213 : vector<16xf32>
        %get3A_215 = arith.index_cast %add3A_186 : i32 to index
        %get3A_216 = arith.constant 48 : index
        %get3A_217 = tpu.vector_load %arg11[%get3A_215, %get3A_216] {strides = array<i32>} : memref<128x128xf32, #tpu.memory_space<vmem>>, vector<1x16xf32>,
        %get3A_218 = vector.shape_cast %get3A_217 : vector<1x16xf32> to vector<16xf32>
        %get3A_219 = arith.index_cast %add3A_186 : i32 to index
        %get3A_220 = arith.constant 48 : index
        %get3A_221 = tpu.vector_load %arg12[%get3A_219, %get3A_220] {strides = array<i32>} : memref<128x128xf32, #tpu.memory_space<vmem>>, vector<1x16xf32>,
        %get3A_222 = vector.shape_cast %get3A_221 : vector<1x16xf32> to vector<16xf32>
        %mul3A_223 = arith.mulf %get3A_218, %get3A_222 : vector<16xf32>
        %add3A_224 = arith.addf %add3A_214, %mul3A_223 : vector<16xf32>
        %get3A_225 = arith.index_cast %add3A_186 : i32 to index
        %get3A_226 = arith.constant 64 : index
        %get3A_227 = tpu.vector_load %arg11[%get3A_225, %get3A_226] {strides = array<i32>} : memref<128x128xf32, #tpu.memory_space<vmem>>, vector<1x16xf32>,
        %get3A_228 = vector.shape_cast %get3A_227 : vector<1x16xf32> to vector<16xf32>
        %get3A_229 = arith.index_cast %add3A_186 : i32 to index
        %get3A_230 = arith.constant 64 : index
        %get3A_231 = tpu.vector_load %arg12[%get3A_229, %get3A_230] {strides = array<i32>} : memref<128x128xf32, #tpu.memory_space<vmem>>, vector<1x16xf32>,
        %get3A_232 = vector.shape_cast %get3A_231 : vector<1x16xf32> to vector<16xf32>
        %mul3A_233 = arith.mulf %get3A_228, %get3A_232 : vector<16xf32>
        %add3A_234 = arith.addf %add3A_224, %mul3A_233 : vector<16xf32>
        %get3A_235 = arith.index_cast %add3A_186 : i32 to index
        %get3A_236 = arith.constant 80 : index
        %get3A_237 = tpu.vector_load %arg11[%get3A_235, %get3A_236] {strides = array<i32>} : memref<128x128xf32, #tpu.memory_space<vmem>>, vector<1x16xf32>,
        %get3A_238 = vector.shape_cast %get3A_237 : vector<1x16xf32> to vector<16xf32>
        %get3A_239 = arith.index_cast %add3A_186 : i32 to index
        %get3A_240 = arith.constant 80 : index
        %get3A_241 = tpu.vector_load %arg12[%get3A_239, %get3A_240] {strides = array<i32>} : memref<128x128xf32, #tpu.memory_space<vmem>>, vector<1x16xf32>,
        %get3A_242 = vector.shape_cast %get3A_241 : vector<1x16xf32> to vector<16xf32>
        %mul3A_243 = arith.mulf %get3A_238, %get3A_242 : vector<16xf32>
        %add3A_244 = arith.addf %add3A_234, %mul3A_243 : vector<16xf32>
        %get3A_245 = arith.index_cast %add3A_186 : i32 to index
        %get3A_246 = arith.constant 96 : index
        %get3A_247 = tpu.vector_load %arg11[%get3A_245, %get3A_246] {strides = array<i32>} : memref<128x128xf32, #tpu.memory_space<vmem>>, vector<1x16xf32>,
        %get3A_248 = vector.shape_cast %get3A_247 : vector<1x16xf32> to vector<16xf32>
        %get3A_249 = arith.index_cast %add3A_186 : i32 to index
        %get3A_250 = arith.constant 96 : index
        %get3A_251 = tpu.vector_load %arg12[%get3A_249, %get3A_250] {strides = array<i32>} : memref<128x128xf32, #tpu.memory_space<vmem>>, vector<1x16xf32>,
        %get3A_252 = vector.shape_cast %get3A_251 : vector<1x16xf32> to vector<16xf32>
        %mul3A_253 = arith.mulf %get3A_248, %get3A_252 : vector<16xf32>
        %add3A_254 = arith.addf %add3A_244, %mul3A_253 : vector<16xf32>
        %get3A_255 = arith.index_cast %add3A_186 : i32 to index
        %get3A_256 = arith.constant 112 : index
        %get3A_257 = tpu.vector_load %arg11[%get3A_255, %get3A_256] {strides = array<i32>} : memref<128x128xf32, #tpu.memory_space<vmem>>, vector<1x16xf32>,
        %get3A_258 = vector.shape_cast %get3A_257 : vector<1x16xf32> to vector<16xf32>
        %get3A_259 = arith.index_cast %add3A_186 : i32 to index
        %get3A_260 = arith.constant 112 : index
        %get3A_261 = tpu.vector_load %arg12[%get3A_259, %get3A_260] {strides = array<i32>} : memref<128x128xf32, #tpu.memory_space<vmem>>, vector<1x16xf32>,
        %get3A_262 = vector.shape_cast %get3A_261 : vector<1x16xf32> to vector<16xf32>
        %mul3A_263 = arith.mulf %get3A_258, %get3A_262 : vector<16xf32>
        %add3A_264 = arith.addf %add3A_254, %mul3A_263 : vector<16xf32>
        %lt3A = arith.constant 0 : i32
        %lt3A_265 = vector.broadcast %lt3A : i32 to vector<16xi32>
        %lt3A_266 = arith.cmpi slt, %xor3A_74, %lt3A_265 : vector<16xi32>
        %add3A_267 = arith.constant 16 : i32
        %add3A_268 = vector.broadcast %add3A_267 : i32 to vector<16xi32>
        %add3A_269 = arith.addi %xor3A_74, %add3A_268 : vector<16xi32>
        %select_n3A = arith.select %lt3A_266, %add3A_269, %xor3A_74 : vector<16xi1>, vector<16xi32>
        %broadcast_in_dim3A_270 = vector.shape_cast %select_n3A : vector<16xi32> to vector<16x1xi32>
        %gather3A = vector.shape_cast %broadcast_in_dim3A_270 : vector<16x1xi32> to vector<16xi32>
        %gather3A_271 = tpu.dynamic_gather %add3A_264[%gather3A] in [0] : vector<16xf32>, vector<16xi32> -> vector<16xf32>
        %add3A_272 = arith.addf %add3A_264, %gather3A_271 : vector<16xf32>
        %lt3A_273 = arith.constant 0 : i32
        %lt3A_274 = vector.broadcast %lt3A_273 : i32 to vector<16xi32>
        %lt3A_275 = arith.cmpi slt, %xor3A_77, %lt3A_274 : vector<16xi32>
        %add3A_276 = arith.constant 16 : i32
        %add3A_277 = vector.broadcast %add3A_276 : i32 to vector<16xi32>
        %add3A_278 = arith.addi %xor3A_77, %add3A_277 : vector<16xi32>
        %select_n3A_279 = arith.select %lt3A_275, %add3A_278, %xor3A_77 : vector<16xi1>, vector<16xi32>
        %broadcast_in_dim3A_280 = vector.shape_cast %select_n3A_279 : vector<16xi32> to vector<16x1xi32>
        %gather3A_281 = vector.shape_cast %broadcast_in_dim3A_280 : vector<16x1xi32> to vector<16xi32>
        %gather3A_282 = tpu.dynamic_gather %add3A_272[%gather3A_281] in [0] : vector<16xf32>, vector<16xi32> -> vector<16xf32>
        %add3A_283 = arith.addf %add3A_272, %gather3A_282 : vector<16xf32>
        %lt3A_284 = arith.constant 0 : i32
        %lt3A_285 = vector.broadcast %lt3A_284 : i32 to vector<16xi32>
        %lt3A_286 = arith.cmpi slt, %xor3A_80, %lt3A_285 : vector<16xi32>
        %add3A_287 = arith.constant 16 : i32
        %add3A_288 = vector.broadcast %add3A_287 : i32 to vector<16xi32>
        %add3A_289 = arith.addi %xor3A_80, %add3A_288 : vector<16xi32>
        %select_n3A_290 = arith.select %lt3A_286, %add3A_289, %xor3A_80 : vector<16xi1>, vector<16xi32>
        %broadcast_in_dim3A_291 = vector.shape_cast %select_n3A_290 : vector<16xi32> to vector<16x1xi32>
        %gather3A_292 = vector.shape_cast %broadcast_in_dim3A_291 : vector<16x1xi32> to vector<16xi32>
        %gather3A_293 = tpu.dynamic_gather %add3A_283[%gather3A_292] in [0] : vector<16xf32>, vector<16xi32> -> vector<16xf32>
        %add3A_294 = arith.addf %add3A_283, %gather3A_293 : vector<16xf32>
        %lt3A_295 = arith.constant 0 : i32
        %lt3A_296 = vector.broadcast %lt3A_295 : i32 to vector<16xi32>
        %lt3A_297 = arith.cmpi slt, %xor3A_83, %lt3A_296 : vector<16xi32>
        %add3A_298 = arith.constant 16 : i32
        %add3A_299 = vector.broadcast %add3A_298 : i32 to vector<16xi32>
        %add3A_300 = arith.addi %xor3A_83, %add3A_299 : vector<16xi32>
        %select_n3A_301 = arith.select %lt3A_297, %add3A_300, %xor3A_83 : vector<16xi1>, vector<16xi32>
        %broadcast_in_dim3A_302 = vector.shape_cast %select_n3A_301 : vector<16xi32> to vector<16x1xi32>
        %gather3A_303 = vector.shape_cast %broadcast_in_dim3A_302 : vector<16x1xi32> to vector<16xi32>
        %gather3A_304 = tpu.dynamic_gather %add3A_294[%gather3A_303] in [0] : vector<16xf32>, vector<16xi32> -> vector<16xf32>
        %add3A_305 = arith.addf %add3A_294, %gather3A_304 : vector<16xf32>
        %eq3A = vector.broadcast %scan3A_182 : i32 to vector<16xi32>
        %eq3A_306 = arith.cmpi eq, %iota3A, %eq3A : vector<16xi32>
        %select_n3A_307 = arith.select %eq3A_306, %add3A_305, %scan3A_183 : vector<16xi1>, vector<16xf32>
        %scan3A_308 = arith.constant 1 : i32
        %scan3A_309 = arith.addi %scan3A_182, %scan3A_308 : i32
        %mul3A_310 = arith.constant 16 : i32
        %mul3A_311 = arith.muli %scan3A_167, %mul3A_310 : i32
        %add3A_312 = arith.addi %mul3A_311, %scan3A_309 : i32
        %get3A_313 = arith.index_cast %add3A_312 : i32 to index
        %get3A_314 = arith.constant 0 : index
        %get3A_315 = tpu.vector_load %arg11[%get3A_313, %get3A_314] {strides = array<i32>} : memref<128x128xf32, #tpu.memory_space<vmem>>, vector<1x16xf32>,
        %get3A_316 = vector.shape_cast %get3A_315 : vector<1x16xf32> to vector<16xf32>
        %get3A_317 = arith.index_cast %add3A_312 : i32 to index
        %get3A_318 = arith.constant 0 : index
        %get3A_319 = tpu.vector_load %arg12[%get3A_317, %get3A_318] {strides = array<i32>} : memref<128x128xf32, #tpu.memory_space<vmem>>, vector<1x16xf32>,
        %get3A_320 = vector.shape_cast %get3A_319 : vector<1x16xf32> to vector<16xf32>
        %mul3A_321 = arith.mulf %get3A_316, %get3A_320 : vector<16xf32>
        %get3A_322 = arith.index_cast %add3A_312 : i32 to index
        %get3A_323 = arith.constant 16 : index
        %get3A_324 = tpu.vector_load %arg11[%get3A_322, %get3A_323] {strides = array<i32>} : memref<128x128xf32, #tpu.memory_space<vmem>>, vector<1x16xf32>,
        %get3A_325 = vector.shape_cast %get3A_324 : vector<1x16xf32> to vector<16xf32>
        %get3A_326 = arith.index_cast %add3A_312 : i32 to index
        %get3A_327 = arith.constant 16 : index
        %get3A_328 = tpu.vector_load %arg12[%get3A_326, %get3A_327] {strides = array<i32>} : memref<128x128xf32, #tpu.memory_space<vmem>>, vector<1x16xf32>,
        %get3A_329 = vector.shape_cast %get3A_328 : vector<1x16xf32> to vector<16xf32>
        %mul3A_330 = arith.mulf %get3A_325, %get3A_329 : vector<16xf32>
        %add3A_331 = arith.addf %mul3A_321, %mul3A_330 : vector<16xf32>
        %get3A_332 = arith.index_cast %add3A_312 : i32 to index
        %get3A_333 = arith.constant 32 : index
        %get3A_334 = tpu.vector_load %arg11[%get3A_332, %get3A_333] {strides = array<i32>} : memref<128x128xf32, #tpu.memory_space<vmem>>, vector<1x16xf32>,
        %get3A_335 = vector.shape_cast %get3A_334 : vector<1x16xf32> to vector<16xf32>
        %get3A_336 = arith.index_cast %add3A_312 : i32 to index
        %get3A_337 = arith.constant 32 : index
        %get3A_338 = tpu.vector_load %arg12[%get3A_336, %get3A_337] {strides = array<i32>} : memref<128x128xf32, #tpu.memory_space<vmem>>, vector<1x16xf32>,
        %get3A_339 = vector.shape_cast %get3A_338 : vector<1x16xf32> to vector<16xf32>
        %mul3A_340 = arith.mulf %get3A_335, %get3A_339 : vector<16xf32>
        %add3A_341 = arith.addf %add3A_331, %mul3A_340 : vector<16xf32>
        %get3A_342 = arith.index_cast %add3A_312 : i32 to index
        %get3A_343 = arith.constant 48 : index
        %get3A_344 = tpu.vector_load %arg11[%get3A_342, %get3A_343] {strides = array<i32>} : memref<128x128xf32, #tpu.memory_space<vmem>>, vector<1x16xf32>,
        %get3A_345 = vector.shape_cast %get3A_344 : vector<1x16xf32> to vector<16xf32>
        %get3A_346 = arith.index_cast %add3A_312 : i32 to index
        %get3A_347 = arith.constant 48 : index
        %get3A_348 = tpu.vector_load %arg12[%get3A_346, %get3A_347] {strides = array<i32>} : memref<128x128xf32, #tpu.memory_space<vmem>>, vector<1x16xf32>,
        %get3A_349 = vector.shape_cast %get3A_348 : vector<1x16xf32> to vector<16xf32>
        %mul3A_350 = arith.mulf %get3A_345, %get3A_349 : vector<16xf32>
        %add3A_351 = arith.addf %add3A_341, %mul3A_350 : vector<16xf32>
        %get3A_352 = arith.index_cast %add3A_312 : i32 to index
        %get3A_353 = arith.constant 64 : index
        %get3A_354 = tpu.vector_load %arg11[%get3A_352, %get3A_353] {strides = array<i32>} : memref<128x128xf32, #tpu.memory_space<vmem>>, vector<1x16xf32>,
        %get3A_355 = vector.shape_cast %get3A_354 : vector<1x16xf32> to vector<16xf32>
        %get3A_356 = arith.index_cast %add3A_312 : i32 to index
        %get3A_357 = arith.constant 64 : index
        %get3A_358 = tpu.vector_load %arg12[%get3A_356, %get3A_357] {strides = array<i32>} : memref<128x128xf32, #tpu.memory_space<vmem>>, vector<1x16xf32>,
        %get3A_359 = vector.shape_cast %get3A_358 : vector<1x16xf32> to vector<16xf32>
        %mul3A_360 = arith.mulf %get3A_355, %get3A_359 : vector<16xf32>
        %add3A_361 = arith.addf %add3A_351, %mul3A_360 : vector<16xf32>
        %get3A_362 = arith.index_cast %add3A_312 : i32 to index
        %get3A_363 = arith.constant 80 : index
        %get3A_364 = tpu.vector_load %arg11[%get3A_362, %get3A_363] {strides = array<i32>} : memref<128x128xf32, #tpu.memory_space<vmem>>, vector<1x16xf32>,
        %get3A_365 = vector.shape_cast %get3A_364 : vector<1x16xf32> to vector<16xf32>
        %get3A_366 = arith.index_cast %add3A_312 : i32 to index
        %get3A_367 = arith.constant 80 : index
        %get3A_368 = tpu.vector_load %arg12[%get3A_366, %get3A_367] {strides = array<i32>} : memref<128x128xf32, #tpu.memory_space<vmem>>, vector<1x16xf32>,
        %get3A_369 = vector.shape_cast %get3A_368 : vector<1x16xf32> to vector<16xf32>
        %mul3A_370 = arith.mulf %get3A_365, %get3A_369 : vector<16xf32>
        %add3A_371 = arith.addf %add3A_361, %mul3A_370 : vector<16xf32>
        %get3A_372 = arith.index_cast %add3A_312 : i32 to index
        %get3A_373 = arith.constant 96 : index
        %get3A_374 = tpu.vector_load %arg11[%get3A_372, %get3A_373] {strides = array<i32>} : memref<128x128xf32, #tpu.memory_space<vmem>>, vector<1x16xf32>,
        %get3A_375 = vector.shape_cast %get3A_374 : vector<1x16xf32> to vector<16xf32>
        %get3A_376 = arith.index_cast %add3A_312 : i32 to index
        %get3A_377 = arith.constant 96 : index
        %get3A_378 = tpu.vector_load %arg12[%get3A_376, %get3A_377] {strides = array<i32>} : memref<128x128xf32, #tpu.memory_space<vmem>>, vector<1x16xf32>,
        %get3A_379 = vector.shape_cast %get3A_378 : vector<1x16xf32> to vector<16xf32>
        %mul3A_380 = arith.mulf %get3A_375, %get3A_379 : vector<16xf32>
        %add3A_381 = arith.addf %add3A_371, %mul3A_380 : vector<16xf32>
        %get3A_382 = arith.index_cast %add3A_312 : i32 to index
        %get3A_383 = arith.constant 112 : index
        %get3A_384 = tpu.vector_load %arg11[%get3A_382, %get3A_383] {strides = array<i32>} : memref<128x128xf32, #tpu.memory_space<vmem>>, vector<1x16xf32>,
        %get3A_385 = vector.shape_cast %get3A_384 : vector<1x16xf32> to vector<16xf32>
        %get3A_386 = arith.index_cast %add3A_312 : i32 to index
        %get3A_387 = arith.constant 112 : index
        %get3A_388 = tpu.vector_load %arg12[%get3A_386, %get3A_387] {strides = array<i32>} : memref<128x128xf32, #tpu.memory_space<vmem>>, vector<1x16xf32>,
        %get3A_389 = vector.shape_cast %get3A_388 : vector<1x16xf32> to vector<16xf32>
        %mul3A_390 = arith.mulf %get3A_385, %get3A_389 : vector<16xf32>
        %add3A_391 = arith.addf %add3A_381, %mul3A_390 : vector<16xf32>
        %lt3A_392 = arith.constant 0 : i32
        %lt3A_393 = vector.broadcast %lt3A_392 : i32 to vector<16xi32>
        %lt3A_394 = arith.cmpi slt, %xor3A_74, %lt3A_393 : vector<16xi32>
        %add3A_395 = arith.constant 16 : i32
        %add3A_396 = vector.broadcast %add3A_395 : i32 to vector<16xi32>
        %add3A_397 = arith.addi %xor3A_74, %add3A_396 : vector<16xi32>
        %select_n3A_398 = arith.select %lt3A_394, %add3A_397, %xor3A_74 : vector<16xi1>, vector<16xi32>
        %broadcast_in_dim3A_399 = vector.shape_cast %select_n3A_398 : vector<16xi32> to vector<16x1xi32>
        %gather3A_400 = vector.shape_cast %broadcast_in_dim3A_399 : vector<16x1xi32> to vector<16xi32>
        %gather3A_401 = tpu.dynamic_gather %add3A_391[%gather3A_400] in [0] : vector<16xf32>, vector<16xi32> -> vector<16xf32>
        %add3A_402 = arith.addf %add3A_391, %gather3A_401 : vector<16xf32>
        %lt3A_403 = arith.constant 0 : i32
        %lt3A_404 = vector.broadcast %lt3A_403 : i32 to vector<16xi32>
        %lt3A_405 = arith.cmpi slt, %xor3A_77, %lt3A_404 : vector<16xi32>
        %add3A_406 = arith.constant 16 : i32
        %add3A_407 = vector.broadcast %add3A_406 : i32 to vector<16xi32>
        %add3A_408 = arith.addi %xor3A_77, %add3A_407 : vector<16xi32>
        %select_n3A_409 = arith.select %lt3A_405, %add3A_408, %xor3A_77 : vector<16xi1>, vector<16xi32>
        %broadcast_in_dim3A_410 = vector.shape_cast %select_n3A_409 : vector<16xi32> to vector<16x1xi32>
        %gather3A_411 = vector.shape_cast %broadcast_in_dim3A_410 : vector<16x1xi32> to vector<16xi32>
        %gather3A_412 = tpu.dynamic_gather %add3A_402[%gather3A_411] in [0] : vector<16xf32>, vector<16xi32> -> vector<16xf32>
        %add3A_413 = arith.addf %add3A_402, %gather3A_412 : vector<16xf32>
        %lt3A_414 = arith.constant 0 : i32
        %lt3A_415 = vector.broadcast %lt3A_414 : i32 to vector<16xi32>
        %lt3A_416 = arith.cmpi slt, %xor3A_80, %lt3A_415 : vector<16xi32>
        %add3A_417 = arith.constant 16 : i32
        %add3A_418 = vector.broadcast %add3A_417 : i32 to vector<16xi32>
        %add3A_419 = arith.addi %xor3A_80, %add3A_418 : vector<16xi32>
        %select_n3A_420 = arith.select %lt3A_416, %add3A_419, %xor3A_80 : vector<16xi1>, vector<16xi32>
        %broadcast_in_dim3A_421 = vector.shape_cast %select_n3A_420 : vector<16xi32> to vector<16x1xi32>
        %gather3A_422 = vector.shape_cast %broadcast_in_dim3A_421 : vector<16x1xi32> to vector<16xi32>
        %gather3A_423 = tpu.dynamic_gather %add3A_413[%gather3A_422] in [0] : vector<16xf32>, vector<16xi32> -> vector<16xf32>
        %add3A_424 = arith.addf %add3A_413, %gather3A_423 : vector<16xf32>
        %lt3A_425 = arith.constant 0 : i32
        %lt3A_426 = vector.broadcast %lt3A_425 : i32 to vector<16xi32>
        %lt3A_427 = arith.cmpi slt, %xor3A_83, %lt3A_426 : vector<16xi32>
        %add3A_428 = arith.constant 16 : i32
        %add3A_429 = vector.broadcast %add3A_428 : i32 to vector<16xi32>
        %add3A_430 = arith.addi %xor3A_83, %add3A_429 : vector<16xi32>
        %select_n3A_431 = arith.select %lt3A_427, %add3A_430, %xor3A_83 : vector<16xi1>, vector<16xi32>
        %broadcast_in_dim3A_432 = vector.shape_cast %select_n3A_431 : vector<16xi32> to vector<16x1xi32>
        %gather3A_433 = vector.shape_cast %broadcast_in_dim3A_432 : vector<16x1xi32> to vector<16xi32>
        %gather3A_434 = tpu.dynamic_gather %add3A_424[%gather3A_433] in [0] : vector<16xf32>, vector<16xi32> -> vector<16xf32>
        %add3A_435 = arith.addf %add3A_424, %gather3A_434 : vector<16xf32>
        %eq3A_436 = vector.broadcast %scan3A_309 : i32 to vector<16xi32>
        %eq3A_437 = arith.cmpi eq, %iota3A, %eq3A_436 : vector<16xi32>
        %select_n3A_438 = arith.select %eq3A_437, %add3A_435, %select_n3A_307 : vector<16xi1>, vector<16xf32>
        %scan3A_439 = arith.constant 2 : i32
        %scan3A_440 = arith.addi %scan3A_182, %scan3A_439 : i32
        %mul3A_441 = arith.constant 16 : i32
        %mul3A_442 = arith.muli %scan3A_167, %mul3A_441 : i32
        %add3A_443 = arith.addi %mul3A_442, %scan3A_440 : i32
        %get3A_444 = arith.index_cast %add3A_443 : i32 to index
        %get3A_445 = arith.constant 0 : index
        %get3A_446 = tpu.vector_load %arg11[%get3A_444, %get3A_445] {strides = array<i32>} : memref<128x128xf32, #tpu.memory_space<vmem>>, vector<1x16xf32>,
        %get3A_447 = vector.shape_cast %get3A_446 : vector<1x16xf32> to vector<16xf32>
        %get3A_448 = arith.index_cast %add3A_443 : i32 to index
        %get3A_449 = arith.constant 0 : index
        %get3A_450 = tpu.vector_load %arg12[%get3A_448, %get3A_449] {strides = array<i32>} : memref<128x128xf32, #tpu.memory_space<vmem>>, vector<1x16xf32>,
        %get3A_451 = vector.shape_cast %get3A_450 : vector<1x16xf32> to vector<16xf32>
        %mul3A_452 = arith.mulf %get3A_447, %get3A_451 : vector<16xf32>
        %get3A_453 = arith.index_cast %add3A_443 : i32 to index
        %get3A_454 = arith.constant 16 : index
        %get3A_455 = tpu.vector_load %arg11[%get3A_453, %get3A_454] {strides = array<i32>} : memref<128x128xf32, #tpu.memory_space<vmem>>, vector<1x16xf32>,
        %get3A_456 = vector.shape_cast %get3A_455 : vector<1x16xf32> to vector<16xf32>
        %get3A_457 = arith.index_cast %add3A_443 : i32 to index
        %get3A_458 = arith.constant 16 : index
        %get3A_459 = tpu.vector_load %arg12[%get3A_457, %get3A_458] {strides = array<i32>} : memref<128x128xf32, #tpu.memory_space<vmem>>, vector<1x16xf32>,
        %get3A_460 = vector.shape_cast %get3A_459 : vector<1x16xf32> to vector<16xf32>
        %mul3A_461 = arith.mulf %get3A_456, %get3A_460 : vector<16xf32>
        %add3A_462 = arith.addf %mul3A_452, %mul3A_461 : vector<16xf32>
        %get3A_463 = arith.index_cast %add3A_443 : i32 to index
        %get3A_464 = arith.constant 32 : index
        %get3A_465 = tpu.vector_load %arg11[%get3A_463, %get3A_464] {strides = array<i32>} : memref<128x128xf32, #tpu.memory_space<vmem>>, vector<1x16xf32>,
        %get3A_466 = vector.shape_cast %get3A_465 : vector<1x16xf32> to vector<16xf32>
        %get3A_467 = arith.index_cast %add3A_443 : i32 to index
        %get3A_468 = arith.constant 32 : index
        %get3A_469 = tpu.vector_load %arg12[%get3A_467, %get3A_468] {strides = array<i32>} : memref<128x128xf32, #tpu.memory_space<vmem>>, vector<1x16xf32>,
        %get3A_470 = vector.shape_cast %get3A_469 : vector<1x16xf32> to vector<16xf32>
        %mul3A_471 = arith.mulf %get3A_466, %get3A_470 : vector<16xf32>
        %add3A_472 = arith.addf %add3A_462, %mul3A_471 : vector<16xf32>
        %get3A_473 = arith.index_cast %add3A_443 : i32 to index
        %get3A_474 = arith.constant 48 : index
        %get3A_475 = tpu.vector_load %arg11[%get3A_473, %get3A_474] {strides = array<i32>} : memref<128x128xf32, #tpu.memory_space<vmem>>, vector<1x16xf32>,
        %get3A_476 = vector.shape_cast %get3A_475 : vector<1x16xf32> to vector<16xf32>
        %get3A_477 = arith.index_cast %add3A_443 : i32 to index
        %get3A_478 = arith.constant 48 : index
        %get3A_479 = tpu.vector_load %arg12[%get3A_477, %get3A_478] {strides = array<i32>} : memref<128x128xf32, #tpu.memory_space<vmem>>, vector<1x16xf32>,
        %get3A_480 = vector.shape_cast %get3A_479 : vector<1x16xf32> to vector<16xf32>
        %mul3A_481 = arith.mulf %get3A_476, %get3A_480 : vector<16xf32>
        %add3A_482 = arith.addf %add3A_472, %mul3A_481 : vector<16xf32>
        %get3A_483 = arith.index_cast %add3A_443 : i32 to index
        %get3A_484 = arith.constant 64 : index
        %get3A_485 = tpu.vector_load %arg11[%get3A_483, %get3A_484] {strides = array<i32>} : memref<128x128xf32, #tpu.memory_space<vmem>>, vector<1x16xf32>,
        %get3A_486 = vector.shape_cast %get3A_485 : vector<1x16xf32> to vector<16xf32>
        %get3A_487 = arith.index_cast %add3A_443 : i32 to index
        %get3A_488 = arith.constant 64 : index
        %get3A_489 = tpu.vector_load %arg12[%get3A_487, %get3A_488] {strides = array<i32>} : memref<128x128xf32, #tpu.memory_space<vmem>>, vector<1x16xf32>,
        %get3A_490 = vector.shape_cast %get3A_489 : vector<1x16xf32> to vector<16xf32>
        %mul3A_491 = arith.mulf %get3A_486, %get3A_490 : vector<16xf32>
        %add3A_492 = arith.addf %add3A_482, %mul3A_491 : vector<16xf32>
        %get3A_493 = arith.index_cast %add3A_443 : i32 to index
        %get3A_494 = arith.constant 80 : index
        %get3A_495 = tpu.vector_load %arg11[%get3A_493, %get3A_494] {strides = array<i32>} : memref<128x128xf32, #tpu.memory_space<vmem>>, vector<1x16xf32>,
        %get3A_496 = vector.shape_cast %get3A_495 : vector<1x16xf32> to vector<16xf32>
        %get3A_497 = arith.index_cast %add3A_443 : i32 to index
        %get3A_498 = arith.constant 80 : index
        %get3A_499 = tpu.vector_load %arg12[%get3A_497, %get3A_498] {strides = array<i32>} : memref<128x128xf32, #tpu.memory_space<vmem>>, vector<1x16xf32>,
        %get3A_500 = vector.shape_cast %get3A_499 : vector<1x16xf32> to vector<16xf32>
        %mul3A_501 = arith.mulf %get3A_496, %get3A_500 : vector<16xf32>
        %add3A_502 = arith.addf %add3A_492, %mul3A_501 : vector<16xf32>
        %get3A_503 = arith.index_cast %add3A_443 : i32 to index
        %get3A_504 = arith.constant 96 : index
        %get3A_505 = tpu.vector_load %arg11[%get3A_503, %get3A_504] {strides = array<i32>} : memref<128x128xf32, #tpu.memory_space<vmem>>, vector<1x16xf32>,
        %get3A_506 = vector.shape_cast %get3A_505 : vector<1x16xf32> to vector<16xf32>
        %get3A_507 = arith.index_cast %add3A_443 : i32 to index
        %get3A_508 = arith.constant 96 : index
        %get3A_509 = tpu.vector_load %arg12[%get3A_507, %get3A_508] {strides = array<i32>} : memref<128x128xf32, #tpu.memory_space<vmem>>, vector<1x16xf32>,
        %get3A_510 = vector.shape_cast %get3A_509 : vector<1x16xf32> to vector<16xf32>
        %mul3A_511 = arith.mulf %get3A_506, %get3A_510 : vector<16xf32>
        %add3A_512 = arith.addf %add3A_502, %mul3A_511 : vector<16xf32>
        %get3A_513 = arith.index_cast %add3A_443 : i32 to index
        %get3A_514 = arith.constant 112 : index
        %get3A_515 = tpu.vector_load %arg11[%get3A_513, %get3A_514] {strides = array<i32>} : memref<128x128xf32, #tpu.memory_space<vmem>>, vector<1x16xf32>,
        %get3A_516 = vector.shape_cast %get3A_515 : vector<1x16xf32> to vector<16xf32>
        %get3A_517 = arith.index_cast %add3A_443 : i32 to index
        %get3A_518 = arith.constant 112 : index
        %get3A_519 = tpu.vector_load %arg12[%get3A_517, %get3A_518] {strides = array<i32>} : memref<128x128xf32, #tpu.memory_space<vmem>>, vector<1x16xf32>,
        %get3A_520 = vector.shape_cast %get3A_519 : vector<1x16xf32> to vector<16xf32>
        %mul3A_521 = arith.mulf %get3A_516, %get3A_520 : vector<16xf32>
        %add3A_522 = arith.addf %add3A_512, %mul3A_521 : vector<16xf32>
        %lt3A_523 = arith.constant 0 : i32
        %lt3A_524 = vector.broadcast %lt3A_523 : i32 to vector<16xi32>
        %lt3A_525 = arith.cmpi slt, %xor3A_74, %lt3A_524 : vector<16xi32>
        %add3A_526 = arith.constant 16 : i32
        %add3A_527 = vector.broadcast %add3A_526 : i32 to vector<16xi32>
        %add3A_528 = arith.addi %xor3A_74, %add3A_527 : vector<16xi32>
        %select_n3A_529 = arith.select %lt3A_525, %add3A_528, %xor3A_74 : vector<16xi1>, vector<16xi32>
        %broadcast_in_dim3A_530 = vector.shape_cast %select_n3A_529 : vector<16xi32> to vector<16x1xi32>
        %gather3A_531 = vector.shape_cast %broadcast_in_dim3A_530 : vector<16x1xi32> to vector<16xi32>
        %gather3A_532 = tpu.dynamic_gather %add3A_522[%gather3A_531] in [0] : vector<16xf32>, vector<16xi32> -> vector<16xf32>
        %add3A_533 = arith.addf %add3A_522, %gather3A_532 : vector<16xf32>
        %lt3A_534 = arith.constant 0 : i32
        %lt3A_535 = vector.broadcast %lt3A_534 : i32 to vector<16xi32>
        %lt3A_536 = arith.cmpi slt, %xor3A_77, %lt3A_535 : vector<16xi32>
        %add3A_537 = arith.constant 16 : i32
        %add3A_538 = vector.broadcast %add3A_537 : i32 to vector<16xi32>
        %add3A_539 = arith.addi %xor3A_77, %add3A_538 : vector<16xi32>
        %select_n3A_540 = arith.select %lt3A_536, %add3A_539, %xor3A_77 : vector<16xi1>, vector<16xi32>
        %broadcast_in_dim3A_541 = vector.shape_cast %select_n3A_540 : vector<16xi32> to vector<16x1xi32>
        %gather3A_542 = vector.shape_cast %broadcast_in_dim3A_541 : vector<16x1xi32> to vector<16xi32>
        %gather3A_543 = tpu.dynamic_gather %add3A_533[%gather3A_542] in [0] : vector<16xf32>, vector<16xi32> -> vector<16xf32>
        %add3A_544 = arith.addf %add3A_533, %gather3A_543 : vector<16xf32>
        %lt3A_545 = arith.constant 0 : i32
        %lt3A_546 = vector.broadcast %lt3A_545 : i32 to vector<16xi32>
        %lt3A_547 = arith.cmpi slt, %xor3A_80, %lt3A_546 : vector<16xi32>
        %add3A_548 = arith.constant 16 : i32
        %add3A_549 = vector.broadcast %add3A_548 : i32 to vector<16xi32>
        %add3A_550 = arith.addi %xor3A_80, %add3A_549 : vector<16xi32>
        %select_n3A_551 = arith.select %lt3A_547, %add3A_550, %xor3A_80 : vector<16xi1>, vector<16xi32>
        %broadcast_in_dim3A_552 = vector.shape_cast %select_n3A_551 : vector<16xi32> to vector<16x1xi32>
        %gather3A_553 = vector.shape_cast %broadcast_in_dim3A_552 : vector<16x1xi32> to vector<16xi32>
        %gather3A_554 = tpu.dynamic_gather %add3A_544[%gather3A_553] in [0] : vector<16xf32>, vector<16xi32> -> vector<16xf32>
        %add3A_555 = arith.addf %add3A_544, %gather3A_554 : vector<16xf32>
        %lt3A_556 = arith.constant 0 : i32
        %lt3A_557 = vector.broadcast %lt3A_556 : i32 to vector<16xi32>
        %lt3A_558 = arith.cmpi slt, %xor3A_83, %lt3A_557 : vector<16xi32>
        %add3A_559 = arith.constant 16 : i32
        %add3A_560 = vector.broadcast %add3A_559 : i32 to vector<16xi32>
        %add3A_561 = arith.addi %xor3A_83, %add3A_560 : vector<16xi32>
        %select_n3A_562 = arith.select %lt3A_558, %add3A_561, %xor3A_83 : vector<16xi1>, vector<16xi32>
        %broadcast_in_dim3A_563 = vector.shape_cast %select_n3A_562 : vector<16xi32> to vector<16x1xi32>
        %gather3A_564 = vector.shape_cast %broadcast_in_dim3A_563 : vector<16x1xi32> to vector<16xi32>
        %gather3A_565 = tpu.dynamic_gather %add3A_555[%gather3A_564] in [0] : vector<16xf32>, vector<16xi32> -> vector<16xf32>
        %add3A_566 = arith.addf %add3A_555, %gather3A_565 : vector<16xf32>
        %eq3A_567 = vector.broadcast %scan3A_440 : i32 to vector<16xi32>
        %eq3A_568 = arith.cmpi eq, %iota3A, %eq3A_567 : vector<16xi32>
        %select_n3A_569 = arith.select %eq3A_568, %add3A_566, %select_n3A_438 : vector<16xi1>, vector<16xf32>
        %scan3A_570 = arith.constant 3 : i32
        %scan3A_571 = arith.addi %scan3A_182, %scan3A_570 : i32
        %mul3A_572 = arith.constant 16 : i32
        %mul3A_573 = arith.muli %scan3A_167, %mul3A_572 : i32
        %add3A_574 = arith.addi %mul3A_573, %scan3A_571 : i32
        %get3A_575 = arith.index_cast %add3A_574 : i32 to index
        %get3A_576 = arith.constant 0 : index
        %get3A_577 = tpu.vector_load %arg11[%get3A_575, %get3A_576] {strides = array<i32>} : memref<128x128xf32, #tpu.memory_space<vmem>>, vector<1x16xf32>,
        %get3A_578 = vector.shape_cast %get3A_577 : vector<1x16xf32> to vector<16xf32>
        %get3A_579 = arith.index_cast %add3A_574 : i32 to index
        %get3A_580 = arith.constant 0 : index
        %get3A_581 = tpu.vector_load %arg12[%get3A_579, %get3A_580] {strides = array<i32>} : memref<128x128xf32, #tpu.memory_space<vmem>>, vector<1x16xf32>,
        %get3A_582 = vector.shape_cast %get3A_581 : vector<1x16xf32> to vector<16xf32>
        %mul3A_583 = arith.mulf %get3A_578, %get3A_582 : vector<16xf32>
        %get3A_584 = arith.index_cast %add3A_574 : i32 to index
        %get3A_585 = arith.constant 16 : index
        %get3A_586 = tpu.vector_load %arg11[%get3A_584, %get3A_585] {strides = array<i32>} : memref<128x128xf32, #tpu.memory_space<vmem>>, vector<1x16xf32>,
        %get3A_587 = vector.shape_cast %get3A_586 : vector<1x16xf32> to vector<16xf32>
        %get3A_588 = arith.index_cast %add3A_574 : i32 to index
        %get3A_589 = arith.constant 16 : index
        %get3A_590 = tpu.vector_load %arg12[%get3A_588, %get3A_589] {strides = array<i32>} : memref<128x128xf32, #tpu.memory_space<vmem>>, vector<1x16xf32>,
        %get3A_591 = vector.shape_cast %get3A_590 : vector<1x16xf32> to vector<16xf32>
        %mul3A_592 = arith.mulf %get3A_587, %get3A_591 : vector<16xf32>
        %add3A_593 = arith.addf %mul3A_583, %mul3A_592 : vector<16xf32>
        %get3A_594 = arith.index_cast %add3A_574 : i32 to index
        %get3A_595 = arith.constant 32 : index
        %get3A_596 = tpu.vector_load %arg11[%get3A_594, %get3A_595] {strides = array<i32>} : memref<128x128xf32, #tpu.memory_space<vmem>>, vector<1x16xf32>,
        %get3A_597 = vector.shape_cast %get3A_596 : vector<1x16xf32> to vector<16xf32>
        %get3A_598 = arith.index_cast %add3A_574 : i32 to index
        %get3A_599 = arith.constant 32 : index
        %get3A_600 = tpu.vector_load %arg12[%get3A_598, %get3A_599] {strides = array<i32>} : memref<128x128xf32, #tpu.memory_space<vmem>>, vector<1x16xf32>,
        %get3A_601 = vector.shape_cast %get3A_600 : vector<1x16xf32> to vector<16xf32>
        %mul3A_602 = arith.mulf %get3A_597, %get3A_601 : vector<16xf32>
        %add3A_603 = arith.addf %add3A_593, %mul3A_602 : vector<16xf32>
        %get3A_604 = arith.index_cast %add3A_574 : i32 to index
        %get3A_605 = arith.constant 48 : index
        %get3A_606 = tpu.vector_load %arg11[%get3A_604, %get3A_605] {strides = array<i32>} : memref<128x128xf32, #tpu.memory_space<vmem>>, vector<1x16xf32>,
        %get3A_607 = vector.shape_cast %get3A_606 : vector<1x16xf32> to vector<16xf32>
        %get3A_608 = arith.index_cast %add3A_574 : i32 to index
        %get3A_609 = arith.constant 48 : index
        %get3A_610 = tpu.vector_load %arg12[%get3A_608, %get3A_609] {strides = array<i32>} : memref<128x128xf32, #tpu.memory_space<vmem>>, vector<1x16xf32>,
        %get3A_611 = vector.shape_cast %get3A_610 : vector<1x16xf32> to vector<16xf32>
        %mul3A_612 = arith.mulf %get3A_607, %get3A_611 : vector<16xf32>
        %add3A_613 = arith.addf %add3A_603, %mul3A_612 : vector<16xf32>
        %get3A_614 = arith.index_cast %add3A_574 : i32 to index
        %get3A_615 = arith.constant 64 : index
        %get3A_616 = tpu.vector_load %arg11[%get3A_614, %get3A_615] {strides = array<i32>} : memref<128x128xf32, #tpu.memory_space<vmem>>, vector<1x16xf32>,
        %get3A_617 = vector.shape_cast %get3A_616 : vector<1x16xf32> to vector<16xf32>
        %get3A_618 = arith.index_cast %add3A_574 : i32 to index
        %get3A_619 = arith.constant 64 : index
        %get3A_620 = tpu.vector_load %arg12[%get3A_618, %get3A_619] {strides = array<i32>} : memref<128x128xf32, #tpu.memory_space<vmem>>, vector<1x16xf32>,
        %get3A_621 = vector.shape_cast %get3A_620 : vector<1x16xf32> to vector<16xf32>
        %mul3A_622 = arith.mulf %get3A_617, %get3A_621 : vector<16xf32>
        %add3A_623 = arith.addf %add3A_613, %mul3A_622 : vector<16xf32>
        %get3A_624 = arith.index_cast %add3A_574 : i32 to index
        %get3A_625 = arith.constant 80 : index
        %get3A_626 = tpu.vector_load %arg11[%get3A_624, %get3A_625] {strides = array<i32>} : memref<128x128xf32, #tpu.memory_space<vmem>>, vector<1x16xf32>,
        %get3A_627 = vector.shape_cast %get3A_626 : vector<1x16xf32> to vector<16xf32>
        %get3A_628 = arith.index_cast %add3A_574 : i32 to index
        %get3A_629 = arith.constant 80 : index
        %get3A_630 = tpu.vector_load %arg12[%get3A_628, %get3A_629] {strides = array<i32>} : memref<128x128xf32, #tpu.memory_space<vmem>>, vector<1x16xf32>,
        %get3A_631 = vector.shape_cast %get3A_630 : vector<1x16xf32> to vector<16xf32>
        %mul3A_632 = arith.mulf %get3A_627, %get3A_631 : vector<16xf32>
        %add3A_633 = arith.addf %add3A_623, %mul3A_632 : vector<16xf32>
        %get3A_634 = arith.index_cast %add3A_574 : i32 to index
        %get3A_635 = arith.constant 96 : index
        %get3A_636 = tpu.vector_load %arg11[%get3A_634, %get3A_635] {strides = array<i32>} : memref<128x128xf32, #tpu.memory_space<vmem>>, vector<1x16xf32>,
        %get3A_637 = vector.shape_cast %get3A_636 : vector<1x16xf32> to vector<16xf32>
        %get3A_638 = arith.index_cast %add3A_574 : i32 to index
        %get3A_639 = arith.constant 96 : index
        %get3A_640 = tpu.vector_load %arg12[%get3A_638, %get3A_639] {strides = array<i32>} : memref<128x128xf32, #tpu.memory_space<vmem>>, vector<1x16xf32>,
        %get3A_641 = vector.shape_cast %get3A_640 : vector<1x16xf32> to vector<16xf32>
        %mul3A_642 = arith.mulf %get3A_637, %get3A_641 : vector<16xf32>
        %add3A_643 = arith.addf %add3A_633, %mul3A_642 : vector<16xf32>
        %get3A_644 = arith.index_cast %add3A_574 : i32 to index
        %get3A_645 = arith.constant 112 : index
        %get3A_646 = tpu.vector_load %arg11[%get3A_644, %get3A_645] {strides = array<i32>} : memref<128x128xf32, #tpu.memory_space<vmem>>, vector<1x16xf32>,
        %get3A_647 = vector.shape_cast %get3A_646 : vector<1x16xf32> to vector<16xf32>
        %get3A_648 = arith.index_cast %add3A_574 : i32 to index
        %get3A_649 = arith.constant 112 : index
        %get3A_650 = tpu.vector_load %arg12[%get3A_648, %get3A_649] {strides = array<i32>} : memref<128x128xf32, #tpu.memory_space<vmem>>, vector<1x16xf32>,
        %get3A_651 = vector.shape_cast %get3A_650 : vector<1x16xf32> to vector<16xf32>
        %mul3A_652 = arith.mulf %get3A_647, %get3A_651 : vector<16xf32>
        %add3A_653 = arith.addf %add3A_643, %mul3A_652 : vector<16xf32>
        %lt3A_654 = arith.constant 0 : i32
        %lt3A_655 = vector.broadcast %lt3A_654 : i32 to vector<16xi32>
        %lt3A_656 = arith.cmpi slt, %xor3A_74, %lt3A_655 : vector<16xi32>
        %add3A_657 = arith.constant 16 : i32
        %add3A_658 = vector.broadcast %add3A_657 : i32 to vector<16xi32>
        %add3A_659 = arith.addi %xor3A_74, %add3A_658 : vector<16xi32>
        %select_n3A_660 = arith.select %lt3A_656, %add3A_659, %xor3A_74 : vector<16xi1>, vector<16xi32>
        %broadcast_in_dim3A_661 = vector.shape_cast %select_n3A_660 : vector<16xi32> to vector<16x1xi32>
        %gather3A_662 = vector.shape_cast %broadcast_in_dim3A_661 : vector<16x1xi32> to vector<16xi32>
        %gather3A_663 = tpu.dynamic_gather %add3A_653[%gather3A_662] in [0] : vector<16xf32>, vector<16xi32> -> vector<16xf32>
        %add3A_664 = arith.addf %add3A_653, %gather3A_663 : vector<16xf32>
        %lt3A_665 = arith.constant 0 : i32
        %lt3A_666 = vector.broadcast %lt3A_665 : i32 to vector<16xi32>
        %lt3A_667 = arith.cmpi slt, %xor3A_77, %lt3A_666 : vector<16xi32>
        %add3A_668 = arith.constant 16 : i32
        %add3A_669 = vector.broadcast %add3A_668 : i32 to vector<16xi32>
        %add3A_670 = arith.addi %xor3A_77, %add3A_669 : vector<16xi32>
        %select_n3A_671 = arith.select %lt3A_667, %add3A_670, %xor3A_77 : vector<16xi1>, vector<16xi32>
        %broadcast_in_dim3A_672 = vector.shape_cast %select_n3A_671 : vector<16xi32> to vector<16x1xi32>
        %gather3A_673 = vector.shape_cast %broadcast_in_dim3A_672 : vector<16x1xi32> to vector<16xi32>
        %gather3A_674 = tpu.dynamic_gather %add3A_664[%gather3A_673] in [0] : vector<16xf32>, vector<16xi32> -> vector<16xf32>
        %add3A_675 = arith.addf %add3A_664, %gather3A_674 : vector<16xf32>
        %lt3A_676 = arith.constant 0 : i32
        %lt3A_677 = vector.broadcast %lt3A_676 : i32 to vector<16xi32>
        %lt3A_678 = arith.cmpi slt, %xor3A_80, %lt3A_677 : vector<16xi32>
        %add3A_679 = arith.constant 16 : i32
        %add3A_680 = vector.broadcast %add3A_679 : i32 to vector<16xi32>
        %add3A_681 = arith.addi %xor3A_80, %add3A_680 : vector<16xi32>
        %select_n3A_682 = arith.select %lt3A_678, %add3A_681, %xor3A_80 : vector<16xi1>, vector<16xi32>
        %broadcast_in_dim3A_683 = vector.shape_cast %select_n3A_682 : vector<16xi32> to vector<16x1xi32>
        %gather3A_684 = vector.shape_cast %broadcast_in_dim3A_683 : vector<16x1xi32> to vector<16xi32>
        %gather3A_685 = tpu.dynamic_gather %add3A_675[%gather3A_684] in [0] : vector<16xf32>, vector<16xi32> -> vector<16xf32>
        %add3A_686 = arith.addf %add3A_675, %gather3A_685 : vector<16xf32>
        %lt3A_687 = arith.constant 0 : i32
        %lt3A_688 = vector.broadcast %lt3A_687 : i32 to vector<16xi32>
        %lt3A_689 = arith.cmpi slt, %xor3A_83, %lt3A_688 : vector<16xi32>
        %add3A_690 = arith.constant 16 : i32
        %add3A_691 = vector.broadcast %add3A_690 : i32 to vector<16xi32>
        %add3A_692 = arith.addi %xor3A_83, %add3A_691 : vector<16xi32>
        %select_n3A_693 = arith.select %lt3A_689, %add3A_692, %xor3A_83 : vector<16xi1>, vector<16xi32>
        %broadcast_in_dim3A_694 = vector.shape_cast %select_n3A_693 : vector<16xi32> to vector<16x1xi32>
        %gather3A_695 = vector.shape_cast %broadcast_in_dim3A_694 : vector<16x1xi32> to vector<16xi32>
        %gather3A_696 = tpu.dynamic_gather %add3A_686[%gather3A_695] in [0] : vector<16xf32>, vector<16xi32> -> vector<16xf32>
        %add3A_697 = arith.addf %add3A_686, %gather3A_696 : vector<16xf32>
        %eq3A_698 = vector.broadcast %scan3A_571 : i32 to vector<16xi32>
        %eq3A_699 = arith.cmpi eq, %iota3A, %eq3A_698 : vector<16xi32>
        %select_n3A_700 = arith.select %eq3A_699, %add3A_697, %select_n3A_569 : vector<16xi1>, vector<16xf32>
        scf.yield %select_n3A_700 : vector<16xf32>
      }
      %scan3A_174 = arith.constant 16 : i32
      %mul3A_175 = arith.constant 16 : i32
      %mul3A_176 = arith.muli %scan3A_167, %mul3A_175 : i32
      %add3A_177 = arith.constant 128 : i32
      %add3A_178 = arith.addi %add3A_177, %mul3A_176 : i32
      %swap3A = arith.index_cast %add3A_178 : i32 to index
      %swap3A_179 = tpu.vector_load %arg15[%swap3A] {strides = array<i32>} : memref<512xf32, #tpu.memory_space<vmem>>, vector<16xf32>,
      %swap3A_180 = vector.shape_cast %swap3A_179 : vector<16xf32> to vector<16xf32>
      %swap3A_181 = vector.shape_cast %scan3A_173 : vector<16xf32> to vector<16xf32>
      tpu.vector_store %arg15[%swap3A], %swap3A_181 {strides = array<i32>} : memref<512xf32, #tpu.memory_space<vmem>>, vector<16xf32>,
    }
    %scan3A_134 = arith.constant 8 : i32
    %dma_wait3A_135 = arith.constant 256 : i32
    %dma_wait3A_136 = tpu.memref_slice %arg7[%dma_wait3A_135] : memref<512xi32, #tpu.memory_space<vmem>> -> memref<128xi32, #tpu.memory_space<vmem>>
    %dma_wait3A_137 = arith.constant 0 : i32
    %dma_wait3A_138 = arith.constant 0 : i32
    %dma_wait3A_139 = tpu.memref_slice %arg4[%dma_wait3A_137, %dma_wait3A_138] : memref<100000x128xf32, #tpu.memory_space<hbm>> -> memref<100000x128xf32, #tpu.memory_space<hbm>>
    tpu.wait_indirect_dma semaphore(%arg18 : memref<!tpu.dma_semaphore, #tpu.memory_space<semaphore_mem>>) src(%dma_wait3A_139 : memref<100000x128xf32, #tpu.memory_space<hbm>>) dst(%arg13 : memref<128x128xf32, #tpu.memory_space<vmem>>)
    %dma_wait3A_140 = arith.constant 256 : i32
    %dma_wait3A_141 = tpu.memref_slice %arg8[%dma_wait3A_140] : memref<512xi32, #tpu.memory_space<vmem>> -> memref<128xi32, #tpu.memory_space<vmem>>
    %dma_wait3A_142 = arith.constant 0 : i32
    %dma_wait3A_143 = arith.constant 0 : i32
    %dma_wait3A_144 = tpu.memref_slice %arg5[%dma_wait3A_142, %dma_wait3A_143] : memref<100000x128xf32, #tpu.memory_space<hbm>> -> memref<100000x128xf32, #tpu.memory_space<hbm>>
    tpu.wait_indirect_dma semaphore(%arg18 : memref<!tpu.dma_semaphore, #tpu.memory_space<semaphore_mem>>) src(%dma_wait3A_144 : memref<100000x128xf32, #tpu.memory_space<hbm>>) dst(%arg14 : memref<128x128xf32, #tpu.memory_space<vmem>>)
    %scan3A_145 = arith.constant 0 : i32
    %scan3A_146 = arith.constant 0 : i32
    %scan3A_147 = arith.constant 8 : i32
    %scan3A_148 = arith.addi %scan3A_146, %scan3A_147 : i32
    %scan3A_149 = arith.constant 1 : i32
    scf.for %scan3A_167 = %scan3A_146 to %scan3A_148 step %scan3A_149  : i32 {
      %broadcast_in_dim3A = arith.constant 0.000000e+00 : f32
      %broadcast_in_dim3A_168 = vector.broadcast %broadcast_in_dim3A : f32 to vector<16xf32>
      %scan3A_169 = arith.constant 0 : i32
      %scan3A_170 = arith.constant 16 : i32
      %scan3A_171 = arith.addi %scan3A_169, %scan3A_170 : i32
      %scan3A_172 = arith.constant 4 : i32
      %scan3A_173 = scf.for %scan3A_182 = %scan3A_169 to %scan3A_171 step %scan3A_172 iter_args(%scan3A_183 = %broadcast_in_dim3A_168) -> (vector<16xf32>)  : i32 {
        %mul3A_184 = arith.constant 16 : i32
        %mul3A_185 = arith.muli %scan3A_167, %mul3A_184 : i32
        %add3A_186 = arith.addi %mul3A_185, %scan3A_182 : i32
        %get3A = arith.index_cast %add3A_186 : i32 to index
        %get3A_187 = arith.constant 0 : index
        %get3A_188 = tpu.vector_load %arg13[%get3A, %get3A_187] {strides = array<i32>} : memref<128x128xf32, #tpu.memory_space<vmem>>, vector<1x16xf32>,
        %get3A_189 = vector.shape_cast %get3A_188 : vector<1x16xf32> to vector<16xf32>
        %get3A_190 = arith.index_cast %add3A_186 : i32 to index
        %get3A_191 = arith.constant 0 : index
        %get3A_192 = tpu.vector_load %arg14[%get3A_190, %get3A_191] {strides = array<i32>} : memref<128x128xf32, #tpu.memory_space<vmem>>, vector<1x16xf32>,
        %get3A_193 = vector.shape_cast %get3A_192 : vector<1x16xf32> to vector<16xf32>
        %mul3A_194 = arith.mulf %get3A_189, %get3A_193 : vector<16xf32>
        %get3A_195 = arith.index_cast %add3A_186 : i32 to index
        %get3A_196 = arith.constant 16 : index
        %get3A_197 = tpu.vector_load %arg13[%get3A_195, %get3A_196] {strides = array<i32>} : memref<128x128xf32, #tpu.memory_space<vmem>>, vector<1x16xf32>,
        %get3A_198 = vector.shape_cast %get3A_197 : vector<1x16xf32> to vector<16xf32>
        %get3A_199 = arith.index_cast %add3A_186 : i32 to index
        %get3A_200 = arith.constant 16 : index
        %get3A_201 = tpu.vector_load %arg14[%get3A_199, %get3A_200] {strides = array<i32>} : memref<128x128xf32, #tpu.memory_space<vmem>>, vector<1x16xf32>,
        %get3A_202 = vector.shape_cast %get3A_201 : vector<1x16xf32> to vector<16xf32>
        %mul3A_203 = arith.mulf %get3A_198, %get3A_202 : vector<16xf32>
        %add3A_204 = arith.addf %mul3A_194, %mul3A_203 : vector<16xf32>
        %get3A_205 = arith.index_cast %add3A_186 : i32 to index
        %get3A_206 = arith.constant 32 : index
        %get3A_207 = tpu.vector_load %arg13[%get3A_205, %get3A_206] {strides = array<i32>} : memref<128x128xf32, #tpu.memory_space<vmem>>, vector<1x16xf32>,
        %get3A_208 = vector.shape_cast %get3A_207 : vector<1x16xf32> to vector<16xf32>
        %get3A_209 = arith.index_cast %add3A_186 : i32 to index
        %get3A_210 = arith.constant 32 : index
        %get3A_211 = tpu.vector_load %arg14[%get3A_209, %get3A_210] {strides = array<i32>} : memref<128x128xf32, #tpu.memory_space<vmem>>, vector<1x16xf32>,
        %get3A_212 = vector.shape_cast %get3A_211 : vector<1x16xf32> to vector<16xf32>
        %mul3A_213 = arith.mulf %get3A_208, %get3A_212 : vector<16xf32>
        %add3A_214 = arith.addf %add3A_204, %mul3A_213 : vector<16xf32>
        %get3A_215 = arith.index_cast %add3A_186 : i32 to index
        %get3A_216 = arith.constant 48 : index
        %get3A_217 = tpu.vector_load %arg13[%get3A_215, %get3A_216] {strides = array<i32>} : memref<128x128xf32, #tpu.memory_space<vmem>>, vector<1x16xf32>,
        %get3A_218 = vector.shape_cast %get3A_217 : vector<1x16xf32> to vector<16xf32>
        %get3A_219 = arith.index_cast %add3A_186 : i32 to index
        %get3A_220 = arith.constant 48 : index
        %get3A_221 = tpu.vector_load %arg14[%get3A_219, %get3A_220] {strides = array<i32>} : memref<128x128xf32, #tpu.memory_space<vmem>>, vector<1x16xf32>,
        %get3A_222 = vector.shape_cast %get3A_221 : vector<1x16xf32> to vector<16xf32>
        %mul3A_223 = arith.mulf %get3A_218, %get3A_222 : vector<16xf32>
        %add3A_224 = arith.addf %add3A_214, %mul3A_223 : vector<16xf32>
        %get3A_225 = arith.index_cast %add3A_186 : i32 to index
        %get3A_226 = arith.constant 64 : index
        %get3A_227 = tpu.vector_load %arg13[%get3A_225, %get3A_226] {strides = array<i32>} : memref<128x128xf32, #tpu.memory_space<vmem>>, vector<1x16xf32>,
        %get3A_228 = vector.shape_cast %get3A_227 : vector<1x16xf32> to vector<16xf32>
        %get3A_229 = arith.index_cast %add3A_186 : i32 to index
        %get3A_230 = arith.constant 64 : index
        %get3A_231 = tpu.vector_load %arg14[%get3A_229, %get3A_230] {strides = array<i32>} : memref<128x128xf32, #tpu.memory_space<vmem>>, vector<1x16xf32>,
        %get3A_232 = vector.shape_cast %get3A_231 : vector<1x16xf32> to vector<16xf32>
        %mul3A_233 = arith.mulf %get3A_228, %get3A_232 : vector<16xf32>
        %add3A_234 = arith.addf %add3A_224, %mul3A_233 : vector<16xf32>
        %get3A_235 = arith.index_cast %add3A_186 : i32 to index
        %get3A_236 = arith.constant 80 : index
        %get3A_237 = tpu.vector_load %arg13[%get3A_235, %get3A_236] {strides = array<i32>} : memref<128x128xf32, #tpu.memory_space<vmem>>, vector<1x16xf32>,
        %get3A_238 = vector.shape_cast %get3A_237 : vector<1x16xf32> to vector<16xf32>
        %get3A_239 = arith.index_cast %add3A_186 : i32 to index
        %get3A_240 = arith.constant 80 : index
        %get3A_241 = tpu.vector_load %arg14[%get3A_239, %get3A_240] {strides = array<i32>} : memref<128x128xf32, #tpu.memory_space<vmem>>, vector<1x16xf32>,
        %get3A_242 = vector.shape_cast %get3A_241 : vector<1x16xf32> to vector<16xf32>
        %mul3A_243 = arith.mulf %get3A_238, %get3A_242 : vector<16xf32>
        %add3A_244 = arith.addf %add3A_234, %mul3A_243 : vector<16xf32>
        %get3A_245 = arith.index_cast %add3A_186 : i32 to index
        %get3A_246 = arith.constant 96 : index
        %get3A_247 = tpu.vector_load %arg13[%get3A_245, %get3A_246] {strides = array<i32>} : memref<128x128xf32, #tpu.memory_space<vmem>>, vector<1x16xf32>,
        %get3A_248 = vector.shape_cast %get3A_247 : vector<1x16xf32> to vector<16xf32>
        %get3A_249 = arith.index_cast %add3A_186 : i32 to index
        %get3A_250 = arith.constant 96 : index
        %get3A_251 = tpu.vector_load %arg14[%get3A_249, %get3A_250] {strides = array<i32>} : memref<128x128xf32, #tpu.memory_space<vmem>>, vector<1x16xf32>,
        %get3A_252 = vector.shape_cast %get3A_251 : vector<1x16xf32> to vector<16xf32>
        %mul3A_253 = arith.mulf %get3A_248, %get3A_252 : vector<16xf32>
        %add3A_254 = arith.addf %add3A_244, %mul3A_253 : vector<16xf32>
        %get3A_255 = arith.index_cast %add3A_186 : i32 to index
        %get3A_256 = arith.constant 112 : index
        %get3A_257 = tpu.vector_load %arg13[%get3A_255, %get3A_256] {strides = array<i32>} : memref<128x128xf32, #tpu.memory_space<vmem>>, vector<1x16xf32>,
        %get3A_258 = vector.shape_cast %get3A_257 : vector<1x16xf32> to vector<16xf32>
        %get3A_259 = arith.index_cast %add3A_186 : i32 to index
        %get3A_260 = arith.constant 112 : index
        %get3A_261 = tpu.vector_load %arg14[%get3A_259, %get3A_260] {strides = array<i32>} : memref<128x128xf32, #tpu.memory_space<vmem>>, vector<1x16xf32>,
        %get3A_262 = vector.shape_cast %get3A_261 : vector<1x16xf32> to vector<16xf32>
        %mul3A_263 = arith.mulf %get3A_258, %get3A_262 : vector<16xf32>
        %add3A_264 = arith.addf %add3A_254, %mul3A_263 : vector<16xf32>
        %lt3A = arith.constant 0 : i32
        %lt3A_265 = vector.broadcast %lt3A : i32 to vector<16xi32>
        %lt3A_266 = arith.cmpi slt, %xor3A_74, %lt3A_265 : vector<16xi32>
        %add3A_267 = arith.constant 16 : i32
        %add3A_268 = vector.broadcast %add3A_267 : i32 to vector<16xi32>
        %add3A_269 = arith.addi %xor3A_74, %add3A_268 : vector<16xi32>
        %select_n3A = arith.select %lt3A_266, %add3A_269, %xor3A_74 : vector<16xi1>, vector<16xi32>
        %broadcast_in_dim3A_270 = vector.shape_cast %select_n3A : vector<16xi32> to vector<16x1xi32>
        %gather3A = vector.shape_cast %broadcast_in_dim3A_270 : vector<16x1xi32> to vector<16xi32>
        %gather3A_271 = tpu.dynamic_gather %add3A_264[%gather3A] in [0] : vector<16xf32>, vector<16xi32> -> vector<16xf32>
        %add3A_272 = arith.addf %add3A_264, %gather3A_271 : vector<16xf32>
        %lt3A_273 = arith.constant 0 : i32
        %lt3A_274 = vector.broadcast %lt3A_273 : i32 to vector<16xi32>
        %lt3A_275 = arith.cmpi slt, %xor3A_77, %lt3A_274 : vector<16xi32>
        %add3A_276 = arith.constant 16 : i32
        %add3A_277 = vector.broadcast %add3A_276 : i32 to vector<16xi32>
        %add3A_278 = arith.addi %xor3A_77, %add3A_277 : vector<16xi32>
        %select_n3A_279 = arith.select %lt3A_275, %add3A_278, %xor3A_77 : vector<16xi1>, vector<16xi32>
        %broadcast_in_dim3A_280 = vector.shape_cast %select_n3A_279 : vector<16xi32> to vector<16x1xi32>
        %gather3A_281 = vector.shape_cast %broadcast_in_dim3A_280 : vector<16x1xi32> to vector<16xi32>
        %gather3A_282 = tpu.dynamic_gather %add3A_272[%gather3A_281] in [0] : vector<16xf32>, vector<16xi32> -> vector<16xf32>
        %add3A_283 = arith.addf %add3A_272, %gather3A_282 : vector<16xf32>
        %lt3A_284 = arith.constant 0 : i32
        %lt3A_285 = vector.broadcast %lt3A_284 : i32 to vector<16xi32>
        %lt3A_286 = arith.cmpi slt, %xor3A_80, %lt3A_285 : vector<16xi32>
        %add3A_287 = arith.constant 16 : i32
        %add3A_288 = vector.broadcast %add3A_287 : i32 to vector<16xi32>
        %add3A_289 = arith.addi %xor3A_80, %add3A_288 : vector<16xi32>
        %select_n3A_290 = arith.select %lt3A_286, %add3A_289, %xor3A_80 : vector<16xi1>, vector<16xi32>
        %broadcast_in_dim3A_291 = vector.shape_cast %select_n3A_290 : vector<16xi32> to vector<16x1xi32>
        %gather3A_292 = vector.shape_cast %broadcast_in_dim3A_291 : vector<16x1xi32> to vector<16xi32>
        %gather3A_293 = tpu.dynamic_gather %add3A_283[%gather3A_292] in [0] : vector<16xf32>, vector<16xi32> -> vector<16xf32>
        %add3A_294 = arith.addf %add3A_283, %gather3A_293 : vector<16xf32>
        %lt3A_295 = arith.constant 0 : i32
        %lt3A_296 = vector.broadcast %lt3A_295 : i32 to vector<16xi32>
        %lt3A_297 = arith.cmpi slt, %xor3A_83, %lt3A_296 : vector<16xi32>
        %add3A_298 = arith.constant 16 : i32
        %add3A_299 = vector.broadcast %add3A_298 : i32 to vector<16xi32>
        %add3A_300 = arith.addi %xor3A_83, %add3A_299 : vector<16xi32>
        %select_n3A_301 = arith.select %lt3A_297, %add3A_300, %xor3A_83 : vector<16xi1>, vector<16xi32>
        %broadcast_in_dim3A_302 = vector.shape_cast %select_n3A_301 : vector<16xi32> to vector<16x1xi32>
        %gather3A_303 = vector.shape_cast %broadcast_in_dim3A_302 : vector<16x1xi32> to vector<16xi32>
        %gather3A_304 = tpu.dynamic_gather %add3A_294[%gather3A_303] in [0] : vector<16xf32>, vector<16xi32> -> vector<16xf32>
        %add3A_305 = arith.addf %add3A_294, %gather3A_304 : vector<16xf32>
        %eq3A = vector.broadcast %scan3A_182 : i32 to vector<16xi32>
        %eq3A_306 = arith.cmpi eq, %iota3A, %eq3A : vector<16xi32>
        %select_n3A_307 = arith.select %eq3A_306, %add3A_305, %scan3A_183 : vector<16xi1>, vector<16xf32>
        %scan3A_308 = arith.constant 1 : i32
        %scan3A_309 = arith.addi %scan3A_182, %scan3A_308 : i32
        %mul3A_310 = arith.constant 16 : i32
        %mul3A_311 = arith.muli %scan3A_167, %mul3A_310 : i32
        %add3A_312 = arith.addi %mul3A_311, %scan3A_309 : i32
        %get3A_313 = arith.index_cast %add3A_312 : i32 to index
        %get3A_314 = arith.constant 0 : index
        %get3A_315 = tpu.vector_load %arg13[%get3A_313, %get3A_314] {strides = array<i32>} : memref<128x128xf32, #tpu.memory_space<vmem>>, vector<1x16xf32>,
        %get3A_316 = vector.shape_cast %get3A_315 : vector<1x16xf32> to vector<16xf32>
        %get3A_317 = arith.index_cast %add3A_312 : i32 to index
        %get3A_318 = arith.constant 0 : index
        %get3A_319 = tpu.vector_load %arg14[%get3A_317, %get3A_318] {strides = array<i32>} : memref<128x128xf32, #tpu.memory_space<vmem>>, vector<1x16xf32>,
        %get3A_320 = vector.shape_cast %get3A_319 : vector<1x16xf32> to vector<16xf32>
        %mul3A_321 = arith.mulf %get3A_316, %get3A_320 : vector<16xf32>
        %get3A_322 = arith.index_cast %add3A_312 : i32 to index
        %get3A_323 = arith.constant 16 : index
        %get3A_324 = tpu.vector_load %arg13[%get3A_322, %get3A_323] {strides = array<i32>} : memref<128x128xf32, #tpu.memory_space<vmem>>, vector<1x16xf32>,
        %get3A_325 = vector.shape_cast %get3A_324 : vector<1x16xf32> to vector<16xf32>
        %get3A_326 = arith.index_cast %add3A_312 : i32 to index
        %get3A_327 = arith.constant 16 : index
        %get3A_328 = tpu.vector_load %arg14[%get3A_326, %get3A_327] {strides = array<i32>} : memref<128x128xf32, #tpu.memory_space<vmem>>, vector<1x16xf32>,
        %get3A_329 = vector.shape_cast %get3A_328 : vector<1x16xf32> to vector<16xf32>
        %mul3A_330 = arith.mulf %get3A_325, %get3A_329 : vector<16xf32>
        %add3A_331 = arith.addf %mul3A_321, %mul3A_330 : vector<16xf32>
        %get3A_332 = arith.index_cast %add3A_312 : i32 to index
        %get3A_333 = arith.constant 32 : index
        %get3A_334 = tpu.vector_load %arg13[%get3A_332, %get3A_333] {strides = array<i32>} : memref<128x128xf32, #tpu.memory_space<vmem>>, vector<1x16xf32>,
        %get3A_335 = vector.shape_cast %get3A_334 : vector<1x16xf32> to vector<16xf32>
        %get3A_336 = arith.index_cast %add3A_312 : i32 to index
        %get3A_337 = arith.constant 32 : index
        %get3A_338 = tpu.vector_load %arg14[%get3A_336, %get3A_337] {strides = array<i32>} : memref<128x128xf32, #tpu.memory_space<vmem>>, vector<1x16xf32>,
        %get3A_339 = vector.shape_cast %get3A_338 : vector<1x16xf32> to vector<16xf32>
        %mul3A_340 = arith.mulf %get3A_335, %get3A_339 : vector<16xf32>
        %add3A_341 = arith.addf %add3A_331, %mul3A_340 : vector<16xf32>
        %get3A_342 = arith.index_cast %add3A_312 : i32 to index
        %get3A_343 = arith.constant 48 : index
        %get3A_344 = tpu.vector_load %arg13[%get3A_342, %get3A_343] {strides = array<i32>} : memref<128x128xf32, #tpu.memory_space<vmem>>, vector<1x16xf32>,
        %get3A_345 = vector.shape_cast %get3A_344 : vector<1x16xf32> to vector<16xf32>
        %get3A_346 = arith.index_cast %add3A_312 : i32 to index
        %get3A_347 = arith.constant 48 : index
        %get3A_348 = tpu.vector_load %arg14[%get3A_346, %get3A_347] {strides = array<i32>} : memref<128x128xf32, #tpu.memory_space<vmem>>, vector<1x16xf32>,
        %get3A_349 = vector.shape_cast %get3A_348 : vector<1x16xf32> to vector<16xf32>
        %mul3A_350 = arith.mulf %get3A_345, %get3A_349 : vector<16xf32>
        %add3A_351 = arith.addf %add3A_341, %mul3A_350 : vector<16xf32>
        %get3A_352 = arith.index_cast %add3A_312 : i32 to index
        %get3A_353 = arith.constant 64 : index
        %get3A_354 = tpu.vector_load %arg13[%get3A_352, %get3A_353] {strides = array<i32>} : memref<128x128xf32, #tpu.memory_space<vmem>>, vector<1x16xf32>,
        %get3A_355 = vector.shape_cast %get3A_354 : vector<1x16xf32> to vector<16xf32>
        %get3A_356 = arith.index_cast %add3A_312 : i32 to index
        %get3A_357 = arith.constant 64 : index
        %get3A_358 = tpu.vector_load %arg14[%get3A_356, %get3A_357] {strides = array<i32>} : memref<128x128xf32, #tpu.memory_space<vmem>>, vector<1x16xf32>,
        %get3A_359 = vector.shape_cast %get3A_358 : vector<1x16xf32> to vector<16xf32>
        %mul3A_360 = arith.mulf %get3A_355, %get3A_359 : vector<16xf32>
        %add3A_361 = arith.addf %add3A_351, %mul3A_360 : vector<16xf32>
        %get3A_362 = arith.index_cast %add3A_312 : i32 to index
        %get3A_363 = arith.constant 80 : index
        %get3A_364 = tpu.vector_load %arg13[%get3A_362, %get3A_363] {strides = array<i32>} : memref<128x128xf32, #tpu.memory_space<vmem>>, vector<1x16xf32>,
        %get3A_365 = vector.shape_cast %get3A_364 : vector<1x16xf32> to vector<16xf32>
        %get3A_366 = arith.index_cast %add3A_312 : i32 to index
        %get3A_367 = arith.constant 80 : index
        %get3A_368 = tpu.vector_load %arg14[%get3A_366, %get3A_367] {strides = array<i32>} : memref<128x128xf32, #tpu.memory_space<vmem>>, vector<1x16xf32>,
        %get3A_369 = vector.shape_cast %get3A_368 : vector<1x16xf32> to vector<16xf32>
        %mul3A_370 = arith.mulf %get3A_365, %get3A_369 : vector<16xf32>
        %add3A_371 = arith.addf %add3A_361, %mul3A_370 : vector<16xf32>
        %get3A_372 = arith.index_cast %add3A_312 : i32 to index
        %get3A_373 = arith.constant 96 : index
        %get3A_374 = tpu.vector_load %arg13[%get3A_372, %get3A_373] {strides = array<i32>} : memref<128x128xf32, #tpu.memory_space<vmem>>, vector<1x16xf32>,
        %get3A_375 = vector.shape_cast %get3A_374 : vector<1x16xf32> to vector<16xf32>
        %get3A_376 = arith.index_cast %add3A_312 : i32 to index
        %get3A_377 = arith.constant 96 : index
        %get3A_378 = tpu.vector_load %arg14[%get3A_376, %get3A_377] {strides = array<i32>} : memref<128x128xf32, #tpu.memory_space<vmem>>, vector<1x16xf32>,
        %get3A_379 = vector.shape_cast %get3A_378 : vector<1x16xf32> to vector<16xf32>
        %mul3A_380 = arith.mulf %get3A_375, %get3A_379 : vector<16xf32>
        %add3A_381 = arith.addf %add3A_371, %mul3A_380 : vector<16xf32>
        %get3A_382 = arith.index_cast %add3A_312 : i32 to index
        %get3A_383 = arith.constant 112 : index
        %get3A_384 = tpu.vector_load %arg13[%get3A_382, %get3A_383] {strides = array<i32>} : memref<128x128xf32, #tpu.memory_space<vmem>>, vector<1x16xf32>,
        %get3A_385 = vector.shape_cast %get3A_384 : vector<1x16xf32> to vector<16xf32>
        %get3A_386 = arith.index_cast %add3A_312 : i32 to index
        %get3A_387 = arith.constant 112 : index
        %get3A_388 = tpu.vector_load %arg14[%get3A_386, %get3A_387] {strides = array<i32>} : memref<128x128xf32, #tpu.memory_space<vmem>>, vector<1x16xf32>,
        %get3A_389 = vector.shape_cast %get3A_388 : vector<1x16xf32> to vector<16xf32>
        %mul3A_390 = arith.mulf %get3A_385, %get3A_389 : vector<16xf32>
        %add3A_391 = arith.addf %add3A_381, %mul3A_390 : vector<16xf32>
        %lt3A_392 = arith.constant 0 : i32
        %lt3A_393 = vector.broadcast %lt3A_392 : i32 to vector<16xi32>
        %lt3A_394 = arith.cmpi slt, %xor3A_74, %lt3A_393 : vector<16xi32>
        %add3A_395 = arith.constant 16 : i32
        %add3A_396 = vector.broadcast %add3A_395 : i32 to vector<16xi32>
        %add3A_397 = arith.addi %xor3A_74, %add3A_396 : vector<16xi32>
        %select_n3A_398 = arith.select %lt3A_394, %add3A_397, %xor3A_74 : vector<16xi1>, vector<16xi32>
        %broadcast_in_dim3A_399 = vector.shape_cast %select_n3A_398 : vector<16xi32> to vector<16x1xi32>
        %gather3A_400 = vector.shape_cast %broadcast_in_dim3A_399 : vector<16x1xi32> to vector<16xi32>
        %gather3A_401 = tpu.dynamic_gather %add3A_391[%gather3A_400] in [0] : vector<16xf32>, vector<16xi32> -> vector<16xf32>
        %add3A_402 = arith.addf %add3A_391, %gather3A_401 : vector<16xf32>
        %lt3A_403 = arith.constant 0 : i32
        %lt3A_404 = vector.broadcast %lt3A_403 : i32 to vector<16xi32>
        %lt3A_405 = arith.cmpi slt, %xor3A_77, %lt3A_404 : vector<16xi32>
        %add3A_406 = arith.constant 16 : i32
        %add3A_407 = vector.broadcast %add3A_406 : i32 to vector<16xi32>
        %add3A_408 = arith.addi %xor3A_77, %add3A_407 : vector<16xi32>
        %select_n3A_409 = arith.select %lt3A_405, %add3A_408, %xor3A_77 : vector<16xi1>, vector<16xi32>
        %broadcast_in_dim3A_410 = vector.shape_cast %select_n3A_409 : vector<16xi32> to vector<16x1xi32>
        %gather3A_411 = vector.shape_cast %broadcast_in_dim3A_410 : vector<16x1xi32> to vector<16xi32>
        %gather3A_412 = tpu.dynamic_gather %add3A_402[%gather3A_411] in [0] : vector<16xf32>, vector<16xi32> -> vector<16xf32>
        %add3A_413 = arith.addf %add3A_402, %gather3A_412 : vector<16xf32>
        %lt3A_414 = arith.constant 0 : i32
        %lt3A_415 = vector.broadcast %lt3A_414 : i32 to vector<16xi32>
        %lt3A_416 = arith.cmpi slt, %xor3A_80, %lt3A_415 : vector<16xi32>
        %add3A_417 = arith.constant 16 : i32
        %add3A_418 = vector.broadcast %add3A_417 : i32 to vector<16xi32>
        %add3A_419 = arith.addi %xor3A_80, %add3A_418 : vector<16xi32>
        %select_n3A_420 = arith.select %lt3A_416, %add3A_419, %xor3A_80 : vector<16xi1>, vector<16xi32>
        %broadcast_in_dim3A_421 = vector.shape_cast %select_n3A_420 : vector<16xi32> to vector<16x1xi32>
        %gather3A_422 = vector.shape_cast %broadcast_in_dim3A_421 : vector<16x1xi32> to vector<16xi32>
        %gather3A_423 = tpu.dynamic_gather %add3A_413[%gather3A_422] in [0] : vector<16xf32>, vector<16xi32> -> vector<16xf32>
        %add3A_424 = arith.addf %add3A_413, %gather3A_423 : vector<16xf32>
        %lt3A_425 = arith.constant 0 : i32
        %lt3A_426 = vector.broadcast %lt3A_425 : i32 to vector<16xi32>
        %lt3A_427 = arith.cmpi slt, %xor3A_83, %lt3A_426 : vector<16xi32>
        %add3A_428 = arith.constant 16 : i32
        %add3A_429 = vector.broadcast %add3A_428 : i32 to vector<16xi32>
        %add3A_430 = arith.addi %xor3A_83, %add3A_429 : vector<16xi32>
        %select_n3A_431 = arith.select %lt3A_427, %add3A_430, %xor3A_83 : vector<16xi1>, vector<16xi32>
        %broadcast_in_dim3A_432 = vector.shape_cast %select_n3A_431 : vector<16xi32> to vector<16x1xi32>
        %gather3A_433 = vector.shape_cast %broadcast_in_dim3A_432 : vector<16x1xi32> to vector<16xi32>
        %gather3A_434 = tpu.dynamic_gather %add3A_424[%gather3A_433] in [0] : vector<16xf32>, vector<16xi32> -> vector<16xf32>
        %add3A_435 = arith.addf %add3A_424, %gather3A_434 : vector<16xf32>
        %eq3A_436 = vector.broadcast %scan3A_309 : i32 to vector<16xi32>
        %eq3A_437 = arith.cmpi eq, %iota3A, %eq3A_436 : vector<16xi32>
        %select_n3A_438 = arith.select %eq3A_437, %add3A_435, %select_n3A_307 : vector<16xi1>, vector<16xf32>
        %scan3A_439 = arith.constant 2 : i32
        %scan3A_440 = arith.addi %scan3A_182, %scan3A_439 : i32
        %mul3A_441 = arith.constant 16 : i32
        %mul3A_442 = arith.muli %scan3A_167, %mul3A_441 : i32
        %add3A_443 = arith.addi %mul3A_442, %scan3A_440 : i32
        %get3A_444 = arith.index_cast %add3A_443 : i32 to index
        %get3A_445 = arith.constant 0 : index
        %get3A_446 = tpu.vector_load %arg13[%get3A_444, %get3A_445] {strides = array<i32>} : memref<128x128xf32, #tpu.memory_space<vmem>>, vector<1x16xf32>,
        %get3A_447 = vector.shape_cast %get3A_446 : vector<1x16xf32> to vector<16xf32>
        %get3A_448 = arith.index_cast %add3A_443 : i32 to index
        %get3A_449 = arith.constant 0 : index
        %get3A_450 = tpu.vector_load %arg14[%get3A_448, %get3A_449] {strides = array<i32>} : memref<128x128xf32, #tpu.memory_space<vmem>>, vector<1x16xf32>,
        %get3A_451 = vector.shape_cast %get3A_450 : vector<1x16xf32> to vector<16xf32>
        %mul3A_452 = arith.mulf %get3A_447, %get3A_451 : vector<16xf32>
        %get3A_453 = arith.index_cast %add3A_443 : i32 to index
        %get3A_454 = arith.constant 16 : index
        %get3A_455 = tpu.vector_load %arg13[%get3A_453, %get3A_454] {strides = array<i32>} : memref<128x128xf32, #tpu.memory_space<vmem>>, vector<1x16xf32>,
        %get3A_456 = vector.shape_cast %get3A_455 : vector<1x16xf32> to vector<16xf32>
        %get3A_457 = arith.index_cast %add3A_443 : i32 to index
        %get3A_458 = arith.constant 16 : index
        %get3A_459 = tpu.vector_load %arg14[%get3A_457, %get3A_458] {strides = array<i32>} : memref<128x128xf32, #tpu.memory_space<vmem>>, vector<1x16xf32>,
        %get3A_460 = vector.shape_cast %get3A_459 : vector<1x16xf32> to vector<16xf32>
        %mul3A_461 = arith.mulf %get3A_456, %get3A_460 : vector<16xf32>
        %add3A_462 = arith.addf %mul3A_452, %mul3A_461 : vector<16xf32>
        %get3A_463 = arith.index_cast %add3A_443 : i32 to index
        %get3A_464 = arith.constant 32 : index
        %get3A_465 = tpu.vector_load %arg13[%get3A_463, %get3A_464] {strides = array<i32>} : memref<128x128xf32, #tpu.memory_space<vmem>>, vector<1x16xf32>,
        %get3A_466 = vector.shape_cast %get3A_465 : vector<1x16xf32> to vector<16xf32>
        %get3A_467 = arith.index_cast %add3A_443 : i32 to index
        %get3A_468 = arith.constant 32 : index
        %get3A_469 = tpu.vector_load %arg14[%get3A_467, %get3A_468] {strides = array<i32>} : memref<128x128xf32, #tpu.memory_space<vmem>>, vector<1x16xf32>,
        %get3A_470 = vector.shape_cast %get3A_469 : vector<1x16xf32> to vector<16xf32>
        %mul3A_471 = arith.mulf %get3A_466, %get3A_470 : vector<16xf32>
        %add3A_472 = arith.addf %add3A_462, %mul3A_471 : vector<16xf32>
        %get3A_473 = arith.index_cast %add3A_443 : i32 to index
        %get3A_474 = arith.constant 48 : index
        %get3A_475 = tpu.vector_load %arg13[%get3A_473, %get3A_474] {strides = array<i32>} : memref<128x128xf32, #tpu.memory_space<vmem>>, vector<1x16xf32>,
        %get3A_476 = vector.shape_cast %get3A_475 : vector<1x16xf32> to vector<16xf32>
        %get3A_477 = arith.index_cast %add3A_443 : i32 to index
        %get3A_478 = arith.constant 48 : index
        %get3A_479 = tpu.vector_load %arg14[%get3A_477, %get3A_478] {strides = array<i32>} : memref<128x128xf32, #tpu.memory_space<vmem>>, vector<1x16xf32>,
        %get3A_480 = vector.shape_cast %get3A_479 : vector<1x16xf32> to vector<16xf32>
        %mul3A_481 = arith.mulf %get3A_476, %get3A_480 : vector<16xf32>
        %add3A_482 = arith.addf %add3A_472, %mul3A_481 : vector<16xf32>
        %get3A_483 = arith.index_cast %add3A_443 : i32 to index
        %get3A_484 = arith.constant 64 : index
        %get3A_485 = tpu.vector_load %arg13[%get3A_483, %get3A_484] {strides = array<i32>} : memref<128x128xf32, #tpu.memory_space<vmem>>, vector<1x16xf32>,
        %get3A_486 = vector.shape_cast %get3A_485 : vector<1x16xf32> to vector<16xf32>
        %get3A_487 = arith.index_cast %add3A_443 : i32 to index
        %get3A_488 = arith.constant 64 : index
        %get3A_489 = tpu.vector_load %arg14[%get3A_487, %get3A_488] {strides = array<i32>} : memref<128x128xf32, #tpu.memory_space<vmem>>, vector<1x16xf32>,
        %get3A_490 = vector.shape_cast %get3A_489 : vector<1x16xf32> to vector<16xf32>
        %mul3A_491 = arith.mulf %get3A_486, %get3A_490 : vector<16xf32>
        %add3A_492 = arith.addf %add3A_482, %mul3A_491 : vector<16xf32>
        %get3A_493 = arith.index_cast %add3A_443 : i32 to index
        %get3A_494 = arith.constant 80 : index
        %get3A_495 = tpu.vector_load %arg13[%get3A_493, %get3A_494] {strides = array<i32>} : memref<128x128xf32, #tpu.memory_space<vmem>>, vector<1x16xf32>,
        %get3A_496 = vector.shape_cast %get3A_495 : vector<1x16xf32> to vector<16xf32>
        %get3A_497 = arith.index_cast %add3A_443 : i32 to index
        %get3A_498 = arith.constant 80 : index
        %get3A_499 = tpu.vector_load %arg14[%get3A_497, %get3A_498] {strides = array<i32>} : memref<128x128xf32, #tpu.memory_space<vmem>>, vector<1x16xf32>,
        %get3A_500 = vector.shape_cast %get3A_499 : vector<1x16xf32> to vector<16xf32>
        %mul3A_501 = arith.mulf %get3A_496, %get3A_500 : vector<16xf32>
        %add3A_502 = arith.addf %add3A_492, %mul3A_501 : vector<16xf32>
        %get3A_503 = arith.index_cast %add3A_443 : i32 to index
        %get3A_504 = arith.constant 96 : index
        %get3A_505 = tpu.vector_load %arg13[%get3A_503, %get3A_504] {strides = array<i32>} : memref<128x128xf32, #tpu.memory_space<vmem>>, vector<1x16xf32>,
        %get3A_506 = vector.shape_cast %get3A_505 : vector<1x16xf32> to vector<16xf32>
        %get3A_507 = arith.index_cast %add3A_443 : i32 to index
        %get3A_508 = arith.constant 96 : index
        %get3A_509 = tpu.vector_load %arg14[%get3A_507, %get3A_508] {strides = array<i32>} : memref<128x128xf32, #tpu.memory_space<vmem>>, vector<1x16xf32>,
        %get3A_510 = vector.shape_cast %get3A_509 : vector<1x16xf32> to vector<16xf32>
        %mul3A_511 = arith.mulf %get3A_506, %get3A_510 : vector<16xf32>
        %add3A_512 = arith.addf %add3A_502, %mul3A_511 : vector<16xf32>
        %get3A_513 = arith.index_cast %add3A_443 : i32 to index
        %get3A_514 = arith.constant 112 : index
        %get3A_515 = tpu.vector_load %arg13[%get3A_513, %get3A_514] {strides = array<i32>} : memref<128x128xf32, #tpu.memory_space<vmem>>, vector<1x16xf32>,
        %get3A_516 = vector.shape_cast %get3A_515 : vector<1x16xf32> to vector<16xf32>
        %get3A_517 = arith.index_cast %add3A_443 : i32 to index
        %get3A_518 = arith.constant 112 : index
        %get3A_519 = tpu.vector_load %arg14[%get3A_517, %get3A_518] {strides = array<i32>} : memref<128x128xf32, #tpu.memory_space<vmem>>, vector<1x16xf32>,
        %get3A_520 = vector.shape_cast %get3A_519 : vector<1x16xf32> to vector<16xf32>
        %mul3A_521 = arith.mulf %get3A_516, %get3A_520 : vector<16xf32>
        %add3A_522 = arith.addf %add3A_512, %mul3A_521 : vector<16xf32>
        %lt3A_523 = arith.constant 0 : i32
        %lt3A_524 = vector.broadcast %lt3A_523 : i32 to vector<16xi32>
        %lt3A_525 = arith.cmpi slt, %xor3A_74, %lt3A_524 : vector<16xi32>
        %add3A_526 = arith.constant 16 : i32
        %add3A_527 = vector.broadcast %add3A_526 : i32 to vector<16xi32>
        %add3A_528 = arith.addi %xor3A_74, %add3A_527 : vector<16xi32>
        %select_n3A_529 = arith.select %lt3A_525, %add3A_528, %xor3A_74 : vector<16xi1>, vector<16xi32>
        %broadcast_in_dim3A_530 = vector.shape_cast %select_n3A_529 : vector<16xi32> to vector<16x1xi32>
        %gather3A_531 = vector.shape_cast %broadcast_in_dim3A_530 : vector<16x1xi32> to vector<16xi32>
        %gather3A_532 = tpu.dynamic_gather %add3A_522[%gather3A_531] in [0] : vector<16xf32>, vector<16xi32> -> vector<16xf32>
        %add3A_533 = arith.addf %add3A_522, %gather3A_532 : vector<16xf32>
        %lt3A_534 = arith.constant 0 : i32
        %lt3A_535 = vector.broadcast %lt3A_534 : i32 to vector<16xi32>
        %lt3A_536 = arith.cmpi slt, %xor3A_77, %lt3A_535 : vector<16xi32>
        %add3A_537 = arith.constant 16 : i32
        %add3A_538 = vector.broadcast %add3A_537 : i32 to vector<16xi32>
        %add3A_539 = arith.addi %xor3A_77, %add3A_538 : vector<16xi32>
        %select_n3A_540 = arith.select %lt3A_536, %add3A_539, %xor3A_77 : vector<16xi1>, vector<16xi32>
        %broadcast_in_dim3A_541 = vector.shape_cast %select_n3A_540 : vector<16xi32> to vector<16x1xi32>
        %gather3A_542 = vector.shape_cast %broadcast_in_dim3A_541 : vector<16x1xi32> to vector<16xi32>
        %gather3A_543 = tpu.dynamic_gather %add3A_533[%gather3A_542] in [0] : vector<16xf32>, vector<16xi32> -> vector<16xf32>
        %add3A_544 = arith.addf %add3A_533, %gather3A_543 : vector<16xf32>
        %lt3A_545 = arith.constant 0 : i32
        %lt3A_546 = vector.broadcast %lt3A_545 : i32 to vector<16xi32>
        %lt3A_547 = arith.cmpi slt, %xor3A_80, %lt3A_546 : vector<16xi32>
        %add3A_548 = arith.constant 16 : i32
        %add3A_549 = vector.broadcast %add3A_548 : i32 to vector<16xi32>
        %add3A_550 = arith.addi %xor3A_80, %add3A_549 : vector<16xi32>
        %select_n3A_551 = arith.select %lt3A_547, %add3A_550, %xor3A_80 : vector<16xi1>, vector<16xi32>
        %broadcast_in_dim3A_552 = vector.shape_cast %select_n3A_551 : vector<16xi32> to vector<16x1xi32>
        %gather3A_553 = vector.shape_cast %broadcast_in_dim3A_552 : vector<16x1xi32> to vector<16xi32>
        %gather3A_554 = tpu.dynamic_gather %add3A_544[%gather3A_553] in [0] : vector<16xf32>, vector<16xi32> -> vector<16xf32>
        %add3A_555 = arith.addf %add3A_544, %gather3A_554 : vector<16xf32>
        %lt3A_556 = arith.constant 0 : i32
        %lt3A_557 = vector.broadcast %lt3A_556 : i32 to vector<16xi32>
        %lt3A_558 = arith.cmpi slt, %xor3A_83, %lt3A_557 : vector<16xi32>
        %add3A_559 = arith.constant 16 : i32
        %add3A_560 = vector.broadcast %add3A_559 : i32 to vector<16xi32>
        %add3A_561 = arith.addi %xor3A_83, %add3A_560 : vector<16xi32>
        %select_n3A_562 = arith.select %lt3A_558, %add3A_561, %xor3A_83 : vector<16xi1>, vector<16xi32>
        %broadcast_in_dim3A_563 = vector.shape_cast %select_n3A_562 : vector<16xi32> to vector<16x1xi32>
        %gather3A_564 = vector.shape_cast %broadcast_in_dim3A_563 : vector<16x1xi32> to vector<16xi32>
        %gather3A_565 = tpu.dynamic_gather %add3A_555[%gather3A_564] in [0] : vector<16xf32>, vector<16xi32> -> vector<16xf32>
        %add3A_566 = arith.addf %add3A_555, %gather3A_565 : vector<16xf32>
        %eq3A_567 = vector.broadcast %scan3A_440 : i32 to vector<16xi32>
        %eq3A_568 = arith.cmpi eq, %iota3A, %eq3A_567 : vector<16xi32>
        %select_n3A_569 = arith.select %eq3A_568, %add3A_566, %select_n3A_438 : vector<16xi1>, vector<16xf32>
        %scan3A_570 = arith.constant 3 : i32
        %scan3A_571 = arith.addi %scan3A_182, %scan3A_570 : i32
        %mul3A_572 = arith.constant 16 : i32
        %mul3A_573 = arith.muli %scan3A_167, %mul3A_572 : i32
        %add3A_574 = arith.addi %mul3A_573, %scan3A_571 : i32
        %get3A_575 = arith.index_cast %add3A_574 : i32 to index
        %get3A_576 = arith.constant 0 : index
        %get3A_577 = tpu.vector_load %arg13[%get3A_575, %get3A_576] {strides = array<i32>} : memref<128x128xf32, #tpu.memory_space<vmem>>, vector<1x16xf32>,
        %get3A_578 = vector.shape_cast %get3A_577 : vector<1x16xf32> to vector<16xf32>
        %get3A_579 = arith.index_cast %add3A_574 : i32 to index
        %get3A_580 = arith.constant 0 : index
        %get3A_581 = tpu.vector_load %arg14[%get3A_579, %get3A_580] {strides = array<i32>} : memref<128x128xf32, #tpu.memory_space<vmem>>, vector<1x16xf32>,
        %get3A_582 = vector.shape_cast %get3A_581 : vector<1x16xf32> to vector<16xf32>
        %mul3A_583 = arith.mulf %get3A_578, %get3A_582 : vector<16xf32>
        %get3A_584 = arith.index_cast %add3A_574 : i32 to index
        %get3A_585 = arith.constant 16 : index
        %get3A_586 = tpu.vector_load %arg13[%get3A_584, %get3A_585] {strides = array<i32>} : memref<128x128xf32, #tpu.memory_space<vmem>>, vector<1x16xf32>,
        %get3A_587 = vector.shape_cast %get3A_586 : vector<1x16xf32> to vector<16xf32>
        %get3A_588 = arith.index_cast %add3A_574 : i32 to index
        %get3A_589 = arith.constant 16 : index
        %get3A_590 = tpu.vector_load %arg14[%get3A_588, %get3A_589] {strides = array<i32>} : memref<128x128xf32, #tpu.memory_space<vmem>>, vector<1x16xf32>,
        %get3A_591 = vector.shape_cast %get3A_590 : vector<1x16xf32> to vector<16xf32>
        %mul3A_592 = arith.mulf %get3A_587, %get3A_591 : vector<16xf32>
        %add3A_593 = arith.addf %mul3A_583, %mul3A_592 : vector<16xf32>
        %get3A_594 = arith.index_cast %add3A_574 : i32 to index
        %get3A_595 = arith.constant 32 : index
        %get3A_596 = tpu.vector_load %arg13[%get3A_594, %get3A_595] {strides = array<i32>} : memref<128x128xf32, #tpu.memory_space<vmem>>, vector<1x16xf32>,
        %get3A_597 = vector.shape_cast %get3A_596 : vector<1x16xf32> to vector<16xf32>
        %get3A_598 = arith.index_cast %add3A_574 : i32 to index
        %get3A_599 = arith.constant 32 : index
        %get3A_600 = tpu.vector_load %arg14[%get3A_598, %get3A_599] {strides = array<i32>} : memref<128x128xf32, #tpu.memory_space<vmem>>, vector<1x16xf32>,
        %get3A_601 = vector.shape_cast %get3A_600 : vector<1x16xf32> to vector<16xf32>
        %mul3A_602 = arith.mulf %get3A_597, %get3A_601 : vector<16xf32>
        %add3A_603 = arith.addf %add3A_593, %mul3A_602 : vector<16xf32>
        %get3A_604 = arith.index_cast %add3A_574 : i32 to index
        %get3A_605 = arith.constant 48 : index
        %get3A_606 = tpu.vector_load %arg13[%get3A_604, %get3A_605] {strides = array<i32>} : memref<128x128xf32, #tpu.memory_space<vmem>>, vector<1x16xf32>,
        %get3A_607 = vector.shape_cast %get3A_606 : vector<1x16xf32> to vector<16xf32>
        %get3A_608 = arith.index_cast %add3A_574 : i32 to index
        %get3A_609 = arith.constant 48 : index
        %get3A_610 = tpu.vector_load %arg14[%get3A_608, %get3A_609] {strides = array<i32>} : memref<128x128xf32, #tpu.memory_space<vmem>>, vector<1x16xf32>,
        %get3A_611 = vector.shape_cast %get3A_610 : vector<1x16xf32> to vector<16xf32>
        %mul3A_612 = arith.mulf %get3A_607, %get3A_611 : vector<16xf32>
        %add3A_613 = arith.addf %add3A_603, %mul3A_612 : vector<16xf32>
        %get3A_614 = arith.index_cast %add3A_574 : i32 to index
        %get3A_615 = arith.constant 64 : index
        %get3A_616 = tpu.vector_load %arg13[%get3A_614, %get3A_615] {strides = array<i32>} : memref<128x128xf32, #tpu.memory_space<vmem>>, vector<1x16xf32>,
        %get3A_617 = vector.shape_cast %get3A_616 : vector<1x16xf32> to vector<16xf32>
        %get3A_618 = arith.index_cast %add3A_574 : i32 to index
        %get3A_619 = arith.constant 64 : index
        %get3A_620 = tpu.vector_load %arg14[%get3A_618, %get3A_619] {strides = array<i32>} : memref<128x128xf32, #tpu.memory_space<vmem>>, vector<1x16xf32>,
        %get3A_621 = vector.shape_cast %get3A_620 : vector<1x16xf32> to vector<16xf32>
        %mul3A_622 = arith.mulf %get3A_617, %get3A_621 : vector<16xf32>
        %add3A_623 = arith.addf %add3A_613, %mul3A_622 : vector<16xf32>
        %get3A_624 = arith.index_cast %add3A_574 : i32 to index
        %get3A_625 = arith.constant 80 : index
        %get3A_626 = tpu.vector_load %arg13[%get3A_624, %get3A_625] {strides = array<i32>} : memref<128x128xf32, #tpu.memory_space<vmem>>, vector<1x16xf32>,
        %get3A_627 = vector.shape_cast %get3A_626 : vector<1x16xf32> to vector<16xf32>
        %get3A_628 = arith.index_cast %add3A_574 : i32 to index
        %get3A_629 = arith.constant 80 : index
        %get3A_630 = tpu.vector_load %arg14[%get3A_628, %get3A_629] {strides = array<i32>} : memref<128x128xf32, #tpu.memory_space<vmem>>, vector<1x16xf32>,
        %get3A_631 = vector.shape_cast %get3A_630 : vector<1x16xf32> to vector<16xf32>
        %mul3A_632 = arith.mulf %get3A_627, %get3A_631 : vector<16xf32>
        %add3A_633 = arith.addf %add3A_623, %mul3A_632 : vector<16xf32>
        %get3A_634 = arith.index_cast %add3A_574 : i32 to index
        %get3A_635 = arith.constant 96 : index
        %get3A_636 = tpu.vector_load %arg13[%get3A_634, %get3A_635] {strides = array<i32>} : memref<128x128xf32, #tpu.memory_space<vmem>>, vector<1x16xf32>,
        %get3A_637 = vector.shape_cast %get3A_636 : vector<1x16xf32> to vector<16xf32>
        %get3A_638 = arith.index_cast %add3A_574 : i32 to index
        %get3A_639 = arith.constant 96 : index
        %get3A_640 = tpu.vector_load %arg14[%get3A_638, %get3A_639] {strides = array<i32>} : memref<128x128xf32, #tpu.memory_space<vmem>>, vector<1x16xf32>,
        %get3A_641 = vector.shape_cast %get3A_640 : vector<1x16xf32> to vector<16xf32>
        %mul3A_642 = arith.mulf %get3A_637, %get3A_641 : vector<16xf32>
        %add3A_643 = arith.addf %add3A_633, %mul3A_642 : vector<16xf32>
        %get3A_644 = arith.index_cast %add3A_574 : i32 to index
        %get3A_645 = arith.constant 112 : index
        %get3A_646 = tpu.vector_load %arg13[%get3A_644, %get3A_645] {strides = array<i32>} : memref<128x128xf32, #tpu.memory_space<vmem>>, vector<1x16xf32>,
        %get3A_647 = vector.shape_cast %get3A_646 : vector<1x16xf32> to vector<16xf32>
        %get3A_648 = arith.index_cast %add3A_574 : i32 to index
        %get3A_649 = arith.constant 112 : index
        %get3A_650 = tpu.vector_load %arg14[%get3A_648, %get3A_649] {strides = array<i32>} : memref<128x128xf32, #tpu.memory_space<vmem>>, vector<1x16xf32>,
        %get3A_651 = vector.shape_cast %get3A_650 : vector<1x16xf32> to vector<16xf32>
        %mul3A_652 = arith.mulf %get3A_647, %get3A_651 : vector<16xf32>
        %add3A_653 = arith.addf %add3A_643, %mul3A_652 : vector<16xf32>
        %lt3A_654 = arith.constant 0 : i32
        %lt3A_655 = vector.broadcast %lt3A_654 : i32 to vector<16xi32>
        %lt3A_656 = arith.cmpi slt, %xor3A_74, %lt3A_655 : vector<16xi32>
        %add3A_657 = arith.constant 16 : i32
        %add3A_658 = vector.broadcast %add3A_657 : i32 to vector<16xi32>
        %add3A_659 = arith.addi %xor3A_74, %add3A_658 : vector<16xi32>
        %select_n3A_660 = arith.select %lt3A_656, %add3A_659, %xor3A_74 : vector<16xi1>, vector<16xi32>
        %broadcast_in_dim3A_661 = vector.shape_cast %select_n3A_660 : vector<16xi32> to vector<16x1xi32>
        %gather3A_662 = vector.shape_cast %broadcast_in_dim3A_661 : vector<16x1xi32> to vector<16xi32>
        %gather3A_663 = tpu.dynamic_gather %add3A_653[%gather3A_662] in [0] : vector<16xf32>, vector<16xi32> -> vector<16xf32>
        %add3A_664 = arith.addf %add3A_653, %gather3A_663 : vector<16xf32>
        %lt3A_665 = arith.constant 0 : i32
        %lt3A_666 = vector.broadcast %lt3A_665 : i32 to vector<16xi32>
        %lt3A_667 = arith.cmpi slt, %xor3A_77, %lt3A_666 : vector<16xi32>
        %add3A_668 = arith.constant 16 : i32
        %add3A_669 = vector.broadcast %add3A_668 : i32 to vector<16xi32>
        %add3A_670 = arith.addi %xor3A_77, %add3A_669 : vector<16xi32>
        %select_n3A_671 = arith.select %lt3A_667, %add3A_670, %xor3A_77 : vector<16xi1>, vector<16xi32>
        %broadcast_in_dim3A_672 = vector.shape_cast %select_n3A_671 : vector<16xi32> to vector<16x1xi32>
        %gather3A_673 = vector.shape_cast %broadcast_in_dim3A_672 : vector<16x1xi32> to vector<16xi32>
        %gather3A_674 = tpu.dynamic_gather %add3A_664[%gather3A_673] in [0] : vector<16xf32>, vector<16xi32> -> vector<16xf32>
        %add3A_675 = arith.addf %add3A_664, %gather3A_674 : vector<16xf32>
        %lt3A_676 = arith.constant 0 : i32
        %lt3A_677 = vector.broadcast %lt3A_676 : i32 to vector<16xi32>
        %lt3A_678 = arith.cmpi slt, %xor3A_80, %lt3A_677 : vector<16xi32>
        %add3A_679 = arith.constant 16 : i32
        %add3A_680 = vector.broadcast %add3A_679 : i32 to vector<16xi32>
        %add3A_681 = arith.addi %xor3A_80, %add3A_680 : vector<16xi32>
        %select_n3A_682 = arith.select %lt3A_678, %add3A_681, %xor3A_80 : vector<16xi1>, vector<16xi32>
        %broadcast_in_dim3A_683 = vector.shape_cast %select_n3A_682 : vector<16xi32> to vector<16x1xi32>
        %gather3A_684 = vector.shape_cast %broadcast_in_dim3A_683 : vector<16x1xi32> to vector<16xi32>
        %gather3A_685 = tpu.dynamic_gather %add3A_675[%gather3A_684] in [0] : vector<16xf32>, vector<16xi32> -> vector<16xf32>
        %add3A_686 = arith.addf %add3A_675, %gather3A_685 : vector<16xf32>
        %lt3A_687 = arith.constant 0 : i32
        %lt3A_688 = vector.broadcast %lt3A_687 : i32 to vector<16xi32>
        %lt3A_689 = arith.cmpi slt, %xor3A_83, %lt3A_688 : vector<16xi32>
        %add3A_690 = arith.constant 16 : i32
        %add3A_691 = vector.broadcast %add3A_690 : i32 to vector<16xi32>
        %add3A_692 = arith.addi %xor3A_83, %add3A_691 : vector<16xi32>
        %select_n3A_693 = arith.select %lt3A_689, %add3A_692, %xor3A_83 : vector<16xi1>, vector<16xi32>
        %broadcast_in_dim3A_694 = vector.shape_cast %select_n3A_693 : vector<16xi32> to vector<16x1xi32>
        %gather3A_695 = vector.shape_cast %broadcast_in_dim3A_694 : vector<16x1xi32> to vector<16xi32>
        %gather3A_696 = tpu.dynamic_gather %add3A_686[%gather3A_695] in [0] : vector<16xf32>, vector<16xi32> -> vector<16xf32>
        %add3A_697 = arith.addf %add3A_686, %gather3A_696 : vector<16xf32>
        %eq3A_698 = vector.broadcast %scan3A_571 : i32 to vector<16xi32>
        %eq3A_699 = arith.cmpi eq, %iota3A, %eq3A_698 : vector<16xi32>
        %select_n3A_700 = arith.select %eq3A_699, %add3A_697, %select_n3A_569 : vector<16xi1>, vector<16xf32>
        scf.yield %select_n3A_700 : vector<16xf32>
      }
      %scan3A_174 = arith.constant 16 : i32
      %mul3A_175 = arith.constant 16 : i32
      %mul3A_176 = arith.muli %scan3A_167, %mul3A_175 : i32
      %add3A_177 = arith.constant 256 : i32
      %add3A_178 = arith.addi %add3A_177, %mul3A_176 : i32
      %swap3A = arith.index_cast %add3A_178 : i32 to index
      %swap3A_179 = tpu.vector_load %arg15[%swap3A] {strides = array<i32>} : memref<512xf32, #tpu.memory_space<vmem>>, vector<16xf32>,
      %swap3A_180 = vector.shape_cast %swap3A_179 : vector<16xf32> to vector<16xf32>
      %swap3A_181 = vector.shape_cast %scan3A_173 : vector<16xf32> to vector<16xf32>
      tpu.vector_store %arg15[%swap3A], %swap3A_181 {strides = array<i32>} : memref<512xf32, #tpu.memory_space<vmem>>, vector<16xf32>,
    }
    %scan3A_150 = arith.constant 8 : i32
    %dma_wait3A_151 = arith.constant 384 : i32
    %dma_wait3A_152 = tpu.memref_slice %arg7[%dma_wait3A_151] : memref<512xi32, #tpu.memory_space<vmem>> -> memref<128xi32, #tpu.memory_space<vmem>>
    %dma_wait3A_153 = arith.constant 0 : i32
    %dma_wait3A_154 = arith.constant 0 : i32
    %dma_wait3A_155 = tpu.memref_slice %arg4[%dma_wait3A_153, %dma_wait3A_154] : memref<100000x128xf32, #tpu.memory_space<hbm>> -> memref<100000x128xf32, #tpu.memory_space<hbm>>
    tpu.wait_indirect_dma semaphore(%arg16 : memref<!tpu.dma_semaphore, #tpu.memory_space<semaphore_mem>>) src(%dma_wait3A_155 : memref<100000x128xf32, #tpu.memory_space<hbm>>) dst(%arg9 : memref<128x128xf32, #tpu.memory_space<vmem>>)
    %dma_wait3A_156 = arith.constant 384 : i32
    %dma_wait3A_157 = tpu.memref_slice %arg8[%dma_wait3A_156] : memref<512xi32, #tpu.memory_space<vmem>> -> memref<128xi32, #tpu.memory_space<vmem>>
    %dma_wait3A_158 = arith.constant 0 : i32
    %dma_wait3A_159 = arith.constant 0 : i32
    %dma_wait3A_160 = tpu.memref_slice %arg5[%dma_wait3A_158, %dma_wait3A_159] : memref<100000x128xf32, #tpu.memory_space<hbm>> -> memref<100000x128xf32, #tpu.memory_space<hbm>>
    tpu.wait_indirect_dma semaphore(%arg16 : memref<!tpu.dma_semaphore, #tpu.memory_space<semaphore_mem>>) src(%dma_wait3A_160 : memref<100000x128xf32, #tpu.memory_space<hbm>>) dst(%arg10 : memref<128x128xf32, #tpu.memory_space<vmem>>)
    %scan3A_161 = arith.constant 0 : i32
    %scan3A_162 = arith.constant 0 : i32
    %scan3A_163 = arith.constant 8 : i32
    %scan3A_164 = arith.addi %scan3A_162, %scan3A_163 : i32
    %scan3A_165 = arith.constant 1 : i32
    scf.for %scan3A_167 = %scan3A_162 to %scan3A_164 step %scan3A_165  : i32 {
      %broadcast_in_dim3A = arith.constant 0.000000e+00 : f32
      %broadcast_in_dim3A_168 = vector.broadcast %broadcast_in_dim3A : f32 to vector<16xf32>
      %scan3A_169 = arith.constant 0 : i32
      %scan3A_170 = arith.constant 16 : i32
      %scan3A_171 = arith.addi %scan3A_169, %scan3A_170 : i32
      %scan3A_172 = arith.constant 4 : i32
      %scan3A_173 = scf.for %scan3A_182 = %scan3A_169 to %scan3A_171 step %scan3A_172 iter_args(%scan3A_183 = %broadcast_in_dim3A_168) -> (vector<16xf32>)  : i32 {
        %mul3A_184 = arith.constant 16 : i32
        %mul3A_185 = arith.muli %scan3A_167, %mul3A_184 : i32
        %add3A_186 = arith.addi %mul3A_185, %scan3A_182 : i32
        %get3A = arith.index_cast %add3A_186 : i32 to index
        %get3A_187 = arith.constant 0 : index
        %get3A_188 = tpu.vector_load %arg9[%get3A, %get3A_187] {strides = array<i32>} : memref<128x128xf32, #tpu.memory_space<vmem>>, vector<1x16xf32>,
        %get3A_189 = vector.shape_cast %get3A_188 : vector<1x16xf32> to vector<16xf32>
        %get3A_190 = arith.index_cast %add3A_186 : i32 to index
        %get3A_191 = arith.constant 0 : index
        %get3A_192 = tpu.vector_load %arg10[%get3A_190, %get3A_191] {strides = array<i32>} : memref<128x128xf32, #tpu.memory_space<vmem>>, vector<1x16xf32>,
        %get3A_193 = vector.shape_cast %get3A_192 : vector<1x16xf32> to vector<16xf32>
        %mul3A_194 = arith.mulf %get3A_189, %get3A_193 : vector<16xf32>
        %get3A_195 = arith.index_cast %add3A_186 : i32 to index
        %get3A_196 = arith.constant 16 : index
        %get3A_197 = tpu.vector_load %arg9[%get3A_195, %get3A_196] {strides = array<i32>} : memref<128x128xf32, #tpu.memory_space<vmem>>, vector<1x16xf32>,
        %get3A_198 = vector.shape_cast %get3A_197 : vector<1x16xf32> to vector<16xf32>
        %get3A_199 = arith.index_cast %add3A_186 : i32 to index
        %get3A_200 = arith.constant 16 : index
        %get3A_201 = tpu.vector_load %arg10[%get3A_199, %get3A_200] {strides = array<i32>} : memref<128x128xf32, #tpu.memory_space<vmem>>, vector<1x16xf32>,
        %get3A_202 = vector.shape_cast %get3A_201 : vector<1x16xf32> to vector<16xf32>
        %mul3A_203 = arith.mulf %get3A_198, %get3A_202 : vector<16xf32>
        %add3A_204 = arith.addf %mul3A_194, %mul3A_203 : vector<16xf32>
        %get3A_205 = arith.index_cast %add3A_186 : i32 to index
        %get3A_206 = arith.constant 32 : index
        %get3A_207 = tpu.vector_load %arg9[%get3A_205, %get3A_206] {strides = array<i32>} : memref<128x128xf32, #tpu.memory_space<vmem>>, vector<1x16xf32>,
        %get3A_208 = vector.shape_cast %get3A_207 : vector<1x16xf32> to vector<16xf32>
        %get3A_209 = arith.index_cast %add3A_186 : i32 to index
        %get3A_210 = arith.constant 32 : index
        %get3A_211 = tpu.vector_load %arg10[%get3A_209, %get3A_210] {strides = array<i32>} : memref<128x128xf32, #tpu.memory_space<vmem>>, vector<1x16xf32>,
        %get3A_212 = vector.shape_cast %get3A_211 : vector<1x16xf32> to vector<16xf32>
        %mul3A_213 = arith.mulf %get3A_208, %get3A_212 : vector<16xf32>
        %add3A_214 = arith.addf %add3A_204, %mul3A_213 : vector<16xf32>
        %get3A_215 = arith.index_cast %add3A_186 : i32 to index
        %get3A_216 = arith.constant 48 : index
        %get3A_217 = tpu.vector_load %arg9[%get3A_215, %get3A_216] {strides = array<i32>} : memref<128x128xf32, #tpu.memory_space<vmem>>, vector<1x16xf32>,
        %get3A_218 = vector.shape_cast %get3A_217 : vector<1x16xf32> to vector<16xf32>
        %get3A_219 = arith.index_cast %add3A_186 : i32 to index
        %get3A_220 = arith.constant 48 : index
        %get3A_221 = tpu.vector_load %arg10[%get3A_219, %get3A_220] {strides = array<i32>} : memref<128x128xf32, #tpu.memory_space<vmem>>, vector<1x16xf32>,
        %get3A_222 = vector.shape_cast %get3A_221 : vector<1x16xf32> to vector<16xf32>
        %mul3A_223 = arith.mulf %get3A_218, %get3A_222 : vector<16xf32>
        %add3A_224 = arith.addf %add3A_214, %mul3A_223 : vector<16xf32>
        %get3A_225 = arith.index_cast %add3A_186 : i32 to index
        %get3A_226 = arith.constant 64 : index
        %get3A_227 = tpu.vector_load %arg9[%get3A_225, %get3A_226] {strides = array<i32>} : memref<128x128xf32, #tpu.memory_space<vmem>>, vector<1x16xf32>,
        %get3A_228 = vector.shape_cast %get3A_227 : vector<1x16xf32> to vector<16xf32>
        %get3A_229 = arith.index_cast %add3A_186 : i32 to index
        %get3A_230 = arith.constant 64 : index
        %get3A_231 = tpu.vector_load %arg10[%get3A_229, %get3A_230] {strides = array<i32>} : memref<128x128xf32, #tpu.memory_space<vmem>>, vector<1x16xf32>,
        %get3A_232 = vector.shape_cast %get3A_231 : vector<1x16xf32> to vector<16xf32>
        %mul3A_233 = arith.mulf %get3A_228, %get3A_232 : vector<16xf32>
        %add3A_234 = arith.addf %add3A_224, %mul3A_233 : vector<16xf32>
        %get3A_235 = arith.index_cast %add3A_186 : i32 to index
        %get3A_236 = arith.constant 80 : index
        %get3A_237 = tpu.vector_load %arg9[%get3A_235, %get3A_236] {strides = array<i32>} : memref<128x128xf32, #tpu.memory_space<vmem>>, vector<1x16xf32>,
        %get3A_238 = vector.shape_cast %get3A_237 : vector<1x16xf32> to vector<16xf32>
        %get3A_239 = arith.index_cast %add3A_186 : i32 to index
        %get3A_240 = arith.constant 80 : index
        %get3A_241 = tpu.vector_load %arg10[%get3A_239, %get3A_240] {strides = array<i32>} : memref<128x128xf32, #tpu.memory_space<vmem>>, vector<1x16xf32>,
        %get3A_242 = vector.shape_cast %get3A_241 : vector<1x16xf32> to vector<16xf32>
        %mul3A_243 = arith.mulf %get3A_238, %get3A_242 : vector<16xf32>
        %add3A_244 = arith.addf %add3A_234, %mul3A_243 : vector<16xf32>
        %get3A_245 = arith.index_cast %add3A_186 : i32 to index
        %get3A_246 = arith.constant 96 : index
        %get3A_247 = tpu.vector_load %arg9[%get3A_245, %get3A_246] {strides = array<i32>} : memref<128x128xf32, #tpu.memory_space<vmem>>, vector<1x16xf32>,
        %get3A_248 = vector.shape_cast %get3A_247 : vector<1x16xf32> to vector<16xf32>
        %get3A_249 = arith.index_cast %add3A_186 : i32 to index
        %get3A_250 = arith.constant 96 : index
        %get3A_251 = tpu.vector_load %arg10[%get3A_249, %get3A_250] {strides = array<i32>} : memref<128x128xf32, #tpu.memory_space<vmem>>, vector<1x16xf32>,
        %get3A_252 = vector.shape_cast %get3A_251 : vector<1x16xf32> to vector<16xf32>
        %mul3A_253 = arith.mulf %get3A_248, %get3A_252 : vector<16xf32>
        %add3A_254 = arith.addf %add3A_244, %mul3A_253 : vector<16xf32>
        %get3A_255 = arith.index_cast %add3A_186 : i32 to index
        %get3A_256 = arith.constant 112 : index
        %get3A_257 = tpu.vector_load %arg9[%get3A_255, %get3A_256] {strides = array<i32>} : memref<128x128xf32, #tpu.memory_space<vmem>>, vector<1x16xf32>,
        %get3A_258 = vector.shape_cast %get3A_257 : vector<1x16xf32> to vector<16xf32>
        %get3A_259 = arith.index_cast %add3A_186 : i32 to index
        %get3A_260 = arith.constant 112 : index
        %get3A_261 = tpu.vector_load %arg10[%get3A_259, %get3A_260] {strides = array<i32>} : memref<128x128xf32, #tpu.memory_space<vmem>>, vector<1x16xf32>,
        %get3A_262 = vector.shape_cast %get3A_261 : vector<1x16xf32> to vector<16xf32>
        %mul3A_263 = arith.mulf %get3A_258, %get3A_262 : vector<16xf32>
        %add3A_264 = arith.addf %add3A_254, %mul3A_263 : vector<16xf32>
        %lt3A = arith.constant 0 : i32
        %lt3A_265 = vector.broadcast %lt3A : i32 to vector<16xi32>
        %lt3A_266 = arith.cmpi slt, %xor3A_74, %lt3A_265 : vector<16xi32>
        %add3A_267 = arith.constant 16 : i32
        %add3A_268 = vector.broadcast %add3A_267 : i32 to vector<16xi32>
        %add3A_269 = arith.addi %xor3A_74, %add3A_268 : vector<16xi32>
        %select_n3A = arith.select %lt3A_266, %add3A_269, %xor3A_74 : vector<16xi1>, vector<16xi32>
        %broadcast_in_dim3A_270 = vector.shape_cast %select_n3A : vector<16xi32> to vector<16x1xi32>
        %gather3A = vector.shape_cast %broadcast_in_dim3A_270 : vector<16x1xi32> to vector<16xi32>
        %gather3A_271 = tpu.dynamic_gather %add3A_264[%gather3A] in [0] : vector<16xf32>, vector<16xi32> -> vector<16xf32>
        %add3A_272 = arith.addf %add3A_264, %gather3A_271 : vector<16xf32>
        %lt3A_273 = arith.constant 0 : i32
        %lt3A_274 = vector.broadcast %lt3A_273 : i32 to vector<16xi32>
        %lt3A_275 = arith.cmpi slt, %xor3A_77, %lt3A_274 : vector<16xi32>
        %add3A_276 = arith.constant 16 : i32
        %add3A_277 = vector.broadcast %add3A_276 : i32 to vector<16xi32>
        %add3A_278 = arith.addi %xor3A_77, %add3A_277 : vector<16xi32>
        %select_n3A_279 = arith.select %lt3A_275, %add3A_278, %xor3A_77 : vector<16xi1>, vector<16xi32>
        %broadcast_in_dim3A_280 = vector.shape_cast %select_n3A_279 : vector<16xi32> to vector<16x1xi32>
        %gather3A_281 = vector.shape_cast %broadcast_in_dim3A_280 : vector<16x1xi32> to vector<16xi32>
        %gather3A_282 = tpu.dynamic_gather %add3A_272[%gather3A_281] in [0] : vector<16xf32>, vector<16xi32> -> vector<16xf32>
        %add3A_283 = arith.addf %add3A_272, %gather3A_282 : vector<16xf32>
        %lt3A_284 = arith.constant 0 : i32
        %lt3A_285 = vector.broadcast %lt3A_284 : i32 to vector<16xi32>
        %lt3A_286 = arith.cmpi slt, %xor3A_80, %lt3A_285 : vector<16xi32>
        %add3A_287 = arith.constant 16 : i32
        %add3A_288 = vector.broadcast %add3A_287 : i32 to vector<16xi32>
        %add3A_289 = arith.addi %xor3A_80, %add3A_288 : vector<16xi32>
        %select_n3A_290 = arith.select %lt3A_286, %add3A_289, %xor3A_80 : vector<16xi1>, vector<16xi32>
        %broadcast_in_dim3A_291 = vector.shape_cast %select_n3A_290 : vector<16xi32> to vector<16x1xi32>
        %gather3A_292 = vector.shape_cast %broadcast_in_dim3A_291 : vector<16x1xi32> to vector<16xi32>
        %gather3A_293 = tpu.dynamic_gather %add3A_283[%gather3A_292] in [0] : vector<16xf32>, vector<16xi32> -> vector<16xf32>
        %add3A_294 = arith.addf %add3A_283, %gather3A_293 : vector<16xf32>
        %lt3A_295 = arith.constant 0 : i32
        %lt3A_296 = vector.broadcast %lt3A_295 : i32 to vector<16xi32>
        %lt3A_297 = arith.cmpi slt, %xor3A_83, %lt3A_296 : vector<16xi32>
        %add3A_298 = arith.constant 16 : i32
        %add3A_299 = vector.broadcast %add3A_298 : i32 to vector<16xi32>
        %add3A_300 = arith.addi %xor3A_83, %add3A_299 : vector<16xi32>
        %select_n3A_301 = arith.select %lt3A_297, %add3A_300, %xor3A_83 : vector<16xi1>, vector<16xi32>
        %broadcast_in_dim3A_302 = vector.shape_cast %select_n3A_301 : vector<16xi32> to vector<16x1xi32>
        %gather3A_303 = vector.shape_cast %broadcast_in_dim3A_302 : vector<16x1xi32> to vector<16xi32>
        %gather3A_304 = tpu.dynamic_gather %add3A_294[%gather3A_303] in [0] : vector<16xf32>, vector<16xi32> -> vector<16xf32>
        %add3A_305 = arith.addf %add3A_294, %gather3A_304 : vector<16xf32>
        %eq3A = vector.broadcast %scan3A_182 : i32 to vector<16xi32>
        %eq3A_306 = arith.cmpi eq, %iota3A, %eq3A : vector<16xi32>
        %select_n3A_307 = arith.select %eq3A_306, %add3A_305, %scan3A_183 : vector<16xi1>, vector<16xf32>
        %scan3A_308 = arith.constant 1 : i32
        %scan3A_309 = arith.addi %scan3A_182, %scan3A_308 : i32
        %mul3A_310 = arith.constant 16 : i32
        %mul3A_311 = arith.muli %scan3A_167, %mul3A_310 : i32
        %add3A_312 = arith.addi %mul3A_311, %scan3A_309 : i32
        %get3A_313 = arith.index_cast %add3A_312 : i32 to index
        %get3A_314 = arith.constant 0 : index
        %get3A_315 = tpu.vector_load %arg9[%get3A_313, %get3A_314] {strides = array<i32>} : memref<128x128xf32, #tpu.memory_space<vmem>>, vector<1x16xf32>,
        %get3A_316 = vector.shape_cast %get3A_315 : vector<1x16xf32> to vector<16xf32>
        %get3A_317 = arith.index_cast %add3A_312 : i32 to index
        %get3A_318 = arith.constant 0 : index
        %get3A_319 = tpu.vector_load %arg10[%get3A_317, %get3A_318] {strides = array<i32>} : memref<128x128xf32, #tpu.memory_space<vmem>>, vector<1x16xf32>,
        %get3A_320 = vector.shape_cast %get3A_319 : vector<1x16xf32> to vector<16xf32>
        %mul3A_321 = arith.mulf %get3A_316, %get3A_320 : vector<16xf32>
        %get3A_322 = arith.index_cast %add3A_312 : i32 to index
        %get3A_323 = arith.constant 16 : index
        %get3A_324 = tpu.vector_load %arg9[%get3A_322, %get3A_323] {strides = array<i32>} : memref<128x128xf32, #tpu.memory_space<vmem>>, vector<1x16xf32>,
        %get3A_325 = vector.shape_cast %get3A_324 : vector<1x16xf32> to vector<16xf32>
        %get3A_326 = arith.index_cast %add3A_312 : i32 to index
        %get3A_327 = arith.constant 16 : index
        %get3A_328 = tpu.vector_load %arg10[%get3A_326, %get3A_327] {strides = array<i32>} : memref<128x128xf32, #tpu.memory_space<vmem>>, vector<1x16xf32>,
        %get3A_329 = vector.shape_cast %get3A_328 : vector<1x16xf32> to vector<16xf32>
        %mul3A_330 = arith.mulf %get3A_325, %get3A_329 : vector<16xf32>
        %add3A_331 = arith.addf %mul3A_321, %mul3A_330 : vector<16xf32>
        %get3A_332 = arith.index_cast %add3A_312 : i32 to index
        %get3A_333 = arith.constant 32 : index
        %get3A_334 = tpu.vector_load %arg9[%get3A_332, %get3A_333] {strides = array<i32>} : memref<128x128xf32, #tpu.memory_space<vmem>>, vector<1x16xf32>,
        %get3A_335 = vector.shape_cast %get3A_334 : vector<1x16xf32> to vector<16xf32>
        %get3A_336 = arith.index_cast %add3A_312 : i32 to index
        %get3A_337 = arith.constant 32 : index
        %get3A_338 = tpu.vector_load %arg10[%get3A_336, %get3A_337] {strides = array<i32>} : memref<128x128xf32, #tpu.memory_space<vmem>>, vector<1x16xf32>,
        %get3A_339 = vector.shape_cast %get3A_338 : vector<1x16xf32> to vector<16xf32>
        %mul3A_340 = arith.mulf %get3A_335, %get3A_339 : vector<16xf32>
        %add3A_341 = arith.addf %add3A_331, %mul3A_340 : vector<16xf32>
        %get3A_342 = arith.index_cast %add3A_312 : i32 to index
        %get3A_343 = arith.constant 48 : index
        %get3A_344 = tpu.vector_load %arg9[%get3A_342, %get3A_343] {strides = array<i32>} : memref<128x128xf32, #tpu.memory_space<vmem>>, vector<1x16xf32>,
        %get3A_345 = vector.shape_cast %get3A_344 : vector<1x16xf32> to vector<16xf32>
        %get3A_346 = arith.index_cast %add3A_312 : i32 to index
        %get3A_347 = arith.constant 48 : index
        %get3A_348 = tpu.vector_load %arg10[%get3A_346, %get3A_347] {strides = array<i32>} : memref<128x128xf32, #tpu.memory_space<vmem>>, vector<1x16xf32>,
        %get3A_349 = vector.shape_cast %get3A_348 : vector<1x16xf32> to vector<16xf32>
        %mul3A_350 = arith.mulf %get3A_345, %get3A_349 : vector<16xf32>
        %add3A_351 = arith.addf %add3A_341, %mul3A_350 : vector<16xf32>
        %get3A_352 = arith.index_cast %add3A_312 : i32 to index
        %get3A_353 = arith.constant 64 : index
        %get3A_354 = tpu.vector_load %arg9[%get3A_352, %get3A_353] {strides = array<i32>} : memref<128x128xf32, #tpu.memory_space<vmem>>, vector<1x16xf32>,
        %get3A_355 = vector.shape_cast %get3A_354 : vector<1x16xf32> to vector<16xf32>
        %get3A_356 = arith.index_cast %add3A_312 : i32 to index
        %get3A_357 = arith.constant 64 : index
        %get3A_358 = tpu.vector_load %arg10[%get3A_356, %get3A_357] {strides = array<i32>} : memref<128x128xf32, #tpu.memory_space<vmem>>, vector<1x16xf32>,
        %get3A_359 = vector.shape_cast %get3A_358 : vector<1x16xf32> to vector<16xf32>
        %mul3A_360 = arith.mulf %get3A_355, %get3A_359 : vector<16xf32>
        %add3A_361 = arith.addf %add3A_351, %mul3A_360 : vector<16xf32>
        %get3A_362 = arith.index_cast %add3A_312 : i32 to index
        %get3A_363 = arith.constant 80 : index
        %get3A_364 = tpu.vector_load %arg9[%get3A_362, %get3A_363] {strides = array<i32>} : memref<128x128xf32, #tpu.memory_space<vmem>>, vector<1x16xf32>,
        %get3A_365 = vector.shape_cast %get3A_364 : vector<1x16xf32> to vector<16xf32>
        %get3A_366 = arith.index_cast %add3A_312 : i32 to index
        %get3A_367 = arith.constant 80 : index
        %get3A_368 = tpu.vector_load %arg10[%get3A_366, %get3A_367] {strides = array<i32>} : memref<128x128xf32, #tpu.memory_space<vmem>>, vector<1x16xf32>,
        %get3A_369 = vector.shape_cast %get3A_368 : vector<1x16xf32> to vector<16xf32>
        %mul3A_370 = arith.mulf %get3A_365, %get3A_369 : vector<16xf32>
        %add3A_371 = arith.addf %add3A_361, %mul3A_370 : vector<16xf32>
        %get3A_372 = arith.index_cast %add3A_312 : i32 to index
        %get3A_373 = arith.constant 96 : index
        %get3A_374 = tpu.vector_load %arg9[%get3A_372, %get3A_373] {strides = array<i32>} : memref<128x128xf32, #tpu.memory_space<vmem>>, vector<1x16xf32>,
        %get3A_375 = vector.shape_cast %get3A_374 : vector<1x16xf32> to vector<16xf32>
        %get3A_376 = arith.index_cast %add3A_312 : i32 to index
        %get3A_377 = arith.constant 96 : index
        %get3A_378 = tpu.vector_load %arg10[%get3A_376, %get3A_377] {strides = array<i32>} : memref<128x128xf32, #tpu.memory_space<vmem>>, vector<1x16xf32>,
        %get3A_379 = vector.shape_cast %get3A_378 : vector<1x16xf32> to vector<16xf32>
        %mul3A_380 = arith.mulf %get3A_375, %get3A_379 : vector<16xf32>
        %add3A_381 = arith.addf %add3A_371, %mul3A_380 : vector<16xf32>
        %get3A_382 = arith.index_cast %add3A_312 : i32 to index
        %get3A_383 = arith.constant 112 : index
        %get3A_384 = tpu.vector_load %arg9[%get3A_382, %get3A_383] {strides = array<i32>} : memref<128x128xf32, #tpu.memory_space<vmem>>, vector<1x16xf32>,
        %get3A_385 = vector.shape_cast %get3A_384 : vector<1x16xf32> to vector<16xf32>
        %get3A_386 = arith.index_cast %add3A_312 : i32 to index
        %get3A_387 = arith.constant 112 : index
        %get3A_388 = tpu.vector_load %arg10[%get3A_386, %get3A_387] {strides = array<i32>} : memref<128x128xf32, #tpu.memory_space<vmem>>, vector<1x16xf32>,
        %get3A_389 = vector.shape_cast %get3A_388 : vector<1x16xf32> to vector<16xf32>
        %mul3A_390 = arith.mulf %get3A_385, %get3A_389 : vector<16xf32>
        %add3A_391 = arith.addf %add3A_381, %mul3A_390 : vector<16xf32>
        %lt3A_392 = arith.constant 0 : i32
        %lt3A_393 = vector.broadcast %lt3A_392 : i32 to vector<16xi32>
        %lt3A_394 = arith.cmpi slt, %xor3A_74, %lt3A_393 : vector<16xi32>
        %add3A_395 = arith.constant 16 : i32
        %add3A_396 = vector.broadcast %add3A_395 : i32 to vector<16xi32>
        %add3A_397 = arith.addi %xor3A_74, %add3A_396 : vector<16xi32>
        %select_n3A_398 = arith.select %lt3A_394, %add3A_397, %xor3A_74 : vector<16xi1>, vector<16xi32>
        %broadcast_in_dim3A_399 = vector.shape_cast %select_n3A_398 : vector<16xi32> to vector<16x1xi32>
        %gather3A_400 = vector.shape_cast %broadcast_in_dim3A_399 : vector<16x1xi32> to vector<16xi32>
        %gather3A_401 = tpu.dynamic_gather %add3A_391[%gather3A_400] in [0] : vector<16xf32>, vector<16xi32> -> vector<16xf32>
        %add3A_402 = arith.addf %add3A_391, %gather3A_401 : vector<16xf32>
        %lt3A_403 = arith.constant 0 : i32
        %lt3A_404 = vector.broadcast %lt3A_403 : i32 to vector<16xi32>
        %lt3A_405 = arith.cmpi slt, %xor3A_77, %lt3A_404 : vector<16xi32>
        %add3A_406 = arith.constant 16 : i32
        %add3A_407 = vector.broadcast %add3A_406 : i32 to vector<16xi32>
        %add3A_408 = arith.addi %xor3A_77, %add3A_407 : vector<16xi32>
        %select_n3A_409 = arith.select %lt3A_405, %add3A_408, %xor3A_77 : vector<16xi1>, vector<16xi32>
        %broadcast_in_dim3A_410 = vector.shape_cast %select_n3A_409 : vector<16xi32> to vector<16x1xi32>
        %gather3A_411 = vector.shape_cast %broadcast_in_dim3A_410 : vector<16x1xi32> to vector<16xi32>
        %gather3A_412 = tpu.dynamic_gather %add3A_402[%gather3A_411] in [0] : vector<16xf32>, vector<16xi32> -> vector<16xf32>
        %add3A_413 = arith.addf %add3A_402, %gather3A_412 : vector<16xf32>
        %lt3A_414 = arith.constant 0 : i32
        %lt3A_415 = vector.broadcast %lt3A_414 : i32 to vector<16xi32>
        %lt3A_416 = arith.cmpi slt, %xor3A_80, %lt3A_415 : vector<16xi32>
        %add3A_417 = arith.constant 16 : i32
        %add3A_418 = vector.broadcast %add3A_417 : i32 to vector<16xi32>
        %add3A_419 = arith.addi %xor3A_80, %add3A_418 : vector<16xi32>
        %select_n3A_420 = arith.select %lt3A_416, %add3A_419, %xor3A_80 : vector<16xi1>, vector<16xi32>
        %broadcast_in_dim3A_421 = vector.shape_cast %select_n3A_420 : vector<16xi32> to vector<16x1xi32>
        %gather3A_422 = vector.shape_cast %broadcast_in_dim3A_421 : vector<16x1xi32> to vector<16xi32>
        %gather3A_423 = tpu.dynamic_gather %add3A_413[%gather3A_422] in [0] : vector<16xf32>, vector<16xi32> -> vector<16xf32>
        %add3A_424 = arith.addf %add3A_413, %gather3A_423 : vector<16xf32>
        %lt3A_425 = arith.constant 0 : i32
        %lt3A_426 = vector.broadcast %lt3A_425 : i32 to vector<16xi32>
        %lt3A_427 = arith.cmpi slt, %xor3A_83, %lt3A_426 : vector<16xi32>
        %add3A_428 = arith.constant 16 : i32
        %add3A_429 = vector.broadcast %add3A_428 : i32 to vector<16xi32>
        %add3A_430 = arith.addi %xor3A_83, %add3A_429 : vector<16xi32>
        %select_n3A_431 = arith.select %lt3A_427, %add3A_430, %xor3A_83 : vector<16xi1>, vector<16xi32>
        %broadcast_in_dim3A_432 = vector.shape_cast %select_n3A_431 : vector<16xi32> to vector<16x1xi32>
        %gather3A_433 = vector.shape_cast %broadcast_in_dim3A_432 : vector<16x1xi32> to vector<16xi32>
        %gather3A_434 = tpu.dynamic_gather %add3A_424[%gather3A_433] in [0] : vector<16xf32>, vector<16xi32> -> vector<16xf32>
        %add3A_435 = arith.addf %add3A_424, %gather3A_434 : vector<16xf32>
        %eq3A_436 = vector.broadcast %scan3A_309 : i32 to vector<16xi32>
        %eq3A_437 = arith.cmpi eq, %iota3A, %eq3A_436 : vector<16xi32>
        %select_n3A_438 = arith.select %eq3A_437, %add3A_435, %select_n3A_307 : vector<16xi1>, vector<16xf32>
        %scan3A_439 = arith.constant 2 : i32
        %scan3A_440 = arith.addi %scan3A_182, %scan3A_439 : i32
        %mul3A_441 = arith.constant 16 : i32
        %mul3A_442 = arith.muli %scan3A_167, %mul3A_441 : i32
        %add3A_443 = arith.addi %mul3A_442, %scan3A_440 : i32
        %get3A_444 = arith.index_cast %add3A_443 : i32 to index
        %get3A_445 = arith.constant 0 : index
        %get3A_446 = tpu.vector_load %arg9[%get3A_444, %get3A_445] {strides = array<i32>} : memref<128x128xf32, #tpu.memory_space<vmem>>, vector<1x16xf32>,
        %get3A_447 = vector.shape_cast %get3A_446 : vector<1x16xf32> to vector<16xf32>
        %get3A_448 = arith.index_cast %add3A_443 : i32 to index
        %get3A_449 = arith.constant 0 : index
        %get3A_450 = tpu.vector_load %arg10[%get3A_448, %get3A_449] {strides = array<i32>} : memref<128x128xf32, #tpu.memory_space<vmem>>, vector<1x16xf32>,
        %get3A_451 = vector.shape_cast %get3A_450 : vector<1x16xf32> to vector<16xf32>
        %mul3A_452 = arith.mulf %get3A_447, %get3A_451 : vector<16xf32>
        %get3A_453 = arith.index_cast %add3A_443 : i32 to index
        %get3A_454 = arith.constant 16 : index
        %get3A_455 = tpu.vector_load %arg9[%get3A_453, %get3A_454] {strides = array<i32>} : memref<128x128xf32, #tpu.memory_space<vmem>>, vector<1x16xf32>,
        %get3A_456 = vector.shape_cast %get3A_455 : vector<1x16xf32> to vector<16xf32>
        %get3A_457 = arith.index_cast %add3A_443 : i32 to index
        %get3A_458 = arith.constant 16 : index
        %get3A_459 = tpu.vector_load %arg10[%get3A_457, %get3A_458] {strides = array<i32>} : memref<128x128xf32, #tpu.memory_space<vmem>>, vector<1x16xf32>,
        %get3A_460 = vector.shape_cast %get3A_459 : vector<1x16xf32> to vector<16xf32>
        %mul3A_461 = arith.mulf %get3A_456, %get3A_460 : vector<16xf32>
        %add3A_462 = arith.addf %mul3A_452, %mul3A_461 : vector<16xf32>
        %get3A_463 = arith.index_cast %add3A_443 : i32 to index
        %get3A_464 = arith.constant 32 : index
        %get3A_465 = tpu.vector_load %arg9[%get3A_463, %get3A_464] {strides = array<i32>} : memref<128x128xf32, #tpu.memory_space<vmem>>, vector<1x16xf32>,
        %get3A_466 = vector.shape_cast %get3A_465 : vector<1x16xf32> to vector<16xf32>
        %get3A_467 = arith.index_cast %add3A_443 : i32 to index
        %get3A_468 = arith.constant 32 : index
        %get3A_469 = tpu.vector_load %arg10[%get3A_467, %get3A_468] {strides = array<i32>} : memref<128x128xf32, #tpu.memory_space<vmem>>, vector<1x16xf32>,
        %get3A_470 = vector.shape_cast %get3A_469 : vector<1x16xf32> to vector<16xf32>
        %mul3A_471 = arith.mulf %get3A_466, %get3A_470 : vector<16xf32>
        %add3A_472 = arith.addf %add3A_462, %mul3A_471 : vector<16xf32>
        %get3A_473 = arith.index_cast %add3A_443 : i32 to index
        %get3A_474 = arith.constant 48 : index
        %get3A_475 = tpu.vector_load %arg9[%get3A_473, %get3A_474] {strides = array<i32>} : memref<128x128xf32, #tpu.memory_space<vmem>>, vector<1x16xf32>,
        %get3A_476 = vector.shape_cast %get3A_475 : vector<1x16xf32> to vector<16xf32>
        %get3A_477 = arith.index_cast %add3A_443 : i32 to index
        %get3A_478 = arith.constant 48 : index
        %get3A_479 = tpu.vector_load %arg10[%get3A_477, %get3A_478] {strides = array<i32>} : memref<128x128xf32, #tpu.memory_space<vmem>>, vector<1x16xf32>,
        %get3A_480 = vector.shape_cast %get3A_479 : vector<1x16xf32> to vector<16xf32>
        %mul3A_481 = arith.mulf %get3A_476, %get3A_480 : vector<16xf32>
        %add3A_482 = arith.addf %add3A_472, %mul3A_481 : vector<16xf32>
        %get3A_483 = arith.index_cast %add3A_443 : i32 to index
        %get3A_484 = arith.constant 64 : index
        %get3A_485 = tpu.vector_load %arg9[%get3A_483, %get3A_484] {strides = array<i32>} : memref<128x128xf32, #tpu.memory_space<vmem>>, vector<1x16xf32>,
        %get3A_486 = vector.shape_cast %get3A_485 : vector<1x16xf32> to vector<16xf32>
        %get3A_487 = arith.index_cast %add3A_443 : i32 to index
        %get3A_488 = arith.constant 64 : index
        %get3A_489 = tpu.vector_load %arg10[%get3A_487, %get3A_488] {strides = array<i32>} : memref<128x128xf32, #tpu.memory_space<vmem>>, vector<1x16xf32>,
        %get3A_490 = vector.shape_cast %get3A_489 : vector<1x16xf32> to vector<16xf32>
        %mul3A_491 = arith.mulf %get3A_486, %get3A_490 : vector<16xf32>
        %add3A_492 = arith.addf %add3A_482, %mul3A_491 : vector<16xf32>
        %get3A_493 = arith.index_cast %add3A_443 : i32 to index
        %get3A_494 = arith.constant 80 : index
        %get3A_495 = tpu.vector_load %arg9[%get3A_493, %get3A_494] {strides = array<i32>} : memref<128x128xf32, #tpu.memory_space<vmem>>, vector<1x16xf32>,
        %get3A_496 = vector.shape_cast %get3A_495 : vector<1x16xf32> to vector<16xf32>
        %get3A_497 = arith.index_cast %add3A_443 : i32 to index
        %get3A_498 = arith.constant 80 : index
        %get3A_499 = tpu.vector_load %arg10[%get3A_497, %get3A_498] {strides = array<i32>} : memref<128x128xf32, #tpu.memory_space<vmem>>, vector<1x16xf32>,
        %get3A_500 = vector.shape_cast %get3A_499 : vector<1x16xf32> to vector<16xf32>
        %mul3A_501 = arith.mulf %get3A_496, %get3A_500 : vector<16xf32>
        %add3A_502 = arith.addf %add3A_492, %mul3A_501 : vector<16xf32>
        %get3A_503 = arith.index_cast %add3A_443 : i32 to index
        %get3A_504 = arith.constant 96 : index
        %get3A_505 = tpu.vector_load %arg9[%get3A_503, %get3A_504] {strides = array<i32>} : memref<128x128xf32, #tpu.memory_space<vmem>>, vector<1x16xf32>,
        %get3A_506 = vector.shape_cast %get3A_505 : vector<1x16xf32> to vector<16xf32>
        %get3A_507 = arith.index_cast %add3A_443 : i32 to index
        %get3A_508 = arith.constant 96 : index
        %get3A_509 = tpu.vector_load %arg10[%get3A_507, %get3A_508] {strides = array<i32>} : memref<128x128xf32, #tpu.memory_space<vmem>>, vector<1x16xf32>,
        %get3A_510 = vector.shape_cast %get3A_509 : vector<1x16xf32> to vector<16xf32>
        %mul3A_511 = arith.mulf %get3A_506, %get3A_510 : vector<16xf32>
        %add3A_512 = arith.addf %add3A_502, %mul3A_511 : vector<16xf32>
        %get3A_513 = arith.index_cast %add3A_443 : i32 to index
        %get3A_514 = arith.constant 112 : index
        %get3A_515 = tpu.vector_load %arg9[%get3A_513, %get3A_514] {strides = array<i32>} : memref<128x128xf32, #tpu.memory_space<vmem>>, vector<1x16xf32>,
        %get3A_516 = vector.shape_cast %get3A_515 : vector<1x16xf32> to vector<16xf32>
        %get3A_517 = arith.index_cast %add3A_443 : i32 to index
        %get3A_518 = arith.constant 112 : index
        %get3A_519 = tpu.vector_load %arg10[%get3A_517, %get3A_518] {strides = array<i32>} : memref<128x128xf32, #tpu.memory_space<vmem>>, vector<1x16xf32>,
        %get3A_520 = vector.shape_cast %get3A_519 : vector<1x16xf32> to vector<16xf32>
        %mul3A_521 = arith.mulf %get3A_516, %get3A_520 : vector<16xf32>
        %add3A_522 = arith.addf %add3A_512, %mul3A_521 : vector<16xf32>
        %lt3A_523 = arith.constant 0 : i32
        %lt3A_524 = vector.broadcast %lt3A_523 : i32 to vector<16xi32>
        %lt3A_525 = arith.cmpi slt, %xor3A_74, %lt3A_524 : vector<16xi32>
        %add3A_526 = arith.constant 16 : i32
        %add3A_527 = vector.broadcast %add3A_526 : i32 to vector<16xi32>
        %add3A_528 = arith.addi %xor3A_74, %add3A_527 : vector<16xi32>
        %select_n3A_529 = arith.select %lt3A_525, %add3A_528, %xor3A_74 : vector<16xi1>, vector<16xi32>
        %broadcast_in_dim3A_530 = vector.shape_cast %select_n3A_529 : vector<16xi32> to vector<16x1xi32>
        %gather3A_531 = vector.shape_cast %broadcast_in_dim3A_530 : vector<16x1xi32> to vector<16xi32>
        %gather3A_532 = tpu.dynamic_gather %add3A_522[%gather3A_531] in [0] : vector<16xf32>, vector<16xi32> -> vector<16xf32>
        %add3A_533 = arith.addf %add3A_522, %gather3A_532 : vector<16xf32>
        %lt3A_534 = arith.constant 0 : i32
        %lt3A_535 = vector.broadcast %lt3A_534 : i32 to vector<16xi32>
        %lt3A_536 = arith.cmpi slt, %xor3A_77, %lt3A_535 : vector<16xi32>
        %add3A_537 = arith.constant 16 : i32
        %add3A_538 = vector.broadcast %add3A_537 : i32 to vector<16xi32>
        %add3A_539 = arith.addi %xor3A_77, %add3A_538 : vector<16xi32>
        %select_n3A_540 = arith.select %lt3A_536, %add3A_539, %xor3A_77 : vector<16xi1>, vector<16xi32>
        %broadcast_in_dim3A_541 = vector.shape_cast %select_n3A_540 : vector<16xi32> to vector<16x1xi32>
        %gather3A_542 = vector.shape_cast %broadcast_in_dim3A_541 : vector<16x1xi32> to vector<16xi32>
        %gather3A_543 = tpu.dynamic_gather %add3A_533[%gather3A_542] in [0] : vector<16xf32>, vector<16xi32> -> vector<16xf32>
        %add3A_544 = arith.addf %add3A_533, %gather3A_543 : vector<16xf32>
        %lt3A_545 = arith.constant 0 : i32
        %lt3A_546 = vector.broadcast %lt3A_545 : i32 to vector<16xi32>
        %lt3A_547 = arith.cmpi slt, %xor3A_80, %lt3A_546 : vector<16xi32>
        %add3A_548 = arith.constant 16 : i32
        %add3A_549 = vector.broadcast %add3A_548 : i32 to vector<16xi32>
        %add3A_550 = arith.addi %xor3A_80, %add3A_549 : vector<16xi32>
        %select_n3A_551 = arith.select %lt3A_547, %add3A_550, %xor3A_80 : vector<16xi1>, vector<16xi32>
        %broadcast_in_dim3A_552 = vector.shape_cast %select_n3A_551 : vector<16xi32> to vector<16x1xi32>
        %gather3A_553 = vector.shape_cast %broadcast_in_dim3A_552 : vector<16x1xi32> to vector<16xi32>
        %gather3A_554 = tpu.dynamic_gather %add3A_544[%gather3A_553] in [0] : vector<16xf32>, vector<16xi32> -> vector<16xf32>
        %add3A_555 = arith.addf %add3A_544, %gather3A_554 : vector<16xf32>
        %lt3A_556 = arith.constant 0 : i32
        %lt3A_557 = vector.broadcast %lt3A_556 : i32 to vector<16xi32>
        %lt3A_558 = arith.cmpi slt, %xor3A_83, %lt3A_557 : vector<16xi32>
        %add3A_559 = arith.constant 16 : i32
        %add3A_560 = vector.broadcast %add3A_559 : i32 to vector<16xi32>
        %add3A_561 = arith.addi %xor3A_83, %add3A_560 : vector<16xi32>
        %select_n3A_562 = arith.select %lt3A_558, %add3A_561, %xor3A_83 : vector<16xi1>, vector<16xi32>
        %broadcast_in_dim3A_563 = vector.shape_cast %select_n3A_562 : vector<16xi32> to vector<16x1xi32>
        %gather3A_564 = vector.shape_cast %broadcast_in_dim3A_563 : vector<16x1xi32> to vector<16xi32>
        %gather3A_565 = tpu.dynamic_gather %add3A_555[%gather3A_564] in [0] : vector<16xf32>, vector<16xi32> -> vector<16xf32>
        %add3A_566 = arith.addf %add3A_555, %gather3A_565 : vector<16xf32>
        %eq3A_567 = vector.broadcast %scan3A_440 : i32 to vector<16xi32>
        %eq3A_568 = arith.cmpi eq, %iota3A, %eq3A_567 : vector<16xi32>
        %select_n3A_569 = arith.select %eq3A_568, %add3A_566, %select_n3A_438 : vector<16xi1>, vector<16xf32>
        %scan3A_570 = arith.constant 3 : i32
        %scan3A_571 = arith.addi %scan3A_182, %scan3A_570 : i32
        %mul3A_572 = arith.constant 16 : i32
        %mul3A_573 = arith.muli %scan3A_167, %mul3A_572 : i32
        %add3A_574 = arith.addi %mul3A_573, %scan3A_571 : i32
        %get3A_575 = arith.index_cast %add3A_574 : i32 to index
        %get3A_576 = arith.constant 0 : index
        %get3A_577 = tpu.vector_load %arg9[%get3A_575, %get3A_576] {strides = array<i32>} : memref<128x128xf32, #tpu.memory_space<vmem>>, vector<1x16xf32>,
        %get3A_578 = vector.shape_cast %get3A_577 : vector<1x16xf32> to vector<16xf32>
        %get3A_579 = arith.index_cast %add3A_574 : i32 to index
        %get3A_580 = arith.constant 0 : index
        %get3A_581 = tpu.vector_load %arg10[%get3A_579, %get3A_580] {strides = array<i32>} : memref<128x128xf32, #tpu.memory_space<vmem>>, vector<1x16xf32>,
        %get3A_582 = vector.shape_cast %get3A_581 : vector<1x16xf32> to vector<16xf32>
        %mul3A_583 = arith.mulf %get3A_578, %get3A_582 : vector<16xf32>
        %get3A_584 = arith.index_cast %add3A_574 : i32 to index
        %get3A_585 = arith.constant 16 : index
        %get3A_586 = tpu.vector_load %arg9[%get3A_584, %get3A_585] {strides = array<i32>} : memref<128x128xf32, #tpu.memory_space<vmem>>, vector<1x16xf32>,
        %get3A_587 = vector.shape_cast %get3A_586 : vector<1x16xf32> to vector<16xf32>
        %get3A_588 = arith.index_cast %add3A_574 : i32 to index
        %get3A_589 = arith.constant 16 : index
        %get3A_590 = tpu.vector_load %arg10[%get3A_588, %get3A_589] {strides = array<i32>} : memref<128x128xf32, #tpu.memory_space<vmem>>, vector<1x16xf32>,
        %get3A_591 = vector.shape_cast %get3A_590 : vector<1x16xf32> to vector<16xf32>
        %mul3A_592 = arith.mulf %get3A_587, %get3A_591 : vector<16xf32>
        %add3A_593 = arith.addf %mul3A_583, %mul3A_592 : vector<16xf32>
        %get3A_594 = arith.index_cast %add3A_574 : i32 to index
        %get3A_595 = arith.constant 32 : index
        %get3A_596 = tpu.vector_load %arg9[%get3A_594, %get3A_595] {strides = array<i32>} : memref<128x128xf32, #tpu.memory_space<vmem>>, vector<1x16xf32>,
        %get3A_597 = vector.shape_cast %get3A_596 : vector<1x16xf32> to vector<16xf32>
        %get3A_598 = arith.index_cast %add3A_574 : i32 to index
        %get3A_599 = arith.constant 32 : index
        %get3A_600 = tpu.vector_load %arg10[%get3A_598, %get3A_599] {strides = array<i32>} : memref<128x128xf32, #tpu.memory_space<vmem>>, vector<1x16xf32>,
        %get3A_601 = vector.shape_cast %get3A_600 : vector<1x16xf32> to vector<16xf32>
        %mul3A_602 = arith.mulf %get3A_597, %get3A_601 : vector<16xf32>
        %add3A_603 = arith.addf %add3A_593, %mul3A_602 : vector<16xf32>
        %get3A_604 = arith.index_cast %add3A_574 : i32 to index
        %get3A_605 = arith.constant 48 : index
        %get3A_606 = tpu.vector_load %arg9[%get3A_604, %get3A_605] {strides = array<i32>} : memref<128x128xf32, #tpu.memory_space<vmem>>, vector<1x16xf32>,
        %get3A_607 = vector.shape_cast %get3A_606 : vector<1x16xf32> to vector<16xf32>
        %get3A_608 = arith.index_cast %add3A_574 : i32 to index
        %get3A_609 = arith.constant 48 : index
        %get3A_610 = tpu.vector_load %arg10[%get3A_608, %get3A_609] {strides = array<i32>} : memref<128x128xf32, #tpu.memory_space<vmem>>, vector<1x16xf32>,
        %get3A_611 = vector.shape_cast %get3A_610 : vector<1x16xf32> to vector<16xf32>
        %mul3A_612 = arith.mulf %get3A_607, %get3A_611 : vector<16xf32>
        %add3A_613 = arith.addf %add3A_603, %mul3A_612 : vector<16xf32>
        %get3A_614 = arith.index_cast %add3A_574 : i32 to index
        %get3A_615 = arith.constant 64 : index
        %get3A_616 = tpu.vector_load %arg9[%get3A_614, %get3A_615] {strides = array<i32>} : memref<128x128xf32, #tpu.memory_space<vmem>>, vector<1x16xf32>,
        %get3A_617 = vector.shape_cast %get3A_616 : vector<1x16xf32> to vector<16xf32>
        %get3A_618 = arith.index_cast %add3A_574 : i32 to index
        %get3A_619 = arith.constant 64 : index
        %get3A_620 = tpu.vector_load %arg10[%get3A_618, %get3A_619] {strides = array<i32>} : memref<128x128xf32, #tpu.memory_space<vmem>>, vector<1x16xf32>,
        %get3A_621 = vector.shape_cast %get3A_620 : vector<1x16xf32> to vector<16xf32>
        %mul3A_622 = arith.mulf %get3A_617, %get3A_621 : vector<16xf32>
        %add3A_623 = arith.addf %add3A_613, %mul3A_622 : vector<16xf32>
        %get3A_624 = arith.index_cast %add3A_574 : i32 to index
        %get3A_625 = arith.constant 80 : index
        %get3A_626 = tpu.vector_load %arg9[%get3A_624, %get3A_625] {strides = array<i32>} : memref<128x128xf32, #tpu.memory_space<vmem>>, vector<1x16xf32>,
        %get3A_627 = vector.shape_cast %get3A_626 : vector<1x16xf32> to vector<16xf32>
        %get3A_628 = arith.index_cast %add3A_574 : i32 to index
        %get3A_629 = arith.constant 80 : index
        %get3A_630 = tpu.vector_load %arg10[%get3A_628, %get3A_629] {strides = array<i32>} : memref<128x128xf32, #tpu.memory_space<vmem>>, vector<1x16xf32>,
        %get3A_631 = vector.shape_cast %get3A_630 : vector<1x16xf32> to vector<16xf32>
        %mul3A_632 = arith.mulf %get3A_627, %get3A_631 : vector<16xf32>
        %add3A_633 = arith.addf %add3A_623, %mul3A_632 : vector<16xf32>
        %get3A_634 = arith.index_cast %add3A_574 : i32 to index
        %get3A_635 = arith.constant 96 : index
        %get3A_636 = tpu.vector_load %arg9[%get3A_634, %get3A_635] {strides = array<i32>} : memref<128x128xf32, #tpu.memory_space<vmem>>, vector<1x16xf32>,
        %get3A_637 = vector.shape_cast %get3A_636 : vector<1x16xf32> to vector<16xf32>
        %get3A_638 = arith.index_cast %add3A_574 : i32 to index
        %get3A_639 = arith.constant 96 : index
        %get3A_640 = tpu.vector_load %arg10[%get3A_638, %get3A_639] {strides = array<i32>} : memref<128x128xf32, #tpu.memory_space<vmem>>, vector<1x16xf32>,
        %get3A_641 = vector.shape_cast %get3A_640 : vector<1x16xf32> to vector<16xf32>
        %mul3A_642 = arith.mulf %get3A_637, %get3A_641 : vector<16xf32>
        %add3A_643 = arith.addf %add3A_633, %mul3A_642 : vector<16xf32>
        %get3A_644 = arith.index_cast %add3A_574 : i32 to index
        %get3A_645 = arith.constant 112 : index
        %get3A_646 = tpu.vector_load %arg9[%get3A_644, %get3A_645] {strides = array<i32>} : memref<128x128xf32, #tpu.memory_space<vmem>>, vector<1x16xf32>,
        %get3A_647 = vector.shape_cast %get3A_646 : vector<1x16xf32> to vector<16xf32>
        %get3A_648 = arith.index_cast %add3A_574 : i32 to index
        %get3A_649 = arith.constant 112 : index
        %get3A_650 = tpu.vector_load %arg10[%get3A_648, %get3A_649] {strides = array<i32>} : memref<128x128xf32, #tpu.memory_space<vmem>>, vector<1x16xf32>,
        %get3A_651 = vector.shape_cast %get3A_650 : vector<1x16xf32> to vector<16xf32>
        %mul3A_652 = arith.mulf %get3A_647, %get3A_651 : vector<16xf32>
        %add3A_653 = arith.addf %add3A_643, %mul3A_652 : vector<16xf32>
        %lt3A_654 = arith.constant 0 : i32
        %lt3A_655 = vector.broadcast %lt3A_654 : i32 to vector<16xi32>
        %lt3A_656 = arith.cmpi slt, %xor3A_74, %lt3A_655 : vector<16xi32>
        %add3A_657 = arith.constant 16 : i32
        %add3A_658 = vector.broadcast %add3A_657 : i32 to vector<16xi32>
        %add3A_659 = arith.addi %xor3A_74, %add3A_658 : vector<16xi32>
        %select_n3A_660 = arith.select %lt3A_656, %add3A_659, %xor3A_74 : vector<16xi1>, vector<16xi32>
        %broadcast_in_dim3A_661 = vector.shape_cast %select_n3A_660 : vector<16xi32> to vector<16x1xi32>
        %gather3A_662 = vector.shape_cast %broadcast_in_dim3A_661 : vector<16x1xi32> to vector<16xi32>
        %gather3A_663 = tpu.dynamic_gather %add3A_653[%gather3A_662] in [0] : vector<16xf32>, vector<16xi32> -> vector<16xf32>
        %add3A_664 = arith.addf %add3A_653, %gather3A_663 : vector<16xf32>
        %lt3A_665 = arith.constant 0 : i32
        %lt3A_666 = vector.broadcast %lt3A_665 : i32 to vector<16xi32>
        %lt3A_667 = arith.cmpi slt, %xor3A_77, %lt3A_666 : vector<16xi32>
        %add3A_668 = arith.constant 16 : i32
        %add3A_669 = vector.broadcast %add3A_668 : i32 to vector<16xi32>
        %add3A_670 = arith.addi %xor3A_77, %add3A_669 : vector<16xi32>
        %select_n3A_671 = arith.select %lt3A_667, %add3A_670, %xor3A_77 : vector<16xi1>, vector<16xi32>
        %broadcast_in_dim3A_672 = vector.shape_cast %select_n3A_671 : vector<16xi32> to vector<16x1xi32>
        %gather3A_673 = vector.shape_cast %broadcast_in_dim3A_672 : vector<16x1xi32> to vector<16xi32>
        %gather3A_674 = tpu.dynamic_gather %add3A_664[%gather3A_673] in [0] : vector<16xf32>, vector<16xi32> -> vector<16xf32>
        %add3A_675 = arith.addf %add3A_664, %gather3A_674 : vector<16xf32>
        %lt3A_676 = arith.constant 0 : i32
        %lt3A_677 = vector.broadcast %lt3A_676 : i32 to vector<16xi32>
        %lt3A_678 = arith.cmpi slt, %xor3A_80, %lt3A_677 : vector<16xi32>
        %add3A_679 = arith.constant 16 : i32
        %add3A_680 = vector.broadcast %add3A_679 : i32 to vector<16xi32>
        %add3A_681 = arith.addi %xor3A_80, %add3A_680 : vector<16xi32>
        %select_n3A_682 = arith.select %lt3A_678, %add3A_681, %xor3A_80 : vector<16xi1>, vector<16xi32>
        %broadcast_in_dim3A_683 = vector.shape_cast %select_n3A_682 : vector<16xi32> to vector<16x1xi32>
        %gather3A_684 = vector.shape_cast %broadcast_in_dim3A_683 : vector<16x1xi32> to vector<16xi32>
        %gather3A_685 = tpu.dynamic_gather %add3A_675[%gather3A_684] in [0] : vector<16xf32>, vector<16xi32> -> vector<16xf32>
        %add3A_686 = arith.addf %add3A_675, %gather3A_685 : vector<16xf32>
        %lt3A_687 = arith.constant 0 : i32
        %lt3A_688 = vector.broadcast %lt3A_687 : i32 to vector<16xi32>
        %lt3A_689 = arith.cmpi slt, %xor3A_83, %lt3A_688 : vector<16xi32>
        %add3A_690 = arith.constant 16 : i32
        %add3A_691 = vector.broadcast %add3A_690 : i32 to vector<16xi32>
        %add3A_692 = arith.addi %xor3A_83, %add3A_691 : vector<16xi32>
        %select_n3A_693 = arith.select %lt3A_689, %add3A_692, %xor3A_83 : vector<16xi1>, vector<16xi32>
        %broadcast_in_dim3A_694 = vector.shape_cast %select_n3A_693 : vector<16xi32> to vector<16x1xi32>
        %gather3A_695 = vector.shape_cast %broadcast_in_dim3A_694 : vector<16x1xi32> to vector<16xi32>
        %gather3A_696 = tpu.dynamic_gather %add3A_686[%gather3A_695] in [0] : vector<16xf32>, vector<16xi32> -> vector<16xf32>
        %add3A_697 = arith.addf %add3A_686, %gather3A_696 : vector<16xf32>
        %eq3A_698 = vector.broadcast %scan3A_571 : i32 to vector<16xi32>
        %eq3A_699 = arith.cmpi eq, %iota3A, %eq3A_698 : vector<16xi32>
        %select_n3A_700 = arith.select %eq3A_699, %add3A_697, %select_n3A_569 : vector<16xi1>, vector<16xf32>
        scf.yield %select_n3A_700 : vector<16xf32>
      }
      %scan3A_174 = arith.constant 16 : i32
      %mul3A_175 = arith.constant 16 : i32
      %mul3A_176 = arith.muli %scan3A_167, %mul3A_175 : i32
      %add3A_177 = arith.constant 384 : i32
      %add3A_178 = arith.addi %add3A_177, %mul3A_176 : i32
      %swap3A = arith.index_cast %add3A_178 : i32 to index
      %swap3A_179 = tpu.vector_load %arg15[%swap3A] {strides = array<i32>} : memref<512xf32, #tpu.memory_space<vmem>>, vector<16xf32>,
      %swap3A_180 = vector.shape_cast %swap3A_179 : vector<16xf32> to vector<16xf32>
      %swap3A_181 = vector.shape_cast %scan3A_173 : vector<16xf32> to vector<16xf32>
      tpu.vector_store %arg15[%swap3A], %swap3A_181 {strides = array<i32>} : memref<512xf32, #tpu.memory_space<vmem>>, vector<16xf32>,
    }
    %scan3A_166 = arith.constant 8 : i32
    "tpu.region"() ({
      %run_scoped3A = tpu.sem_alloc : memref<!tpu.dma_semaphore, #tpu.memory_space<semaphore_mem>>
      %dma_start3A_167 = tpu.memref_slice %arg6[%mul3A_2] : memref<16384xf32, #tpu.memory_space<hbm>> -> memref<512xf32, #tpu.memory_space<hbm>>
      %dma_start3A_168 = tpu.memref_slice %arg6[%mul3A_2] : memref<16384xf32, #tpu.memory_space<hbm>> -> memref<512xf32, #tpu.memory_space<hbm>>
      tpu.enqueue_dma source(%arg15 : memref<512xf32, #tpu.memory_space<vmem>>) target(%dma_start3A_168 : memref<512xf32, #tpu.memory_space<hbm>>) target_semaphore(%run_scoped3A : memref<!tpu.dma_semaphore, #tpu.memory_space<semaphore_mem>>)
      %dma_wait3A_169 = tpu.memref_slice %arg6[%mul3A_2] : memref<16384xf32, #tpu.memory_space<hbm>> -> memref<512xf32, #tpu.memory_space<hbm>>
      %dma_wait3A_170 = tpu.memref_slice %arg6[%mul3A_2] : memref<16384xf32, #tpu.memory_space<hbm>> -> memref<512xf32, #tpu.memory_space<hbm>>
      tpu.wait_dma2 semaphore(%run_scoped3A : memref<!tpu.dma_semaphore, #tpu.memory_space<semaphore_mem>>) src(%arg15 : memref<512xf32, #tpu.memory_space<vmem>>) dst(%dma_wait3A_170 : memref<512xf32, #tpu.memory_space<hbm>>)
      tpu.yield
    }) : () -> ()
    return
  }
}

</mosaic_0001>

<sc_bundles>
// kernel: _skipgram_sc.3.cloned.1.call-start
scs
__scs_entry_jumppad:
0x0: {  	(pc) =	sbr.rel $0x88, $3  }
0x1: {  	(tag) =	ssettag $0x0;
	lr =	simm.s32 $0x1  }
0x2: {  	[smem:$0x3F9D] =	sst lr;
	_ =	strace $0xD0000000  }
0x3: {  	_ = 	snop  }
0x4: {  	_ = 	snop  }
0x5: {  	_ = 	snop  }
0x6: {  	_ = 	snop  }
0x7: {  	_ = 	snop  }
__scs_overlays_trampoline_lowered:
0x8: {  	[smem:$0x3FAC] =	sst s0  }
0x9: {  	[smem:$0x3FAD] =	sst s1  }
0xa: {  	[smem:$0x3FAE] =	sst s2  }
0xb: {  	[smem:$0x3FAF] =	sst s3  }
0xc: {  	[smem:$0x3FB0] =	sst s4  }
0xd: {  	[smem:$0x3FB1] =	sst s5  }
0xe: {  	[smem:$0x3FB2] =	sst s6  }
0xf: {  	[smem:$0x3FB3] =	sst s7  }
0x10: {  	[smem:$0x3FB4] =	sst s8  }
0x11: {  	[smem:$0x3FB5] =	sst s9;
	s0 =	simm.s32 @!p0 $0x0  }
0x12: {  	s1 =	sld [smem:$0x3F9B];
	s0 =	simm.s32 @p0 $0x1  }
0x13: {  	[smem:$0x3FB6] =	sst s0;
	s0 =	simm.s32 @!p1 $0x0  }
0x14: {  	s2 =	sld [smem:$0x3F9A];
	s0 =	simm.s32 @p1 $0x1  }
0x15: {  	[smem:$0x3FB7] =	sst s0;
	s0 =	simm.s32 @!p2 $0x0  }
0x16: {  	s3 =	sld [smem:$0x3FDB];
	s0 =	simm.s32 @p2 $0x1  }
0x17: {  	s4 =	simm.s32 $0x1BF5;
	[smem:$0x3FB9] =	sst s0  }
0x18: {  	s0 =	sld [smem:$0x3F9C];
	_ =	swait.ge [sflag:s4], $0x0  }
0x19: {  	s7 =	sld [smem:$0x3F9D]  }
0x1a: {  	s8 =	sadd.s32 $0xFFFFE003, lr  }
0x1b: {  	s9 =	sadd.s32 $0xFFFFFEF7, lr;
	s5 =	simm.s32 $0xFFFFFFFF;
	p2 =	slt.u32 s8, $0xFFFFF086  }
0x1c: {  	p1 =	slt.u32 s9, $0xF7A;
	s5 =	simm.s32 @!p2 $0x0  }
0x1d: {  	s5 =	simm.s32 @p1 $0x1;
	p0 =	seq.s32 s7, s2  }
0x1e: {  	s7 =	smul.u32 @!p0 $0xF7A, s2;
	p2 =	seq.s32 @!p0 s5, $0x0  }
0x1f: {  	s9 =	smul.u32 $0xF7A, s1;
	s8 =	simm.s32 @!p0 $0x1BF5;
	p2 =	por !p2, p0  }
0x20: {  	[sflag:s8] =	ssyncset.s32 @!p0 $0xFFFFF086;
	s6 =	sadd.s32 @!p0 s3, s7;
	s7 =	simm.s32 @!p0 $0x108  }
0x21: {  	s3 =	sadd.s32 s3, s9;
	s6 =	sadd.s32 @!p0 $0x88, s6;
	s7 =	simm.s32 @p2 $0x1082  }
0x22: {  	[simem:s7], [sflag:s8] =	dma.local @!p0 [hbm:s6], $0xF7A  }
0x23: {  	s9 =	sor.u32 $0xD0000000, s2;
	s6 =	simm.s32 $0x108;
	_ =	swait.ge @!p0 [sflag:s8], $0x0  }
0x24: {  	s3 =	sadd.s32 $0x88, s3;
	s6 =	simm.s32 @!p1 $0x1082;
	[sflag:s4] =	ssyncset.s32 $0xFFFFF086  }
0x25: {  	[simem:s6], [sflag:s4] =	dma.local [hbm:s3], $0xF7A  }
0x26: {  	[smem:$0x3F9D] =	sst s1;
	(tag) =	ssettag s2;
	_ =	strace s9  }
0x27: {  	s1 =	sld [smem:$0x3FAD]  }
0x28: {  	s2 =	sld [smem:$0x3FAE]  }
0x29: {  	s4 =	sld [smem:$0x3FB0]  }
0x2a: {  	p0 =	seq.s32 s5, $0x0;
	s5 =	sld [smem:$0x3FB1]  }
0x2b: {  	s6 =	sld [smem:$0x3FB2]  }
0x2c: {  	s7 =	sld [smem:$0x3FB3]  }
0x2d: {  	s3 =	simm.s32 $0x108;
	s8 =	sld [smem:$0x3FB4]  }
0x2e: {  	s3 =	simm.s32 @!p0 $0x1082;
	s9 =	sld [smem:$0x3FB5]  }
0x2f: {  	lr =	sadd.s32 s0, s3;
	s0 =	sld [smem:$0x3FAC]  }
0x30: {  	s3 =	sld [smem:$0x3FAF]  }
0x31: {  	[smem:$0x3FB8] =	sst s10  }
0x32: {  	s10 =	sld [smem:$0x3FB6];
	_ =	sdelay $0x3  }
0x33: {  	p0 =	seq.s32 s10, $0x1;
	s10 =	sld [smem:$0x3FB8];
	_ =	sdelay $0x3  }
0x34: {  	[smem:$0x3FB8] =	sst s10  }
0x35: {  	s10 =	sld [smem:$0x3FB7];
	_ =	sdelay $0x3  }
0x36: {  	p1 =	seq.s32 s10, $0x1;
	s10 =	sld [smem:$0x3FB8];
	_ =	sdelay $0x3  }
0x37: {  	[smem:$0x3FB8] =	sst s10  }
0x38: {  	s10 =	sld [smem:$0x3FB9]  }
0x39: {  	_ = 	snop;
	(pc) =	sbr.ind lr, $3  }
0x3a: {  	_ = 	snop  }
0x3b: {  	_ = 	snop  }
0x3c: {  	p2 =	seq.s32 s10, $0x1;
	s10 =	sld [smem:$0x3FB8]  }
0x3d: {  	_ =	shalt  }
0x3e: {  	_ =	shalt  }
0x3f: {  	_ =	shalt  }
0x40: {  	_ =	shalt  }
0x41: {  	_ =	shalt  }
0x42: {  	_ =	shalt  }
0x43: {  	_ =	shalt  }
0x44: {  	_ =	shalt  }
0x45: {  	_ =	shalt  }
0x46: {  	_ =	shalt  }
0x47: {  	_ =	shalt  }
0x48: {  	_ =	shalt  }
0x49: {  	_ =	shalt  }
0x4a: {  	_ =	shalt  }
0x4b: {  	_ =	shalt  }
0x4c: {  	_ =	shalt  }
0x4d: {  	_ =	shalt  }
0x4e: {  	_ =	shalt  }
0x4f: {  	_ =	shalt  }
0x50: {  	_ =	shalt  }
0x51: {  	_ =	shalt  }
0x52: {  	_ =	shalt  }
0x53: {  	_ =	shalt  }
0x54: {  	_ =	shalt  }
0x55: {  	_ =	shalt  }
0x56: {  	_ =	shalt  }
0x57: {  	_ =	shalt  }
0x58: {  	_ =	shalt  }
0x59: {  	_ =	shalt  }
0x5a: {  	_ =	shalt  }
0x5b: {  	_ =	shalt  }
0x5c: {  	_ =	shalt  }
0x5d: {  	_ =	shalt  }
0x5e: {  	_ =	shalt  }
0x5f: {  	_ =	shalt  }
0x60: {  	_ =	shalt  }
0x61: {  	_ =	shalt  }
0x62: {  	_ =	shalt  }
0x63: {  	_ =	shalt  }
0x64: {  	_ =	shalt  }
0x65: {  	_ =	shalt  }
0x66: {  	_ =	shalt  }
0x67: {  	_ =	shalt  }
0x68: {  	_ =	shalt  }
0x69: {  	_ =	shalt  }
0x6a: {  	_ =	shalt  }
0x6b: {  	_ =	shalt  }
0x6c: {  	_ =	shalt  }
0x6d: {  	_ =	shalt  }
0x6e: {  	_ =	shalt  }
0x6f: {  	_ =	shalt  }
0x70: {  	_ =	shalt  }
0x71: {  	_ =	shalt  }
0x72: {  	_ =	shalt  }
0x73: {  	_ =	shalt  }
0x74: {  	_ =	shalt  }
0x75: {  	_ =	shalt  }
0x76: {  	_ =	shalt  }
0x77: {  	_ =	shalt  }
0x78: {  	_ =	shalt  }
0x79: {  	_ =	shalt  }
0x7a: {  	_ =	shalt  }
0x7b: {  	_ =	shalt  }
0x7c: {  	_ =	shalt  }
0x7d: {  	_ =	shalt  }
0x7e: {  	_ =	shalt  }
0x7f: {  	_ =	shalt  }
0x80: {  	_ =	shalt  }
0x81: {  	_ =	shalt  }
0x82: {  	_ =	shalt  }
0x83: {  	_ =	shalt  }
0x84: {  	_ =	shalt  }
0x85: {  	_ =	shalt  }
0x86: {  	_ =	shalt  }
0x87: {  	_ =	shalt  }
.Lfunc_end0:
.L_simem_size_0:
called_computation_lowered:
.L_overlay_start_0:
0x88: {  	s2 =	sld [smem:$0x3FD9]  }
0x89: {  	s3 =	sld [smem:$0x3FFE];
	_ =	sdelay $0x1  }
0x8a: {  	s1 =	srdreg.scid  }
0x8b: {  	s0 =	sand.u32 $0x1, s1  }
0x8c: {  	s18 =	sshll.u32 s0, $0xA;
	s2 =	sadd.s32 s3, s2  }
0x8d: {  	s2 =	sadd.s32 s2, s18  }
0x8e: {  	[smem:$0x3FC4] =	sst s2  }
0x8f: {  	_ = 	snop  }
0x90: {  	s2 =	sld [smem:$0x3FC9]  }
0x91: {  	s19 =	sld [smem:$0x3FC8]  }
0x92: {  	s4 =	sld [smem:$0x3FC7]  }
0x93: {  	s5 =	sld [smem:$0x3FC6]  }
0x94: {  	s6 =	sld [smem:$0x3FD0];
	(tm) =	ssettm $0x1  }
0x95: {  	s7 =	sld [smem:$0x3FFB];
	_ =	sdelay $0x3  }
0x96: {  	_ =	strace s7  }
0x97: {  	s7 =	sld [smem:$0x3FFC];
	_ =	sdelay $0x3  }
0x98: {  	_ =	strace s7  }
0x99: {  	s7 =	sld [smem:$0x3FFD];
	_ =	sdelay $0x3  }
0x9a: {  	_ =	strace s7  }
0x9b: {  	_ =	strace $0x8FFFFFFF  }
0x9c: {  	s20 =	sld [smem:$0x3FDB];
	_ =	sdelay $0x1  }
0x9d: {  	s8 =	simm.s32 $_scs_section_size  }
0x9e: {  	s9 =	simm.s32 $_size__tile_overlayer_lowered;
	s10 =	simm.s32 $_tile_overlayer_lowered  }
0x9f: {  	s23 =	simm.s32 $0x1BFF;
	s22 =	sshll.u32 s10, $0x1;
	s7 =	sadd.s32 s8, s20  }
0xa0: {  	s11 =	simm.s32 $0x0;
	s21 =	sshll.u32 s9, $0x1;
	s9 =	sadd.s32 s22, s7  }
0xa1: {  	[timem:s11], [sflag:s23] =	dma.local [hbm:s9], s21  }
0xa2: {  	_ =	swait.ge [sflag:s23], s21  }
0xa3: {  	s8 =	ssub.s32 $0x0, s21;
	[sflag:s23] =	ssyncset.done $0x0  }
0xa4: {  	[sflag:s23] =	ssyncadd.s32 s8;
	_ =	sdelay $0x1  }
0xa5: {  	s24 =	simm.s32 $0x1B8B  }
0xa6: {  	_ =	swait.ge [sflag:s24], $0x1  }
0xa7: {  	[sflag:s24] =	ssyncset.done $0x0  }
0xa8: {  	s25 =	simm.s32 $0x1B8E;
	[sflag:s24] =	ssyncadd.s32 $0xFFFFFFFF  }
0xa9: {  	s26 =	simm.s32 $execute0_lowered;
	[smem:$0x3FD2] =	sst s25  }
0xaa: {  	s8 =	sshll.u32 s26, $0x1;
	_ =	strace $0x80000046;
	[dreg:$0x1] =	wrdreg $0xFFFFFFFF  }
0xab: {  	s28 =	simm.s32 $_size_execute0_lowered;
	s7 =	sadd.s32 s7, s8;
	[dreg:$0x0] =	wrdreg $0x0  }
0xac: {  	s8 =	sshll.u32 s28, $0x1;
	[dreg:$0x2] =	wrdreg s7  }
0xad: {  	[dreg:$0x3] =	wrdreg s8  }
0xae: {  	[dreg:$0x4] =	wrdreg $0xC0  }
0xaf: {  	_ =	task [dreg:s11], $0x5FFFF  }
0xb0: {  	[dreg:$0x1] =	wrdreg $0xFFFFFFFF  }
0xb1: {  	[dreg:$0x0] =	wrdreg $0x60  }
0xb2: {  	[dreg:$0x2] =	wrdreg s2  }
0xb3: {  	[dreg:$0x3] =	wrdreg s19  }
0xb4: {  	[dreg:$0x4] =	wrdreg s4  }
0xb5: {  	[dreg:$0x5] =	wrdreg s5  }
0xb6: {  	[dreg:$0x6] =	wrdreg s6  }
0xb7: {  	[dreg:$0x7] =	wrdreg $0x9  }
0xb8: {  	_ =	task.clear_ibuf [dreg:s11], $0x8FFFF;
	_ =	strace $0x90000046  }
0xb9: {  	s29 =	simm.s32 $0x9;
	_ =	strace $0x80000048  }
0xba: {  	_ =	swait.ge [sflag:s29], $0x1  }
0xbb: {  	[sflag:s29] =	ssyncadd.s32 $0xFFFFFFFF  }
0xbc: {  	_ =	strace $0x90000048  }
0xbd: {  	_ =	sfence  }
0xbe: {  	s30 =	sld [smem:$0x0];
	_ =	sdelay $0x2  }
0xbf: {  	s31 =	sshll.u32 s1, $0xD;
	s1 =	sshrl.u32 s1, $0x2  }
0xc0: {  	s3 =	sand.u32 $0x4000, s31;
	s1 =	sadd.s32 s1, s30  }
0xc1: {  	s0 =	sor.u32 s3, s0;
	s1 =	sshll.u32 s1, $0x11  }
0xc2: {  	s0 =	sor.u32 s1, s0  }
0xc3: {  	s0 =	sadd.s32 $0x8F2B, s0  }
0xc4: {  	[sflag:s0] =	ssyncadd.remote.s32 $0x1  }
0xc5: {  	_ =	sfence.sel $0xFFFF  }
0xc6: {  	[dreg:$0x0] =	wrdreg $0xFFFFFFFF;
	(pc) =	sbr.abs _section_cstart, $3  }
0xc7: {  	[dreg:$0x1] =	wrdreg $0xFFFFFFFF  }
0xc8: {  	_ =	task.clear_ibuf [dreg:s11], $0x2FFFF;
	_ =	strace $0x9FFFFFFF  }
0xc9: {  	(tm) =	ssettm $0x7FFFFFFF  }
tec
execute0_lowered:
.L_overlay_start_1:
0x0: {  	(tag) =	ssettag $0x1  }
0x1: {  	s0 =	rddreg [dreg:$0x0]  }
0x2: {  	s4 =	rddreg [dreg:$0x1]  }
0x3: {  	s1 =	rddreg [dreg:$0x2]  }
0x4: {  	s2 =	rddreg [dreg:$0x3];
	v0 =	vimm.s32 $0xFEDCBA98;
	v1 =	vimm.s32 $0x76543210  }
0x5: {  	s9 =	rddreg [dreg:$0x4];
	s3 =	simm.s32 $0x0;
	s5 =	srdreg.scid;
	v2 =	vimm.s32 $0xBA98FEDC;
	v3 =	vimm.s32 $0x32107654;
	v4 =	vimm.s32 $0xDCFE98BA  }
0x6: {  	s7 =	stileid.u32;
	v5 =	vimm.s32 $0x54761032;
	v6 =	vimm.s32 $0xEFCDAB89;
	v7 =	vimm.s32 $0x67452301;
	s12 =	simm.s32 $0x1;
	s13 =	simm.s32 $0x80  }
0x7: {  	s14 =	simm.s32 $0x400;
	s15 =	simm.s32 $0x4400;
	s16 =	simm.s32 $0x280;
	v0 =	vunpack.c.l.s4.s8 v0;
	v1 =	vunpack.c.l.s4.s8 v1;
	v2 =	vunpack.c.l.s4.s8 v2  }
0x8: {  	s17 =	simm.s32 $0x2;
	s24 =	simm.s32 $0x180;
	s25 =	simm.s32 $0x380;
	v3 =	vunpack.c.l.s4.s8 v3;
	v4 =	vunpack.c.l.s4.s8 v4;
	v5 =	vunpack.c.l.s4.s8 v5  }
0x9: {  	s26 =	simm.s32 $0x3;
	s28 =	simm.s32 $0x18400;
	s29 =	simm.s32 $0x4;
	v6 =	vunpack.c.l.s4.s8 v6;
	v7 =	vunpack.c.l.s4.s8 v7;
	v0 =	vunpack.c.0.s8.s32 v0  }
0xa: {  	s30 =	simm.s32 $0x0;
	[smem:$0x7FF] =	sst s3;
	s5 =	sand.u32 $0x1, s5;
	v2 =	vunpack.c.0.s8.s32 v2;
	v3 =	vunpack.c.0.s8.s32 v3;
	v4 =	vunpack.c.0.s8.s32 v4  }
0xb: {  	s7 =	sshll.u32 s7, $0x7;
	s6 =	ssub.s32 $0x2, s5;
	s5 =	sshll.u32 s5, $0x6;
	v5 =	vunpack.c.0.s8.s32 v5;
	v6 =	vunpack.c.0.s8.s32 v6;
	v7 =	vunpack.c.0.s8.s32 v7  }
0xc: {  	_ =	strace $0x80000047;
	s8 =	sshrl.u32 s6, $0x1;
	s10 =	sor.u32 s5, s7;
	v1 =	vunpack.c.0.s8.s32 v1;
	v2 =	vcombine.low v3, v2  }
0xd: {  	s11 =	ssub.s32 s6, s8;
	s5 =	sadd.s32 s0, s10;
	s31 =	sor.u32 $0x10, s10;
	v3 =	vcombine.low v5, v4;
	v4 =	vcombine.low v7, v6;
	v0 =	vand.u32 $0xF, v0  }
0xe: {  	s6 =	sadd.s32 s4, s10;
	s9 =	sadd.s32 s9, s10;
	s7 =	sadd.s32 s0, s31;
	v0 =	vcombine.low v0, v1;
	v1 =	vand.u32 $0xF, v2  }
0xf: {  	s8 =	sadd.s32 s4, s31;
	s10 =	smax.u32 s11, $0x1;
	s11 =	simm.s32 $0x200;
	v2 =	vand.u32 $0xF, v3;
	v3 =	vand.u32 $0xF, v4;
	v4 =	vlaneseq.u32  }
.LBB2_1:
0x10: {  	[tilespmem:s3], [sflag:$0x1] =	stream.linear.gather [hbm4b:s5+s3], $0x80, $0x38;
	[tilespmem:$0x18600] =	vst v63  }
0x11: {  	_ = 	snop  }
0x12: {  	[tilespmem:s11], [sflag:$0x1] =	stream.linear.gather [hbm4b:s6+s3], $0x80, $0x38;
	[tilespmem:$0x18600] =	vst v63  }
0x13: {  	_ =	swait.ge [sflag:s12], $0x80  }
0x14: {  	[sflag:s12] =	ssyncset.done $0x0  }
0x15: {  	[sflag:s12] =	ssyncadd.s32 $0xFFFFFF80  }
0x16: {  	_ =	swait.ge [sflag:s12], $0x80  }
0x17: {  	[sflag:s12] =	ssyncset.done $0x0  }
0x18: {  	[sflag:s12] =	ssyncadd.s32 $0xFFFFFF80  }
0x19: {  	[tilespmem:s14], [sflag:$0x1] =	stream.indirect.gather [hbm4b:s1+s13], $0x80, s3, s13, $0xb8;
	[tilespmem:$0x18600] =	vst v63  }
0x1a: {  	_ = 	snop  }
0x1b: {  	[tilespmem:s15], [sflag:$0x1] =	stream.indirect.gather [hbm4b:s2+s13], $0x80, s11, s13, $0xb8;
	[tilespmem:$0x18600] =	vst v63  }
0x1c: {  	_ = 	snop  }
0x1d: {  	[tilespmem:s13], [sflag:$0x2] =	stream.linear.gather [hbm4b:s7+s3], $0x180, $0x38;
	[tilespmem:$0x18600] =	vst v63  }
0x1e: {  	_ = 	snop  }
0x1f: {  	[tilespmem:s16], [sflag:$0x2] =	stream.linear.gather [hbm4b:s8+s3], $0x180, $0x38;
	[tilespmem:$0x18600] =	vst v63  }
0x20: {  	_ =	swait.ge [sflag:s17], $0x180  }
0x21: {  	[sflag:s17] =	ssyncset.done $0x0  }
0x22: {  	[sflag:s17] =	ssyncadd.s32 $0xFFFFFE80  }
0x23: {  	_ =	swait.ge [sflag:s17], $0x180  }
0x24: {  	[sflag:s17] =	ssyncset.done $0x0  }
0x25: {  	s0 =	simm.s32 $0x8400;
	[sflag:s17] =	ssyncadd.s32 $0xFFFFFE80  }
0x26: {  	[tilespmem:s0], [sflag:$0x2] =	stream.indirect.gather [hbm4b:s1+s13], $0x80, s13, s13, $0xb8;
	[tilespmem:$0x18600] =	vst v63  }
0x27: {  	s20 =	simm.s32 $0xC400  }
0x28: {  	[tilespmem:s20], [sflag:$0x2] =	stream.indirect.gather [hbm4b:s2+s13], $0x80, s16, s13, $0xb8;
	[tilespmem:$0x18600] =	vst v63  }
0x29: {  	_ =	swait.ge [sflag:s12], $0x4000  }
0x2a: {  	[sflag:s12] =	ssyncset.done $0x0  }
0x2b: {  	[sflag:s12] =	ssyncadd.s32 $0xFFFFC000  }
0x2c: {  	_ =	swait.ge [sflag:s12], $0x4000  }
0x2d: {  	s21 =	simm.s32 $0x100;
	s4 =	simm.s32 $0x10400;
	[sflag:s12] =	ssyncset.done $0x0  }
0x2e: {  	s22 =	simm.s32 $0x300;
	s23 =	simm.s32 $0x14400;
	[sflag:s12] =	ssyncadd.s32 $0xFFFFC000  }
0x2f: {  	[tilespmem:s4], [sflag:$0x3] =	stream.indirect.gather [hbm4b:s1+s13], $0x80, s21, s13, $0xb8;
	[tilespmem:$0x18600] =	vst v63  }
0x30: {  	s31 =	simm.s32 $0x4500;
	s0 =	simm.s32 $0x500;
	s4 =	simm.s32 $0x0  }
0x31: {  	[tilespmem:s23], [sflag:$0x3] =	stream.indirect.gather [hbm4b:s2+s13], $0x80, s22, s13, $0xb8;
	[tilespmem:$0x18600] =	vst v63  }
.LBB2_2:
0x32: {  	v5 =	vld [tilespmem:s0+$0xF0]  }
0x33: {  	v7 =	vld [tilespmem:s0+$0x70]  }
0x34: {  	v8 =	vld [tilespmem:s0+$0xFFFFFFF0]  }
0x35: {  	v15 =	vld [tilespmem:s31+$0xFFFFFFF0]  }
0x36: {  	v6 =	vld [tilespmem:s0+$0xE0]  }
0x37: {  	v17 =	vld [tilespmem:s0+$0xFFFFFF70]  }
0x38: {  	v21 =	vld [tilespmem:s31+$0xFFFFFF70]  }
0x39: {  	v9 =	vld [tilespmem:s0+$0x60]  }
0x3a: {  	v22 =	vld [tilespmem:s0+$0xFFFFFFE0]  }
0x3b: {  	v51 =	vld [tilespmem:s31+$0xFFFFFFE0]  }
0x3c: {  	v10 =	vld [tilespmem:s0+$0xD0]  }
0x3d: {  	v52 =	vld [tilespmem:s0+$0xFFFFFF60]  }
0x3e: {  	v53 =	vld [tilespmem:s31+$0xFFFFFF60]  }
0x3f: {  	v11 =	vld [tilespmem:s0+$0x50]  }
0x40: {  	v18 =	vld [tilespmem:s0+$0xFFFFFFD0]  }
0x41: {  	v20 =	vld [tilespmem:s31+$0xFFFFFFD0]  }
0x42: {  	v12 =	vld [tilespmem:s0+$0xC0]  }
0x43: {  	v23 =	vld [tilespmem:s0+$0xFFFFFF50]  }
0x44: {  	v25 =	vld [tilespmem:s31+$0xFFFFFF50]  }
0x45: {  	v13 =	vld [tilespmem:s0+$0x40]  }
0x46: {  	v26 =	vld [tilespmem:s0+$0xFFFFFFC0]  }
0x47: {  	v27 =	vld [tilespmem:s31+$0xFFFFFFC0]  }
0x48: {  	v14 =	vld [tilespmem:s0+$0xB0]  }
0x49: {  	v31 =	vld [tilespmem:s0+$0xFFFFFF40]  }
0x4a: {  	v33 =	vld [tilespmem:s31+$0xFFFFFF40]  }
0x4b: {  	v16 =	vld [tilespmem:s0+$0x30]  }
0x4c: {  	v32 =	vld [tilespmem:s0+$0xFFFFFFB0]  }
0x4d: {  	v34 =	vld [tilespmem:s31+$0xFFFFFFB0]  }
0x4e: {  	v19 =	vld [tilespmem:s0+$0xA0]  }
0x4f: {  	v35 =	vld [tilespmem:s0+$0xFFFFFF30]  }
0x50: {  	v38 =	vld [tilespmem:s31+$0xFFFFFF30]  }
0x51: {  	v24 =	vld [tilespmem:s0+$0x20]  }
0x52: {  	v36 =	vld [tilespmem:s0+$0xFFFFFFA0]  }
0x53: {  	v39 =	vld [tilespmem:s31+$0xFFFFFFA0]  }
0x54: {  	v28 =	vld [tilespmem:s0+$0x80]  }
0x55: {  	v29 =	vld [tilespmem:s31+$0x80]  }
0x56: {  	v30 =	vld [tilespmem:s0+$0x90]  }
0x57: {  	v42 =	vld [tilespmem:s0+$0xFFFFFF20]  }
0x58: {  	v44 =	vld [tilespmem:s31+$0xFFFFFF20]  }
0x59: {  	v37 =	vld [tilespmem:s0+$0x0]  }
0x5a: {  	v40 =	vld [tilespmem:s31+$0x0]  }
0x5b: {  	v41 =	vld [tilespmem:s0+$0x10]  }
0x5c: {  	v43 =	vld [tilespmem:s0+$0xFFFFFF80]  }
0x5d: {  	v45 =	vld [tilespmem:s31+$0xFFFFFF80]  }
0x5e: {  	v46 =	vld [tilespmem:s0+$0xFFFFFF90]  }
0x5f: {  	v47 =	vld [tilespmem:s0+$0xFFFFFF00]  }
0x60: {  	v48 =	vld [tilespmem:s31+$0xFFFFFF00]  }
0x61: {  	v49 =	vld [tilespmem:s0+$0xFFFFFF10];
	s18 =	simm.s32 $0x0;
	v17 =	vmul.f32 v21, v17;
	v15 =	vmul.f32 v15, v8  }
0x62: {  	v50 =	vld [tilespmem:s31+$0xFFFFFF10];
	s20 =	simm.s32 $0x4;
	s19 =	smov.u32 s31;
	s21 =	smov.u32 s0;
	v8 =	vimm.f32 $0.0e+00;
	v21 =	vmul.f32 v53, v52;
	v22 =	vmul.f32 v51, v22  }
.LBB2_3:
0x63: {  	p0 =	slt.u32 s20, $0xC;
	v23 =	vmul.f32 v25, v23;
	v25 =	vld [tilespmem:s19+$0xFFFFFF90];
	v18 =	vmul.f32 v20, v18  }
0x64: {  	v20 =	vmul.f32 v33, v31;
	v26 =	vmul.f32 v27, v26;
	v27 =	vld [tilespmem:s19+$0x10]  }
0x65: {  	v31 =	vmul.f32 v38, v35;
	v32 =	vmul.f32 v34, v32;
	v33 =	vld [tilespmem:s19+$0x90]  }
0x66: {  	v34 =	vmul.f32 v44, v42;
	v35 =	vmul.f32 v39, v36;
	v36 =	vld [tilespmem:s19+$0x20]  }
0x67: {  	v38 =	vmul.f32 v48, v47;
	v39 =	vmul.f32 v50, v49;
	v42 =	vld [tilespmem:s19+$0xA0]  }
0x68: {  	v43 =	vmul.f32 v45, v43;
	v25 =	vmul.f32 v25, v46;
	v44 =	vld [tilespmem:s19+$0x30]  }
0x69: {  	v37 =	vmul.f32 v40, v37;
	v38 =	vadd.f32 v39, v38;
	v27 =	vmul.f32 v27, v41;
	v39 =	vld [tilespmem:s19+$0xB0]  }
0x6a: {  	v28 =	vmul.f32 v29, v28;
	v25 =	vadd.f32 v25, v43;
	v40 =	vld [tilespmem:s19+$0x40];
	v29 =	vmul.f32 v33, v30  }
0x6b: {  	v30 =	vadd.f32 v34, v38;
	v27 =	vadd.f32 v27, v37;
	v24 =	vmul.f32 v36, v24;
	v33 =	vld [tilespmem:s19+$0xC0]  }
0x6c: {  	v25 =	vadd.f32 v35, v25;
	v34 =	vld [tilespmem:s19+$0x50];
	v28 =	vadd.f32 v29, v28;
	v19 =	vmul.f32 v42, v19  }
0x6d: {  	v29 =	vadd.f32 v31, v30;
	v24 =	vadd.f32 v24, v27;
	v16 =	vmul.f32 v44, v16;
	v27 =	vld [tilespmem:s19+$0xD0]  }
0x6e: {  	v25 =	vadd.f32 v32, v25;
	v30 =	vld [tilespmem:s19+$0x60];
	v19 =	vadd.f32 v19, v28;
	v14 =	vmul.f32 v39, v14  }
0x6f: {  	v20 =	vadd.f32 v20, v29;
	v16 =	vadd.f32 v16, v24;
	v13 =	vmul.f32 v40, v13;
	v24 =	vld [tilespmem:s19+$0xE0]  }
0x70: {  	v25 =	vadd.f32 v26, v25;
	v26 =	vld [tilespmem:s19+$0x70];
	v14 =	vadd.f32 v14, v19;
	v12 =	vmul.f32 v33, v12  }
0x71: {  	s21 =	sadd.s32 $0x200, s21;
	v19 =	vadd.f32 v23, v20;
	v13 =	vadd.f32 v13, v16;
	v11 =	vmul.f32 v34, v11;
	v16 =	vld [tilespmem:s19+$0xF0]  }
0x72: {  	v20 =	vld [tilespmem:s21+$0xF0];
	v18 =	vadd.f32 v18, v25;
	v12 =	vadd.f32 v12, v14;
	v10 =	vmul.f32 v27, v10  }
0x73: {  	v14 =	vld [tilespmem:s21+$0x70];
	v19 =	vadd.f32 v21, v19;
	v11 =	vadd.f32 v11, v13;
	v9 =	vmul.f32 v30, v9  }
0x74: {  	s19 =	sadd.s32 $0x200, s19;
	v21 =	vld [tilespmem:s21+$0xFFFFFFF0];
	v13 =	vadd.f32 v22, v18;
	v10 =	vadd.f32 v10, v12;
	v12 =	vmul.f32 v24, v6  }
0x75: {  	v22 =	vld [tilespmem:s19+$0xFFFFFFF0];
	v18 =	vadd.f32 v17, v19;
	v9 =	vadd.f32 v9, v11;
	v23 =	vmul.f32 v26, v7  }
0x76: {  	v6 =	vld [tilespmem:s21+$0xE0];
	v11 =	vadd.f32 v15, v13;
	v10 =	vadd.f32 v12, v10;
	v12 =	vmul.f32 v16, v5  }
0x77: {  	v15 =	vld [tilespmem:s21+$0xFFFFFF70];
	v13 =	vperm.xlane v18, v0;
	v16 =	vadd.f32 v23, v9;
	v5 =	vmov v20  }
0x78: {  	v17 =	vld [tilespmem:s19+$0xFFFFFF70];
	v19 =	vperm.xlane v11, v0;
	v12 =	vadd.f32 v12, v10;
	v7 =	vmov v14  }
0x79: {  	v9 =	vld [tilespmem:s21+$0x60];
	v13 =	vadd.f32 v18, v13;
	v10 =	vperm.xlane v16, v0  }
0x7a: {  	v51 =	vld [tilespmem:s21+$0xFFFFFFE0];
	v11 =	vadd.f32 v11, v19;
	v14 =	vperm.xlane v12, v0  }
0x7b: {  	v52 =	vld [tilespmem:s19+$0xFFFFFFE0];
	v18 =	vperm.xlane v13, v1;
	v16 =	vadd.f32 v16, v10  }
0x7c: {  	v10 =	vld [tilespmem:s21+$0xD0];
	v19 =	vperm.xlane v11, v1;
	v12 =	vadd.f32 v12, v14  }
0x7d: {  	v53 =	vld [tilespmem:s21+$0xFFFFFF60];
	v13 =	vadd.f32 v13, v18;
	v14 =	vperm.xlane v16, v1  }
0x7e: {  	v54 =	vld [tilespmem:s19+$0xFFFFFF60];
	v19 =	vadd.f32 v11, v19;
	v20 =	vperm.xlane v12, v1  }
0x7f: {  	v11 =	vld [tilespmem:s21+$0x50];
	v23 =	vperm.xlane v13, v2;
	v14 =	vadd.f32 v16, v14  }
0x80: {  	v18 =	vld [tilespmem:s21+$0xFFFFFFD0];
	v16 =	vperm.xlane v19, v2;
	v24 =	vadd.f32 v12, v20  }
0x81: {  	v20 =	vld [tilespmem:s19+$0xFFFFFFD0];
	v26 =	vadd.f32 v13, v23;
	v13 =	vperm.xlane v14, v2  }
0x82: {  	s22 =	sadd.s32 $0x3, s18;
	v27 =	vmov s18;
	v12 =	vld [tilespmem:s21+$0xC0];
	v16 =	vadd.f32 v19, v16;
	v19 =	vperm.xlane v24, v2  }
0x83: {  	s23 =	sadd.s32 $0x2, s18;
	v29 =	vmov s22;
	v23 =	vld [tilespmem:s21+$0xFFFFFF50];
	v28 =	vperm.xlane v26, v3;
	v14 =	vadd.f32 v14, v13  }
0x84: {  	v31 =	vmov s23;
	v25 =	vld [tilespmem:s19+$0xFFFFFF50];
	v30 =	vperm.xlane v16, v3;
	v19 =	vadd.f32 v24, v19  }
0x85: {  	s22 =	sadd.s32 $0x1, s18;
	s18 =	smov.u32 s20;
	vm0 =	veq.s32 v27, v4;
	v13 =	vld [tilespmem:s21+$0x40];
	v24 =	vadd.f32 v26, v28;
	v28 =	vperm.xlane v14, v3  }
0x86: {  	v26 =	vld [tilespmem:s21+$0xFFFFFFC0];
	v16 =	vadd.f32 v16, v30;
	v30 =	vmov s22;
	v32 =	vperm.xlane v19, v3  }
0x87: {  	v27 =	vld [tilespmem:s19+$0xFFFFFFC0];
	v8 =	vsel vm0, v24, v8;
	vm0 =	veq.s32 v30, v4;
	v24 =	vadd.f32 v14, v28  }
0x88: {  	v14 =	vld [tilespmem:s21+$0xB0];
	v8 =	vsel vm0, v16, v8;
	vm0 =	veq.s32 v31, v4;
	v16 =	vadd.f32 v19, v32  }
0x89: {  	v31 =	vld [tilespmem:s21+$0xFFFFFF40];
	v8 =	vsel vm0, v24, v8;
	vm0 =	veq.s32 v29, v4  }
0x8a: {  	v33 =	vld [tilespmem:s19+$0xFFFFFF40];
	v8 =	vsel vm0, v16, v8  }
0x8b: {  	v16 =	vld [tilespmem:s21+$0x30]  }
0x8c: {  	v32 =	vld [tilespmem:s21+$0xFFFFFFB0]  }
0x8d: {  	v34 =	vld [tilespmem:s19+$0xFFFFFFB0]  }
0x8e: {  	v19 =	vld [tilespmem:s21+$0xA0]  }
0x8f: {  	v35 =	vld [tilespmem:s21+$0xFFFFFF30]  }
0x90: {  	v38 =	vld [tilespmem:s19+$0xFFFFFF30]  }
0x91: {  	v24 =	vld [tilespmem:s21+$0x20]  }
0x92: {  	v36 =	vld [tilespmem:s21+$0xFFFFFFA0]  }
0x93: {  	v39 =	vld [tilespmem:s19+$0xFFFFFFA0]  }
0x94: {  	v28 =	vld [tilespmem:s21+$0x80]  }
0x95: {  	v29 =	vld [tilespmem:s19+$0x80]  }
0x96: {  	v30 =	vld [tilespmem:s21+$0x90]  }
0x97: {  	v42 =	vld [tilespmem:s21+$0xFFFFFF20]  }
0x98: {  	v44 =	vld [tilespmem:s19+$0xFFFFFF20]  }
0x99: {  	v37 =	vld [tilespmem:s21+$0x0]  }
0x9a: {  	v40 =	vld [tilespmem:s19+$0x0]  }
0x9b: {  	v41 =	vld [tilespmem:s21+$0x10]  }
0x9c: {  	v43 =	vld [tilespmem:s21+$0xFFFFFF80]  }
0x9d: {  	v45 =	vld [tilespmem:s19+$0xFFFFFF80]  }
.Ltmp0:
0x9e: {  	v46 =	vld [tilespmem:s21+$0xFFFFFF90];
	(pc) =	sbr.rel @p0 .LBB2_3-.Ltmp0, $4  }
0x9f: {  	v47 =	vld [tilespmem:s21+$0xFFFFFF00]  }
0xa0: {  	v48 =	vld [tilespmem:s19+$0xFFFFFF00]  }
0xa1: {  	v17 =	vmul.f32 v17, v15;
	v15 =	vmul.f32 v22, v21;
	v49 =	vld [tilespmem:s21+$0xFFFFFF10]  }
0xa2: {  	s20 =	sadd.s32 $0x4, s20;
	v22 =	vmul.f32 v52, v51;
	v21 =	vmul.f32 v54, v53;
	v50 =	vld [tilespmem:s19+$0xFFFFFF10]  }
0xa3: {  	v23 =	vmul.f32 v25, v23;
	v61 =	vld [tilespmem:s19+$0xFFFFFF90];
	v18 =	vmul.f32 v20, v18  }
0xa4: {  	v20 =	vmul.f32 v33, v31;
	v26 =	vmul.f32 v27, v26;
	v62 =	vld [tilespmem:s19+$0x10]  }
0xa5: {  	v31 =	vmul.f32 v38, v35;
	v32 =	vmul.f32 v34, v32;
	v63 =	vld [tilespmem:s19+$0x90]  }
0xa6: {  	v51 =	vmul.f32 v44, v42;
	v52 =	vmul.f32 v39, v36;
	v53 =	vld [tilespmem:s19+$0x20]  }
0xa7: {  	v56 =	vld [tilespmem:s19+$0xA0];
	v54 =	vmul.f32 v48, v47;
	v55 =	vmul.f32 v50, v49  }
0xa8: {  	v43 =	vmul.f32 v45, v43;
	v57 =	vld [tilespmem:s19+$0x30];
	v25 =	vmul.f32 v61, v46  }
0xa9: {  	v37 =	vmul.f32 v40, v37;
	v58 =	vld [tilespmem:s19+$0xB0];
	v27 =	vmul.f32 v62, v41;
	v38 =	vadd.f32 v55, v54  }
0xaa: {  	v59 =	vld [tilespmem:s19+$0x40];
	v28 =	vmul.f32 v29, v28;
	v60 =	vmul.f32 v63, v30;
	v25 =	vadd.f32 v25, v43  }
0xab: {  	v24 =	vmul.f32 v53, v24;
	v62 =	vld [tilespmem:s19+$0xC0];
	v27 =	vadd.f32 v27, v37;
	v61 =	vadd.f32 v51, v38  }
0xac: {  	v63 =	vld [tilespmem:s19+$0x50];
	v19 =	vmul.f32 v56, v19;
	v28 =	vadd.f32 v60, v28;
	v25 =	vadd.f32 v52, v25  }
0xad: {  	v36 =	vld [tilespmem:s19+$0xD0];
	v16 =	vmul.f32 v57, v16;
	v24 =	vadd.f32 v24, v27;
	v35 =	vadd.f32 v31, v61  }
0xae: {  	v14 =	vmul.f32 v58, v14;
	v37 =	vld [tilespmem:s19+$0x60];
	v19 =	vadd.f32 v19, v28;
	v25 =	vadd.f32 v32, v25  }
0xaf: {  	v13 =	vmul.f32 v59, v13;
	v38 =	vld [tilespmem:s19+$0xE0];
	v16 =	vadd.f32 v16, v24;
	v20 =	vadd.f32 v20, v35  }
0xb0: {  	v39 =	vld [tilespmem:s19+$0x70];
	v12 =	vmul.f32 v62, v12;
	v14 =	vadd.f32 v14, v19;
	v25 =	vadd.f32 v26, v25  }
0xb1: {  	v41 =	vld [tilespmem:s19+$0xF0];
	v11 =	vmul.f32 v63, v11;
	v13 =	vadd.f32 v13, v16;
	v40 =	vadd.f32 v23, v20  }
0xb2: {  	v10 =	vmul.f32 v36, v10;
	v12 =	vadd.f32 v12, v14;
	v18 =	vadd.f32 v18, v25  }
0xb3: {  	v9 =	vmul.f32 v37, v9;
	v11 =	vadd.f32 v11, v13;
	v42 =	vadd.f32 v21, v40  }
0xb4: {  	v6 =	vmul.f32 v38, v6;
	v10 =	vadd.f32 v10, v12;
	v43 =	vadd.f32 v22, v18  }
0xb5: {  	v7 =	vmul.f32 v39, v7;
	v9 =	vadd.f32 v9, v11;
	v44 =	vadd.f32 v17, v42  }
0xb6: {  	v5 =	vmul.f32 v41, v5;
	v6 =	vadd.f32 v6, v10;
	v45 =	vadd.f32 v15, v43  }
0xb7: {  	v7 =	vadd.f32 v7, v9;
	v46 =	vperm.xlane v44, v0  }
0xb8: {  	v5 =	vadd.f32 v5, v6;
	v47 =	vperm.xlane v45, v0  }
0xb9: {  	v48 =	vperm.xlane v7, v0;
	v6 =	vadd.f32 v44, v46  }
0xba: {  	v49 =	vperm.xlane v5, v0;
	v9 =	vadd.f32 v45, v47  }
0xbb: {  	v7 =	vadd.f32 v7, v48;
	v12 =	vperm.xlane v6, v1  }
0xbc: {  	v5 =	vadd.f32 v5, v49;
	v50 =	vperm.xlane v9, v1  }
0xbd: {  	v51 =	vperm.xlane v7, v1;
	v6 =	vadd.f32 v6, v12  }
0xbe: {  	v52 =	vperm.xlane v5, v1;
	v9 =	vadd.f32 v9, v50  }
0xbf: {  	v7 =	vadd.f32 v7, v51;
	v12 =	vperm.xlane v6, v2  }
0xc0: {  	v5 =	vadd.f32 v5, v52;
	v53 =	vperm.xlane v9, v2  }
0xc1: {  	s21 =	sadd.s32 $0x3, s18;
	v54 =	vperm.xlane v7, v2;
	v6 =	vadd.f32 v6, v12  }
0xc2: {  	v58 =	vmov s21;
	v56 =	vperm.xlane v5, v2;
	v9 =	vadd.f32 v9, v53  }
0xc3: {  	s20 =	sadd.s32 $0x2, s18;
	v55 =	vmov s18;
	v7 =	vadd.f32 v7, v54;
	v57 =	vperm.xlane v6, v3  }
0xc4: {  	v60 =	vmov s20;
	v5 =	vadd.f32 v5, v56;
	v59 =	vperm.xlane v9, v3  }
0xc5: {  	s22 =	sadd.s32 $0x1, s18;
	s23 =	sshll.u32 s4, $0x4;
	s4 =	sadd.s32 $0x1, s4;
	vm0 =	veq.s32 v55, v4;
	v61 =	vperm.xlane v7, v3;
	v6 =	vadd.f32 v6, v57  }
0xc6: {  	p0 =	sne.s32 s4, $0x8;
	v62 =	vmov s22;
	v63 =	vperm.xlane v5, v3;
	v9 =	vadd.f32 v9, v59  }
.Ltmp1:
0xc7: {  	vm13 =	veq.s32 v62, v4;
	v7 =	vadd.f32 v7, v61;
	v6 =	vsel vm0, v6, v8;
	(pc) =	sbr.rel @p0 .LBB2_2-.Ltmp1, $4  }
0xc8: {  	vm14 =	veq.s32 v60, v4;
	v5 =	vadd.f32 v5, v63;
	v6 =	vsel vm13, v9, v6  }
0xc9: {  	vm15 =	veq.s32 v58, v4;
	v6 =	vsel vm14, v7, v6  }
0xca: {  	s18 =	sand.u32 $0x3FFFFFF0, s23;
	v5 =	vsel vm15, v5, v6  }
0xcb: {  	s31 =	sadd.s32 $0x800, s31;
	s0 =	sadd.s32 $0x800, s0;
	[tilespmem:s18+$0x18400] =	vst v5  }
0xcc: {  	_ =	swait.ge [sflag:s17], $0x4000  }
0xcd: {  	[sflag:s17] =	ssyncset.done $0x0  }
0xce: {  	[sflag:s17] =	ssyncadd.s32 $0xFFFFC000  }
0xcf: {  	_ =	swait.ge [sflag:s17], $0x4000  }
0xd0: {  	[sflag:s17] =	ssyncset.done $0x0  }
0xd1: {  	[sflag:s17] =	ssyncadd.s32 $0xFFFFC000  }
0xd2: {  	[tilespmem:s14], [sflag:$0x1] =	stream.indirect.gather [hbm4b:s1+s13], $0x80, s24, s13, $0xb8;
	[tilespmem:$0x18600] =	vst v63  }
0xd3: {  	s31 =	simm.s32 $0x0;
	s19 =	simm.s32 $0xC500;
	s21 =	simm.s32 $0x8500  }
0xd4: {  	[tilespmem:s15], [sflag:$0x1] =	stream.indirect.gather [hbm4b:s2+s13], $0x80, s25, s13, $0xb8;
	[tilespmem:$0x18600] =	vst v63  }
.LBB2_6:
0xd5: {  	v5 =	vld [tilespmem:s21+$0xF0]  }
0xd6: {  	v7 =	vld [tilespmem:s21+$0x70]  }
0xd7: {  	v8 =	vld [tilespmem:s21+$0xFFFFFFF0]  }
0xd8: {  	v15 =	vld [tilespmem:s19+$0xFFFFFFF0]  }
0xd9: {  	v6 =	vld [tilespmem:s21+$0xE0]  }
0xda: {  	v17 =	vld [tilespmem:s21+$0xFFFFFF70]  }
0xdb: {  	v21 =	vld [tilespmem:s19+$0xFFFFFF70]  }
0xdc: {  	v9 =	vld [tilespmem:s21+$0x60]  }
0xdd: {  	v22 =	vld [tilespmem:s21+$0xFFFFFFE0]  }
0xde: {  	v51 =	vld [tilespmem:s19+$0xFFFFFFE0]  }
0xdf: {  	v10 =	vld [tilespmem:s21+$0xD0]  }
0xe0: {  	v52 =	vld [tilespmem:s21+$0xFFFFFF60]  }
0xe1: {  	v53 =	vld [tilespmem:s19+$0xFFFFFF60]  }
0xe2: {  	v11 =	vld [tilespmem:s21+$0x50]  }
0xe3: {  	v18 =	vld [tilespmem:s21+$0xFFFFFFD0]  }
0xe4: {  	v20 =	vld [tilespmem:s19+$0xFFFFFFD0]  }
0xe5: {  	v12 =	vld [tilespmem:s21+$0xC0]  }
0xe6: {  	v23 =	vld [tilespmem:s21+$0xFFFFFF50]  }
0xe7: {  	v25 =	vld [tilespmem:s19+$0xFFFFFF50]  }
0xe8: {  	v13 =	vld [tilespmem:s21+$0x40]  }
0xe9: {  	v26 =	vld [tilespmem:s21+$0xFFFFFFC0]  }
0xea: {  	v27 =	vld [tilespmem:s19+$0xFFFFFFC0]  }
0xeb: {  	v14 =	vld [tilespmem:s21+$0xB0]  }
0xec: {  	v31 =	vld [tilespmem:s21+$0xFFFFFF40]  }
0xed: {  	v33 =	vld [tilespmem:s19+$0xFFFFFF40]  }
0xee: {  	v16 =	vld [tilespmem:s21+$0x30]  }
0xef: {  	v32 =	vld [tilespmem:s21+$0xFFFFFFB0]  }
0xf0: {  	v34 =	vld [tilespmem:s19+$0xFFFFFFB0]  }
0xf1: {  	v19 =	vld [tilespmem:s21+$0xA0]  }
0xf2: {  	v35 =	vld [tilespmem:s21+$0xFFFFFF30]  }
0xf3: {  	v38 =	vld [tilespmem:s19+$0xFFFFFF30]  }
0xf4: {  	v24 =	vld [tilespmem:s21+$0x20]  }
0xf5: {  	v36 =	vld [tilespmem:s21+$0xFFFFFFA0]  }
0xf6: {  	v39 =	vld [tilespmem:s19+$0xFFFFFFA0]  }
0xf7: {  	v28 =	vld [tilespmem:s21+$0x80]  }
0xf8: {  	v29 =	vld [tilespmem:s19+$0x80]  }
0xf9: {  	v30 =	vld [tilespmem:s21+$0x90]  }
0xfa: {  	v42 =	vld [tilespmem:s21+$0xFFFFFF20]  }
0xfb: {  	v44 =	vld [tilespmem:s19+$0xFFFFFF20]  }
0xfc: {  	v37 =	vld [tilespmem:s21+$0x0]  }
0xfd: {  	v40 =	vld [tilespmem:s19+$0x0]  }
0xfe: {  	v41 =	vld [tilespmem:s21+$0x10]  }
0xff: {  	v43 =	vld [tilespmem:s21+$0xFFFFFF80]  }
0x100: {  	v45 =	vld [tilespmem:s19+$0xFFFFFF80]  }
0x101: {  	v46 =	vld [tilespmem:s21+$0xFFFFFF90]  }
0x102: {  	v47 =	vld [tilespmem:s21+$0xFFFFFF00]  }
0x103: {  	v48 =	vld [tilespmem:s19+$0xFFFFFF00]  }
0x104: {  	v49 =	vld [tilespmem:s21+$0xFFFFFF10];
	s20 =	simm.s32 $0x4;
	v17 =	vmul.f32 v21, v17;
	v15 =	vmul.f32 v15, v8  }
0x105: {  	v50 =	vld [tilespmem:s19+$0xFFFFFF10];
	s0 =	smov.u32 s19;
	s4 =	smov.u32 s21;
	s18 =	simm.s32 $0x0;
	v8 =	vimm.f32 $0.0e+00;
	v21 =	vmul.f32 v53, v52;
	v22 =	vmul.f32 v51, v22  }
.LBB2_7:
0x106: {  	p0 =	slt.u32 s20, $0xC;
	v23 =	vmul.f32 v25, v23;
	v25 =	vld [tilespmem:s0+$0xFFFFFF90];
	v18 =	vmul.f32 v20, v18  }
0x107: {  	v20 =	vmul.f32 v33, v31;
	v26 =	vmul.f32 v27, v26;
	v27 =	vld [tilespmem:s0+$0x10]  }
0x108: {  	v31 =	vmul.f32 v38, v35;
	v32 =	vmul.f32 v34, v32;
	v33 =	vld [tilespmem:s0+$0x90]  }
0x109: {  	v34 =	vmul.f32 v44, v42;
	v35 =	vmul.f32 v39, v36;
	v36 =	vld [tilespmem:s0+$0x20]  }
0x10a: {  	v38 =	vmul.f32 v48, v47;
	v39 =	vmul.f32 v50, v49;
	v42 =	vld [tilespmem:s0+$0xA0]  }
0x10b: {  	v43 =	vmul.f32 v45, v43;
	v25 =	vmul.f32 v25, v46;
	v44 =	vld [tilespmem:s0+$0x30]  }
0x10c: {  	v37 =	vmul.f32 v40, v37;
	v38 =	vadd.f32 v39, v38;
	v27 =	vmul.f32 v27, v41;
	v39 =	vld [tilespmem:s0+$0xB0]  }
0x10d: {  	v28 =	vmul.f32 v29, v28;
	v25 =	vadd.f32 v25, v43;
	v40 =	vld [tilespmem:s0+$0x40];
	v29 =	vmul.f32 v33, v30  }
0x10e: {  	v30 =	vadd.f32 v34, v38;
	v27 =	vadd.f32 v27, v37;
	v24 =	vmul.f32 v36, v24;
	v33 =	vld [tilespmem:s0+$0xC0]  }
0x10f: {  	v25 =	vadd.f32 v35, v25;
	v34 =	vld [tilespmem:s0+$0x50];
	v28 =	vadd.f32 v29, v28;
	v19 =	vmul.f32 v42, v19  }
0x110: {  	v29 =	vadd.f32 v31, v30;
	v24 =	vadd.f32 v24, v27;
	v16 =	vmul.f32 v44, v16;
	v27 =	vld [tilespmem:s0+$0xD0]  }
0x111: {  	v25 =	vadd.f32 v32, v25;
	v30 =	vld [tilespmem:s0+$0x60];
	v19 =	vadd.f32 v19, v28;
	v14 =	vmul.f32 v39, v14  }
0x112: {  	v20 =	vadd.f32 v20, v29;
	v16 =	vadd.f32 v16, v24;
	v13 =	vmul.f32 v40, v13;
	v24 =	vld [tilespmem:s0+$0xE0]  }
0x113: {  	v25 =	vadd.f32 v26, v25;
	v26 =	vld [tilespmem:s0+$0x70];
	v14 =	vadd.f32 v14, v19;
	v12 =	vmul.f32 v33, v12  }
0x114: {  	s4 =	sadd.s32 $0x200, s4;
	v19 =	vadd.f32 v23, v20;
	v13 =	vadd.f32 v13, v16;
	v11 =	vmul.f32 v34, v11;
	v16 =	vld [tilespmem:s0+$0xF0]  }
0x115: {  	v20 =	vld [tilespmem:s4+$0xF0];
	v18 =	vadd.f32 v18, v25;
	v12 =	vadd.f32 v12, v14;
	v10 =	vmul.f32 v27, v10  }
0x116: {  	v14 =	vld [tilespmem:s4+$0x70];
	v19 =	vadd.f32 v21, v19;
	v11 =	vadd.f32 v11, v13;
	v9 =	vmul.f32 v30, v9  }
0x117: {  	s0 =	sadd.s32 $0x200, s0;
	v21 =	vld [tilespmem:s4+$0xFFFFFFF0];
	v13 =	vadd.f32 v22, v18;
	v10 =	vadd.f32 v10, v12;
	v12 =	vmul.f32 v24, v6  }
0x118: {  	v22 =	vld [tilespmem:s0+$0xFFFFFFF0];
	v18 =	vadd.f32 v17, v19;
	v9 =	vadd.f32 v9, v11;
	v23 =	vmul.f32 v26, v7  }
0x119: {  	v6 =	vld [tilespmem:s4+$0xE0];
	v11 =	vadd.f32 v15, v13;
	v10 =	vadd.f32 v12, v10;
	v12 =	vmul.f32 v16, v5  }
0x11a: {  	v15 =	vld [tilespmem:s4+$0xFFFFFF70];
	v13 =	vperm.xlane v18, v0;
	v16 =	vadd.f32 v23, v9;
	v5 =	vmov v20  }
0x11b: {  	v17 =	vld [tilespmem:s0+$0xFFFFFF70];
	v19 =	vperm.xlane v11, v0;
	v12 =	vadd.f32 v12, v10;
	v7 =	vmov v14  }
0x11c: {  	v9 =	vld [tilespmem:s4+$0x60];
	v13 =	vadd.f32 v18, v13;
	v10 =	vperm.xlane v16, v0  }
0x11d: {  	v51 =	vld [tilespmem:s4+$0xFFFFFFE0];
	v11 =	vadd.f32 v11, v19;
	v14 =	vperm.xlane v12, v0  }
0x11e: {  	v52 =	vld [tilespmem:s0+$0xFFFFFFE0];
	v18 =	vperm.xlane v13, v1;
	v16 =	vadd.f32 v16, v10  }
0x11f: {  	v10 =	vld [tilespmem:s4+$0xD0];
	v19 =	vperm.xlane v11, v1;
	v12 =	vadd.f32 v12, v14  }
0x120: {  	v53 =	vld [tilespmem:s4+$0xFFFFFF60];
	v13 =	vadd.f32 v13, v18;
	v14 =	vperm.xlane v16, v1  }
0x121: {  	v54 =	vld [tilespmem:s0+$0xFFFFFF60];
	v19 =	vadd.f32 v11, v19;
	v20 =	vperm.xlane v12, v1  }
0x122: {  	v11 =	vld [tilespmem:s4+$0x50];
	v23 =	vperm.xlane v13, v2;
	v14 =	vadd.f32 v16, v14  }
0x123: {  	v18 =	vld [tilespmem:s4+$0xFFFFFFD0];
	v16 =	vperm.xlane v19, v2;
	v24 =	vadd.f32 v12, v20  }
0x124: {  	v20 =	vld [tilespmem:s0+$0xFFFFFFD0];
	v26 =	vadd.f32 v13, v23;
	v13 =	vperm.xlane v14, v2  }
0x125: {  	s22 =	sadd.s32 $0x3, s18;
	v27 =	vmov s18;
	v12 =	vld [tilespmem:s4+$0xC0];
	v16 =	vadd.f32 v19, v16;
	v19 =	vperm.xlane v24, v2  }
0x126: {  	s23 =	sadd.s32 $0x2, s18;
	v29 =	vmov s22;
	v23 =	vld [tilespmem:s4+$0xFFFFFF50];
	v28 =	vperm.xlane v26, v3;
	v14 =	vadd.f32 v14, v13  }
0x127: {  	v31 =	vmov s23;
	v25 =	vld [tilespmem:s0+$0xFFFFFF50];
	v30 =	vperm.xlane v16, v3;
	v19 =	vadd.f32 v24, v19  }
0x128: {  	s22 =	sadd.s32 $0x1, s18;
	s18 =	smov.u32 s20;
	vm0 =	veq.s32 v27, v4;
	v13 =	vld [tilespmem:s4+$0x40];
	v24 =	vadd.f32 v26, v28;
	v28 =	vperm.xlane v14, v3  }
0x129: {  	v26 =	vld [tilespmem:s4+$0xFFFFFFC0];
	v16 =	vadd.f32 v16, v30;
	v30 =	vmov s22;
	v32 =	vperm.xlane v19, v3  }
0x12a: {  	v27 =	vld [tilespmem:s0+$0xFFFFFFC0];
	v8 =	vsel vm0, v24, v8;
	vm0 =	veq.s32 v30, v4;
	v24 =	vadd.f32 v14, v28  }
0x12b: {  	v14 =	vld [tilespmem:s4+$0xB0];
	v8 =	vsel vm0, v16, v8;
	vm0 =	veq.s32 v31, v4;
	v16 =	vadd.f32 v19, v32  }
0x12c: {  	v31 =	vld [tilespmem:s4+$0xFFFFFF40];
	v8 =	vsel vm0, v24, v8;
	vm0 =	veq.s32 v29, v4  }
0x12d: {  	v33 =	vld [tilespmem:s0+$0xFFFFFF40];
	v8 =	vsel vm0, v16, v8  }
0x12e: {  	v16 =	vld [tilespmem:s4+$0x30]  }
0x12f: {  	v32 =	vld [tilespmem:s4+$0xFFFFFFB0]  }
0x130: {  	v34 =	vld [tilespmem:s0+$0xFFFFFFB0]  }
0x131: {  	v19 =	vld [tilespmem:s4+$0xA0]  }
0x132: {  	v35 =	vld [tilespmem:s4+$0xFFFFFF30]  }
0x133: {  	v38 =	vld [tilespmem:s0+$0xFFFFFF30]  }
0x134: {  	v24 =	vld [tilespmem:s4+$0x20]  }
0x135: {  	v36 =	vld [tilespmem:s4+$0xFFFFFFA0]  }
0x136: {  	v39 =	vld [tilespmem:s0+$0xFFFFFFA0]  }
0x137: {  	v28 =	vld [tilespmem:s4+$0x80]  }
0x138: {  	v29 =	vld [tilespmem:s0+$0x80]  }
0x139: {  	v30 =	vld [tilespmem:s4+$0x90]  }
0x13a: {  	v42 =	vld [tilespmem:s4+$0xFFFFFF20]  }
0x13b: {  	v44 =	vld [tilespmem:s0+$0xFFFFFF20]  }
0x13c: {  	v37 =	vld [tilespmem:s4+$0x0]  }
0x13d: {  	v40 =	vld [tilespmem:s0+$0x0]  }
0x13e: {  	v41 =	vld [tilespmem:s4+$0x10]  }
0x13f: {  	v43 =	vld [tilespmem:s4+$0xFFFFFF80]  }
0x140: {  	v45 =	vld [tilespmem:s0+$0xFFFFFF80]  }
.Ltmp2:
0x141: {  	v46 =	vld [tilespmem:s4+$0xFFFFFF90];
	(pc) =	sbr.rel @p0 .LBB2_7-.Ltmp2, $4  }
0x142: {  	v47 =	vld [tilespmem:s4+$0xFFFFFF00]  }
0x143: {  	v48 =	vld [tilespmem:s0+$0xFFFFFF00]  }
0x144: {  	v17 =	vmul.f32 v17, v15;
	v15 =	vmul.f32 v22, v21;
	v49 =	vld [tilespmem:s4+$0xFFFFFF10]  }
0x145: {  	s20 =	sadd.s32 $0x4, s20;
	v22 =	vmul.f32 v52, v51;
	v21 =	vmul.f32 v54, v53;
	v50 =	vld [tilespmem:s0+$0xFFFFFF10]  }
0x146: {  	v23 =	vmul.f32 v25, v23;
	v61 =	vld [tilespmem:s0+$0xFFFFFF90];
	v18 =	vmul.f32 v20, v18  }
0x147: {  	v20 =	vmul.f32 v33, v31;
	v26 =	vmul.f32 v27, v26;
	v62 =	vld [tilespmem:s0+$0x10]  }
0x148: {  	v31 =	vmul.f32 v38, v35;
	v32 =	vmul.f32 v34, v32;
	v63 =	vld [tilespmem:s0+$0x90]  }
0x149: {  	v51 =	vmul.f32 v44, v42;
	v52 =	vmul.f32 v39, v36;
	v53 =	vld [tilespmem:s0+$0x20]  }
0x14a: {  	v56 =	vld [tilespmem:s0+$0xA0];
	v54 =	vmul.f32 v48, v47;
	v55 =	vmul.f32 v50, v49  }
0x14b: {  	v43 =	vmul.f32 v45, v43;
	v57 =	vld [tilespmem:s0+$0x30];
	v25 =	vmul.f32 v61, v46  }
0x14c: {  	v37 =	vmul.f32 v40, v37;
	v58 =	vld [tilespmem:s0+$0xB0];
	v27 =	vmul.f32 v62, v41;
	v38 =	vadd.f32 v55, v54  }
0x14d: {  	v59 =	vld [tilespmem:s0+$0x40];
	v28 =	vmul.f32 v29, v28;
	v60 =	vmul.f32 v63, v30;
	v25 =	vadd.f32 v25, v43  }
0x14e: {  	v24 =	vmul.f32 v53, v24;
	v62 =	vld [tilespmem:s0+$0xC0];
	v27 =	vadd.f32 v27, v37;
	v61 =	vadd.f32 v51, v38  }
0x14f: {  	v63 =	vld [tilespmem:s0+$0x50];
	v19 =	vmul.f32 v56, v19;
	v28 =	vadd.f32 v60, v28;
	v25 =	vadd.f32 v52, v25  }
0x150: {  	v36 =	vld [tilespmem:s0+$0xD0];
	v16 =	vmul.f32 v57, v16;
	v24 =	vadd.f32 v24, v27;
	v35 =	vadd.f32 v31, v61  }
0x151: {  	v14 =	vmul.f32 v58, v14;
	v37 =	vld [tilespmem:s0+$0x60];
	v19 =	vadd.f32 v19, v28;
	v25 =	vadd.f32 v32, v25  }
0x152: {  	v13 =	vmul.f32 v59, v13;
	v38 =	vld [tilespmem:s0+$0xE0];
	v16 =	vadd.f32 v16, v24;
	v20 =	vadd.f32 v20, v35  }
0x153: {  	v39 =	vld [tilespmem:s0+$0x70];
	v12 =	vmul.f32 v62, v12;
	v14 =	vadd.f32 v14, v19;
	v25 =	vadd.f32 v26, v25  }
0x154: {  	v41 =	vld [tilespmem:s0+$0xF0];
	v11 =	vmul.f32 v63, v11;
	v13 =	vadd.f32 v13, v16;
	v40 =	vadd.f32 v23, v20  }
0x155: {  	v10 =	vmul.f32 v36, v10;
	v12 =	vadd.f32 v12, v14;
	v18 =	vadd.f32 v18, v25  }
0x156: {  	v9 =	vmul.f32 v37, v9;
	v11 =	vadd.f32 v11, v13;
	v42 =	vadd.f32 v21, v40  }
0x157: {  	v6 =	vmul.f32 v38, v6;
	v10 =	vadd.f32 v10, v12;
	v43 =	vadd.f32 v22, v18  }
0x158: {  	v7 =	vmul.f32 v39, v7;
	v9 =	vadd.f32 v9, v11;
	v44 =	vadd.f32 v17, v42  }
0x159: {  	v5 =	vmul.f32 v41, v5;
	v6 =	vadd.f32 v6, v10;
	v45 =	vadd.f32 v15, v43  }
0x15a: {  	v7 =	vadd.f32 v7, v9;
	v46 =	vperm.xlane v44, v0  }
0x15b: {  	v5 =	vadd.f32 v5, v6;
	v47 =	vperm.xlane v45, v0  }
0x15c: {  	v48 =	vperm.xlane v7, v0;
	v6 =	vadd.f32 v44, v46  }
0x15d: {  	v49 =	vperm.xlane v5, v0;
	v9 =	vadd.f32 v45, v47  }
0x15e: {  	v7 =	vadd.f32 v7, v48;
	v12 =	vperm.xlane v6, v1  }
0x15f: {  	v5 =	vadd.f32 v5, v49;
	v50 =	vperm.xlane v9, v1  }
0x160: {  	v51 =	vperm.xlane v7, v1;
	v6 =	vadd.f32 v6, v12  }
0x161: {  	v52 =	vperm.xlane v5, v1;
	v9 =	vadd.f32 v9, v50  }
0x162: {  	v7 =	vadd.f32 v7, v51;
	v12 =	vperm.xlane v6, v2  }
0x163: {  	v5 =	vadd.f32 v5, v52;
	v53 =	vperm.xlane v9, v2  }
0x164: {  	s20 =	sadd.s32 $0x3, s18;
	v54 =	vperm.xlane v7, v2;
	v6 =	vadd.f32 v6, v12  }
0x165: {  	v58 =	vmov s20;
	v56 =	vperm.xlane v5, v2;
	v9 =	vadd.f32 v9, v53  }
0x166: {  	s4 =	sadd.s32 $0x2, s18;
	v55 =	vmov s18;
	v7 =	vadd.f32 v7, v54;
	v57 =	vperm.xlane v6, v3  }
0x167: {  	v60 =	vmov s4;
	v5 =	vadd.f32 v5, v56;
	v59 =	vperm.xlane v9, v3  }
0x168: {  	s22 =	sadd.s32 $0x1, s18;
	s23 =	sshll.u32 s31, $0x4;
	s31 =	sadd.s32 $0x1, s31;
	vm0 =	veq.s32 v55, v4;
	v61 =	vperm.xlane v7, v3;
	v6 =	vadd.f32 v6, v57  }
0x169: {  	p0 =	sne.s32 s31, $0x8;
	v62 =	vmov s22;
	v63 =	vperm.xlane v5, v3;
	v9 =	vadd.f32 v9, v59  }
.Ltmp3:
0x16a: {  	vm13 =	veq.s32 v62, v4;
	v7 =	vadd.f32 v7, v61;
	v6 =	vsel vm0, v6, v8;
	(pc) =	sbr.rel @p0 .LBB2_6-.Ltmp3, $4  }
0x16b: {  	vm14 =	veq.s32 v60, v4;
	v5 =	vadd.f32 v5, v63;
	v6 =	vsel vm13, v9, v6  }
0x16c: {  	vm15 =	veq.s32 v58, v4;
	v6 =	vsel vm14, v7, v6  }
0x16d: {  	s0 =	sand.u32 $0x3FFFFFF0, s23;
	v5 =	vsel vm15, v5, v6  }
0x16e: {  	s19 =	sadd.s32 $0x800, s19;
	s21 =	sadd.s32 $0x800, s21;
	[tilespmem:s0+$0x18480] =	vst v5  }
0x16f: {  	_ =	swait.ge [sflag:s26], $0x4000  }
0x170: {  	[sflag:s26] =	ssyncset.done $0x0  }
0x171: {  	[sflag:s26] =	ssyncadd.s32 $0xFFFFC000  }
0x172: {  	_ =	swait.ge [sflag:s26], $0x4000  }
0x173: {  	s31 =	simm.s32 $0x0;
	[sflag:s26] =	ssyncset.done $0x0  }
0x174: {  	s0 =	simm.s32 $0x14500;
	s4 =	simm.s32 $0x10500;
	[sflag:s26] =	ssyncadd.s32 $0xFFFFC000  }
.LBB2_10:
0x175: {  	v5 =	vld [tilespmem:s4+$0xF0]  }
0x176: {  	v7 =	vld [tilespmem:s4+$0x70]  }
0x177: {  	v8 =	vld [tilespmem:s4+$0xFFFFFFF0]  }
0x178: {  	v15 =	vld [tilespmem:s0+$0xFFFFFFF0]  }
0x179: {  	v6 =	vld [tilespmem:s4+$0xE0]  }
0x17a: {  	v17 =	vld [tilespmem:s4+$0xFFFFFF70]  }
0x17b: {  	v21 =	vld [tilespmem:s0+$0xFFFFFF70]  }
0x17c: {  	v9 =	vld [tilespmem:s4+$0x60]  }
0x17d: {  	v22 =	vld [tilespmem:s4+$0xFFFFFFE0]  }
0x17e: {  	v51 =	vld [tilespmem:s0+$0xFFFFFFE0]  }
0x17f: {  	v10 =	vld [tilespmem:s4+$0xD0]  }
0x180: {  	v52 =	vld [tilespmem:s4+$0xFFFFFF60]  }
0x181: {  	v53 =	vld [tilespmem:s0+$0xFFFFFF60]  }
0x182: {  	v11 =	vld [tilespmem:s4+$0x50]  }
0x183: {  	v18 =	vld [tilespmem:s4+$0xFFFFFFD0]  }
0x184: {  	v20 =	vld [tilespmem:s0+$0xFFFFFFD0]  }
0x185: {  	v12 =	vld [tilespmem:s4+$0xC0]  }
0x186: {  	v23 =	vld [tilespmem:s4+$0xFFFFFF50]  }
0x187: {  	v25 =	vld [tilespmem:s0+$0xFFFFFF50]  }
0x188: {  	v13 =	vld [tilespmem:s4+$0x40]  }
0x189: {  	v26 =	vld [tilespmem:s4+$0xFFFFFFC0]  }
0x18a: {  	v27 =	vld [tilespmem:s0+$0xFFFFFFC0]  }
0x18b: {  	v14 =	vld [tilespmem:s4+$0xB0]  }
0x18c: {  	v31 =	vld [tilespmem:s4+$0xFFFFFF40]  }
0x18d: {  	v33 =	vld [tilespmem:s0+$0xFFFFFF40]  }
0x18e: {  	v16 =	vld [tilespmem:s4+$0x30]  }
0x18f: {  	v32 =	vld [tilespmem:s4+$0xFFFFFFB0]  }
0x190: {  	v34 =	vld [tilespmem:s0+$0xFFFFFFB0]  }
0x191: {  	v19 =	vld [tilespmem:s4+$0xA0]  }
0x192: {  	v35 =	vld [tilespmem:s4+$0xFFFFFF30]  }
0x193: {  	v38 =	vld [tilespmem:s0+$0xFFFFFF30]  }
0x194: {  	v24 =	vld [tilespmem:s4+$0x20]  }
0x195: {  	v36 =	vld [tilespmem:s4+$0xFFFFFFA0]  }
0x196: {  	v39 =	vld [tilespmem:s0+$0xFFFFFFA0]  }
0x197: {  	v28 =	vld [tilespmem:s4+$0x80]  }
0x198: {  	v29 =	vld [tilespmem:s0+$0x80]  }
0x199: {  	v30 =	vld [tilespmem:s4+$0x90]  }
0x19a: {  	v42 =	vld [tilespmem:s4+$0xFFFFFF20]  }
0x19b: {  	v44 =	vld [tilespmem:s0+$0xFFFFFF20]  }
0x19c: {  	v37 =	vld [tilespmem:s4+$0x0]  }
0x19d: {  	v40 =	vld [tilespmem:s0+$0x0]  }
0x19e: {  	v41 =	vld [tilespmem:s4+$0x10]  }
0x19f: {  	v43 =	vld [tilespmem:s4+$0xFFFFFF80]  }
0x1a0: {  	v45 =	vld [tilespmem:s0+$0xFFFFFF80]  }
0x1a1: {  	v46 =	vld [tilespmem:s4+$0xFFFFFF90]  }
0x1a2: {  	v47 =	vld [tilespmem:s4+$0xFFFFFF00]  }
0x1a3: {  	v48 =	vld [tilespmem:s0+$0xFFFFFF00]  }
0x1a4: {  	v49 =	vld [tilespmem:s4+$0xFFFFFF10];
	s20 =	simm.s32 $0x4;
	v17 =	vmul.f32 v21, v17;
	v15 =	vmul.f32 v15, v8  }
0x1a5: {  	v50 =	vld [tilespmem:s0+$0xFFFFFF10];
	s19 =	smov.u32 s0;
	s21 =	smov.u32 s4;
	s18 =	simm.s32 $0x0;
	v8 =	vimm.f32 $0.0e+00;
	v21 =	vmul.f32 v53, v52;
	v22 =	vmul.f32 v51, v22  }
.LBB2_11:
0x1a6: {  	p0 =	slt.u32 s20, $0xC;
	v23 =	vmul.f32 v25, v23;
	v25 =	vld [tilespmem:s19+$0xFFFFFF90];
	v18 =	vmul.f32 v20, v18  }
0x1a7: {  	v20 =	vmul.f32 v33, v31;
	v26 =	vmul.f32 v27, v26;
	v27 =	vld [tilespmem:s19+$0x10]  }
0x1a8: {  	v31 =	vmul.f32 v38, v35;
	v32 =	vmul.f32 v34, v32;
	v33 =	vld [tilespmem:s19+$0x90]  }
0x1a9: {  	v34 =	vmul.f32 v44, v42;
	v35 =	vmul.f32 v39, v36;
	v36 =	vld [tilespmem:s19+$0x20]  }
0x1aa: {  	v38 =	vmul.f32 v48, v47;
	v39 =	vmul.f32 v50, v49;
	v42 =	vld [tilespmem:s19+$0xA0]  }
0x1ab: {  	v43 =	vmul.f32 v45, v43;
	v25 =	vmul.f32 v25, v46;
	v44 =	vld [tilespmem:s19+$0x30]  }
0x1ac: {  	v37 =	vmul.f32 v40, v37;
	v38 =	vadd.f32 v39, v38;
	v27 =	vmul.f32 v27, v41;
	v39 =	vld [tilespmem:s19+$0xB0]  }
0x1ad: {  	v28 =	vmul.f32 v29, v28;
	v25 =	vadd.f32 v25, v43;
	v40 =	vld [tilespmem:s19+$0x40];
	v29 =	vmul.f32 v33, v30  }
0x1ae: {  	v30 =	vadd.f32 v34, v38;
	v27 =	vadd.f32 v27, v37;
	v24 =	vmul.f32 v36, v24;
	v33 =	vld [tilespmem:s19+$0xC0]  }
0x1af: {  	v25 =	vadd.f32 v35, v25;
	v34 =	vld [tilespmem:s19+$0x50];
	v28 =	vadd.f32 v29, v28;
	v19 =	vmul.f32 v42, v19  }
0x1b0: {  	v29 =	vadd.f32 v31, v30;
	v24 =	vadd.f32 v24, v27;
	v16 =	vmul.f32 v44, v16;
	v27 =	vld [tilespmem:s19+$0xD0]  }
0x1b1: {  	v25 =	vadd.f32 v32, v25;
	v30 =	vld [tilespmem:s19+$0x60];
	v19 =	vadd.f32 v19, v28;
	v14 =	vmul.f32 v39, v14  }
0x1b2: {  	v20 =	vadd.f32 v20, v29;
	v16 =	vadd.f32 v16, v24;
	v13 =	vmul.f32 v40, v13;
	v24 =	vld [tilespmem:s19+$0xE0]  }
0x1b3: {  	v25 =	vadd.f32 v26, v25;
	v26 =	vld [tilespmem:s19+$0x70];
	v14 =	vadd.f32 v14, v19;
	v12 =	vmul.f32 v33, v12  }
0x1b4: {  	s21 =	sadd.s32 $0x200, s21;
	v19 =	vadd.f32 v23, v20;
	v13 =	vadd.f32 v13, v16;
	v11 =	vmul.f32 v34, v11;
	v16 =	vld [tilespmem:s19+$0xF0]  }
0x1b5: {  	v20 =	vld [tilespmem:s21+$0xF0];
	v18 =	vadd.f32 v18, v25;
	v12 =	vadd.f32 v12, v14;
	v10 =	vmul.f32 v27, v10  }
0x1b6: {  	v14 =	vld [tilespmem:s21+$0x70];
	v19 =	vadd.f32 v21, v19;
	v11 =	vadd.f32 v11, v13;
	v9 =	vmul.f32 v30, v9  }
0x1b7: {  	s19 =	sadd.s32 $0x200, s19;
	v21 =	vld [tilespmem:s21+$0xFFFFFFF0];
	v13 =	vadd.f32 v22, v18;
	v10 =	vadd.f32 v10, v12;
	v12 =	vmul.f32 v24, v6  }
0x1b8: {  	v22 =	vld [tilespmem:s19+$0xFFFFFFF0];
	v18 =	vadd.f32 v17, v19;
	v9 =	vadd.f32 v9, v11;
	v23 =	vmul.f32 v26, v7  }
0x1b9: {  	v6 =	vld [tilespmem:s21+$0xE0];
	v11 =	vadd.f32 v15, v13;
	v10 =	vadd.f32 v12, v10;
	v12 =	vmul.f32 v16, v5  }
0x1ba: {  	v15 =	vld [tilespmem:s21+$0xFFFFFF70];
	v13 =	vperm.xlane v18, v0;
	v16 =	vadd.f32 v23, v9;
	v5 =	vmov v20  }
0x1bb: {  	v17 =	vld [tilespmem:s19+$0xFFFFFF70];
	v19 =	vperm.xlane v11, v0;
	v12 =	vadd.f32 v12, v10;
	v7 =	vmov v14  }
0x1bc: {  	v9 =	vld [tilespmem:s21+$0x60];
	v13 =	vadd.f32 v18, v13;
	v10 =	vperm.xlane v16, v0  }
0x1bd: {  	v51 =	vld [tilespmem:s21+$0xFFFFFFE0];
	v11 =	vadd.f32 v11, v19;
	v14 =	vperm.xlane v12, v0  }
0x1be: {  	v52 =	vld [tilespmem:s19+$0xFFFFFFE0];
	v18 =	vperm.xlane v13, v1;
	v16 =	vadd.f32 v16, v10  }
0x1bf: {  	v10 =	vld [tilespmem:s21+$0xD0];
	v19 =	vperm.xlane v11, v1;
	v12 =	vadd.f32 v12, v14  }
0x1c0: {  	v53 =	vld [tilespmem:s21+$0xFFFFFF60];
	v13 =	vadd.f32 v13, v18;
	v14 =	vperm.xlane v16, v1  }
0x1c1: {  	v54 =	vld [tilespmem:s19+$0xFFFFFF60];
	v19 =	vadd.f32 v11, v19;
	v20 =	vperm.xlane v12, v1  }
0x1c2: {  	v11 =	vld [tilespmem:s21+$0x50];
	v23 =	vperm.xlane v13, v2;
	v14 =	vadd.f32 v16, v14  }
0x1c3: {  	v18 =	vld [tilespmem:s21+$0xFFFFFFD0];
	v16 =	vperm.xlane v19, v2;
	v24 =	vadd.f32 v12, v20  }
0x1c4: {  	v20 =	vld [tilespmem:s19+$0xFFFFFFD0];
	v26 =	vadd.f32 v13, v23;
	v13 =	vperm.xlane v14, v2  }
0x1c5: {  	s22 =	sadd.s32 $0x3, s18;
	v27 =	vmov s18;
	v12 =	vld [tilespmem:s21+$0xC0];
	v16 =	vadd.f32 v19, v16;
	v19 =	vperm.xlane v24, v2  }
0x1c6: {  	s23 =	sadd.s32 $0x2, s18;
	v29 =	vmov s22;
	v23 =	vld [tilespmem:s21+$0xFFFFFF50];
	v28 =	vperm.xlane v26, v3;
	v14 =	vadd.f32 v14, v13  }
0x1c7: {  	v31 =	vmov s23;
	v25 =	vld [tilespmem:s19+$0xFFFFFF50];
	v30 =	vperm.xlane v16, v3;
	v19 =	vadd.f32 v24, v19  }
0x1c8: {  	s22 =	sadd.s32 $0x1, s18;
	s18 =	smov.u32 s20;
	vm0 =	veq.s32 v27, v4;
	v13 =	vld [tilespmem:s21+$0x40];
	v24 =	vadd.f32 v26, v28;
	v28 =	vperm.xlane v14, v3  }
0x1c9: {  	v26 =	vld [tilespmem:s21+$0xFFFFFFC0];
	v16 =	vadd.f32 v16, v30;
	v30 =	vmov s22;
	v32 =	vperm.xlane v19, v3  }
0x1ca: {  	v27 =	vld [tilespmem:s19+$0xFFFFFFC0];
	v8 =	vsel vm0, v24, v8;
	vm0 =	veq.s32 v30, v4;
	v24 =	vadd.f32 v14, v28  }
0x1cb: {  	v14 =	vld [tilespmem:s21+$0xB0];
	v8 =	vsel vm0, v16, v8;
	vm0 =	veq.s32 v31, v4;
	v16 =	vadd.f32 v19, v32  }
0x1cc: {  	v31 =	vld [tilespmem:s21+$0xFFFFFF40];
	v8 =	vsel vm0, v24, v8;
	vm0 =	veq.s32 v29, v4  }
0x1cd: {  	v33 =	vld [tilespmem:s19+$0xFFFFFF40];
	v8 =	vsel vm0, v16, v8  }
0x1ce: {  	v16 =	vld [tilespmem:s21+$0x30]  }
0x1cf: {  	v32 =	vld [tilespmem:s21+$0xFFFFFFB0]  }
0x1d0: {  	v34 =	vld [tilespmem:s19+$0xFFFFFFB0]  }
0x1d1: {  	v19 =	vld [tilespmem:s21+$0xA0]  }
0x1d2: {  	v35 =	vld [tilespmem:s21+$0xFFFFFF30]  }
0x1d3: {  	v38 =	vld [tilespmem:s19+$0xFFFFFF30]  }
0x1d4: {  	v24 =	vld [tilespmem:s21+$0x20]  }
0x1d5: {  	v36 =	vld [tilespmem:s21+$0xFFFFFFA0]  }
0x1d6: {  	v39 =	vld [tilespmem:s19+$0xFFFFFFA0]  }
0x1d7: {  	v28 =	vld [tilespmem:s21+$0x80]  }
0x1d8: {  	v29 =	vld [tilespmem:s19+$0x80]  }
0x1d9: {  	v30 =	vld [tilespmem:s21+$0x90]  }
0x1da: {  	v42 =	vld [tilespmem:s21+$0xFFFFFF20]  }
0x1db: {  	v44 =	vld [tilespmem:s19+$0xFFFFFF20]  }
0x1dc: {  	v37 =	vld [tilespmem:s21+$0x0]  }
0x1dd: {  	v40 =	vld [tilespmem:s19+$0x0]  }
0x1de: {  	v41 =	vld [tilespmem:s21+$0x10]  }
0x1df: {  	v43 =	vld [tilespmem:s21+$0xFFFFFF80]  }
0x1e0: {  	v45 =	vld [tilespmem:s19+$0xFFFFFF80]  }
.Ltmp4:
0x1e1: {  	v46 =	vld [tilespmem:s21+$0xFFFFFF90];
	(pc) =	sbr.rel @p0 .LBB2_11-.Ltmp4, $4  }
0x1e2: {  	v47 =	vld [tilespmem:s21+$0xFFFFFF00]  }
0x1e3: {  	v48 =	vld [tilespmem:s19+$0xFFFFFF00]  }
0x1e4: {  	v17 =	vmul.f32 v17, v15;
	v15 =	vmul.f32 v22, v21;
	v49 =	vld [tilespmem:s21+$0xFFFFFF10]  }
0x1e5: {  	s20 =	sadd.s32 $0x4, s20;
	v22 =	vmul.f32 v52, v51;
	v21 =	vmul.f32 v54, v53;
	v50 =	vld [tilespmem:s19+$0xFFFFFF10]  }
0x1e6: {  	v23 =	vmul.f32 v25, v23;
	v61 =	vld [tilespmem:s19+$0xFFFFFF90];
	v18 =	vmul.f32 v20, v18  }
0x1e7: {  	v20 =	vmul.f32 v33, v31;
	v26 =	vmul.f32 v27, v26;
	v62 =	vld [tilespmem:s19+$0x10]  }
0x1e8: {  	v31 =	vmul.f32 v38, v35;
	v32 =	vmul.f32 v34, v32;
	v63 =	vld [tilespmem:s19+$0x90]  }
0x1e9: {  	v51 =	vmul.f32 v44, v42;
	v52 =	vmul.f32 v39, v36;
	v53 =	vld [tilespmem:s19+$0x20]  }
0x1ea: {  	v56 =	vld [tilespmem:s19+$0xA0];
	v54 =	vmul.f32 v48, v47;
	v55 =	vmul.f32 v50, v49  }
0x1eb: {  	v43 =	vmul.f32 v45, v43;
	v57 =	vld [tilespmem:s19+$0x30];
	v25 =	vmul.f32 v61, v46  }
0x1ec: {  	v37 =	vmul.f32 v40, v37;
	v58 =	vld [tilespmem:s19+$0xB0];
	v27 =	vmul.f32 v62, v41;
	v38 =	vadd.f32 v55, v54  }
0x1ed: {  	v59 =	vld [tilespmem:s19+$0x40];
	v28 =	vmul.f32 v29, v28;
	v60 =	vmul.f32 v63, v30;
	v25 =	vadd.f32 v25, v43  }
0x1ee: {  	v24 =	vmul.f32 v53, v24;
	v62 =	vld [tilespmem:s19+$0xC0];
	v27 =	vadd.f32 v27, v37;
	v61 =	vadd.f32 v51, v38  }
0x1ef: {  	v63 =	vld [tilespmem:s19+$0x50];
	v19 =	vmul.f32 v56, v19;
	v28 =	vadd.f32 v60, v28;
	v25 =	vadd.f32 v52, v25  }
0x1f0: {  	v36 =	vld [tilespmem:s19+$0xD0];
	v16 =	vmul.f32 v57, v16;
	v24 =	vadd.f32 v24, v27;
	v35 =	vadd.f32 v31, v61  }
0x1f1: {  	v14 =	vmul.f32 v58, v14;
	v37 =	vld [tilespmem:s19+$0x60];
	v19 =	vadd.f32 v19, v28;
	v25 =	vadd.f32 v32, v25  }
0x1f2: {  	v13 =	vmul.f32 v59, v13;
	v38 =	vld [tilespmem:s19+$0xE0];
	v16 =	vadd.f32 v16, v24;
	v20 =	vadd.f32 v20, v35  }
0x1f3: {  	v39 =	vld [tilespmem:s19+$0x70];
	v12 =	vmul.f32 v62, v12;
	v14 =	vadd.f32 v14, v19;
	v25 =	vadd.f32 v26, v25  }
0x1f4: {  	v41 =	vld [tilespmem:s19+$0xF0];
	v11 =	vmul.f32 v63, v11;
	v13 =	vadd.f32 v13, v16;
	v40 =	vadd.f32 v23, v20  }
0x1f5: {  	v10 =	vmul.f32 v36, v10;
	v12 =	vadd.f32 v12, v14;
	v18 =	vadd.f32 v18, v25  }
0x1f6: {  	v9 =	vmul.f32 v37, v9;
	v11 =	vadd.f32 v11, v13;
	v42 =	vadd.f32 v21, v40  }
0x1f7: {  	v6 =	vmul.f32 v38, v6;
	v10 =	vadd.f32 v10, v12;
	v43 =	vadd.f32 v22, v18  }
0x1f8: {  	v7 =	vmul.f32 v39, v7;
	v9 =	vadd.f32 v9, v11;
	v44 =	vadd.f32 v17, v42  }
0x1f9: {  	v5 =	vmul.f32 v41, v5;
	v6 =	vadd.f32 v6, v10;
	v45 =	vadd.f32 v15, v43  }
0x1fa: {  	v7 =	vadd.f32 v7, v9;
	v46 =	vperm.xlane v44, v0  }
0x1fb: {  	v5 =	vadd.f32 v5, v6;
	v47 =	vperm.xlane v45, v0  }
0x1fc: {  	v48 =	vperm.xlane v7, v0;
	v6 =	vadd.f32 v44, v46  }
0x1fd: {  	v49 =	vperm.xlane v5, v0;
	v9 =	vadd.f32 v45, v47  }
0x1fe: {  	v7 =	vadd.f32 v7, v48;
	v12 =	vperm.xlane v6, v1  }
0x1ff: {  	v5 =	vadd.f32 v5, v49;
	v50 =	vperm.xlane v9, v1  }
0x200: {  	v51 =	vperm.xlane v7, v1;
	v6 =	vadd.f32 v6, v12  }
0x201: {  	v52 =	vperm.xlane v5, v1;
	v9 =	vadd.f32 v9, v50  }
0x202: {  	v7 =	vadd.f32 v7, v51;
	v12 =	vperm.xlane v6, v2  }
0x203: {  	v5 =	vadd.f32 v5, v52;
	v53 =	vperm.xlane v9, v2  }
0x204: {  	s21 =	sadd.s32 $0x3, s18;
	v54 =	vperm.xlane v7, v2;
	v6 =	vadd.f32 v6, v12  }
0x205: {  	v58 =	vmov s21;
	v56 =	vperm.xlane v5, v2;
	v9 =	vadd.f32 v9, v53  }
0x206: {  	s20 =	sadd.s32 $0x2, s18;
	v55 =	vmov s18;
	v7 =	vadd.f32 v7, v54;
	v57 =	vperm.xlane v6, v3  }
0x207: {  	v60 =	vmov s20;
	v5 =	vadd.f32 v5, v56;
	v59 =	vperm.xlane v9, v3  }
0x208: {  	s22 =	sadd.s32 $0x1, s18;
	s23 =	sshll.u32 s31, $0x4;
	s31 =	sadd.s32 $0x1, s31;
	vm0 =	veq.s32 v55, v4;
	v61 =	vperm.xlane v7, v3;
	v6 =	vadd.f32 v6, v57  }
0x209: {  	p0 =	sne.s32 s31, $0x8;
	v62 =	vmov s22;
	v63 =	vperm.xlane v5, v3;
	v9 =	vadd.f32 v9, v59  }
.Ltmp5:
0x20a: {  	vm13 =	veq.s32 v62, v4;
	v7 =	vadd.f32 v7, v61;
	v6 =	vsel vm0, v6, v8;
	(pc) =	sbr.rel @p0 .LBB2_10-.Ltmp5, $4  }
0x20b: {  	vm14 =	veq.s32 v60, v4;
	v5 =	vadd.f32 v5, v63;
	v6 =	vsel vm13, v9, v6  }
0x20c: {  	vm15 =	veq.s32 v58, v4;
	v6 =	vsel vm14, v7, v6  }
0x20d: {  	s18 =	sand.u32 $0x3FFFFFF0, s23;
	v5 =	vsel vm15, v5, v6  }
0x20e: {  	s0 =	sadd.s32 $0x800, s0;
	s4 =	sadd.s32 $0x800, s4;
	[tilespmem:s18+$0x18500] =	vst v5  }
0x20f: {  	_ =	swait.ge [sflag:s12], $0x4000  }
0x210: {  	[sflag:s12] =	ssyncset.done $0x0  }
0x211: {  	[sflag:s12] =	ssyncadd.s32 $0xFFFFC000  }
0x212: {  	_ =	swait.ge [sflag:s12], $0x4000  }
0x213: {  	s31 =	simm.s32 $0x0;
	[sflag:s12] =	ssyncset.done $0x0  }
0x214: {  	s0 =	simm.s32 $0x4500;
	s4 =	simm.s32 $0x500;
	[sflag:s12] =	ssyncadd.s32 $0xFFFFC000  }
.LBB2_14:
0x215: {  	v5 =	vld [tilespmem:s4+$0xF0]  }
0x216: {  	v7 =	vld [tilespmem:s4+$0x70]  }
0x217: {  	v8 =	vld [tilespmem:s4+$0xFFFFFFF0]  }
0x218: {  	v15 =	vld [tilespmem:s0+$0xFFFFFFF0]  }
0x219: {  	v6 =	vld [tilespmem:s4+$0xE0]  }
0x21a: {  	v17 =	vld [tilespmem:s4+$0xFFFFFF70]  }
0x21b: {  	v21 =	vld [tilespmem:s0+$0xFFFFFF70]  }
0x21c: {  	v9 =	vld [tilespmem:s4+$0x60]  }
0x21d: {  	v22 =	vld [tilespmem:s4+$0xFFFFFFE0]  }
0x21e: {  	v51 =	vld [tilespmem:s0+$0xFFFFFFE0]  }
0x21f: {  	v10 =	vld [tilespmem:s4+$0xD0]  }
0x220: {  	v52 =	vld [tilespmem:s4+$0xFFFFFF60]  }
0x221: {  	v53 =	vld [tilespmem:s0+$0xFFFFFF60]  }
0x222: {  	v11 =	vld [tilespmem:s4+$0x50]  }
0x223: {  	v18 =	vld [tilespmem:s4+$0xFFFFFFD0]  }
0x224: {  	v20 =	vld [tilespmem:s0+$0xFFFFFFD0]  }
0x225: {  	v12 =	vld [tilespmem:s4+$0xC0]  }
0x226: {  	v23 =	vld [tilespmem:s4+$0xFFFFFF50]  }
0x227: {  	v25 =	vld [tilespmem:s0+$0xFFFFFF50]  }
0x228: {  	v13 =	vld [tilespmem:s4+$0x40]  }
0x229: {  	v26 =	vld [tilespmem:s4+$0xFFFFFFC0]  }
0x22a: {  	v27 =	vld [tilespmem:s0+$0xFFFFFFC0]  }
0x22b: {  	v14 =	vld [tilespmem:s4+$0xB0]  }
0x22c: {  	v31 =	vld [tilespmem:s4+$0xFFFFFF40]  }
0x22d: {  	v33 =	vld [tilespmem:s0+$0xFFFFFF40]  }
0x22e: {  	v16 =	vld [tilespmem:s4+$0x30]  }
0x22f: {  	v32 =	vld [tilespmem:s4+$0xFFFFFFB0]  }
0x230: {  	v34 =	vld [tilespmem:s0+$0xFFFFFFB0]  }
0x231: {  	v19 =	vld [tilespmem:s4+$0xA0]  }
0x232: {  	v35 =	vld [tilespmem:s4+$0xFFFFFF30]  }
0x233: {  	v38 =	vld [tilespmem:s0+$0xFFFFFF30]  }
0x234: {  	v24 =	vld [tilespmem:s4+$0x20]  }
0x235: {  	v36 =	vld [tilespmem:s4+$0xFFFFFFA0]  }
0x236: {  	v39 =	vld [tilespmem:s0+$0xFFFFFFA0]  }
0x237: {  	v28 =	vld [tilespmem:s4+$0x80]  }
0x238: {  	v29 =	vld [tilespmem:s0+$0x80]  }
0x239: {  	v30 =	vld [tilespmem:s4+$0x90]  }
0x23a: {  	v42 =	vld [tilespmem:s4+$0xFFFFFF20]  }
0x23b: {  	v44 =	vld [tilespmem:s0+$0xFFFFFF20]  }
0x23c: {  	v37 =	vld [tilespmem:s4+$0x0]  }
0x23d: {  	v40 =	vld [tilespmem:s0+$0x0]  }
0x23e: {  	v41 =	vld [tilespmem:s4+$0x10]  }
0x23f: {  	v43 =	vld [tilespmem:s4+$0xFFFFFF80]  }
0x240: {  	v45 =	vld [tilespmem:s0+$0xFFFFFF80]  }
0x241: {  	v46 =	vld [tilespmem:s4+$0xFFFFFF90]  }
0x242: {  	v47 =	vld [tilespmem:s4+$0xFFFFFF00]  }
0x243: {  	v48 =	vld [tilespmem:s0+$0xFFFFFF00]  }
0x244: {  	v49 =	vld [tilespmem:s4+$0xFFFFFF10];
	s20 =	simm.s32 $0x4;
	v17 =	vmul.f32 v21, v17;
	v15 =	vmul.f32 v15, v8  }
0x245: {  	v50 =	vld [tilespmem:s0+$0xFFFFFF10];
	s19 =	smov.u32 s0;
	s21 =	smov.u32 s4;
	s18 =	simm.s32 $0x0;
	v8 =	vimm.f32 $0.0e+00;
	v21 =	vmul.f32 v53, v52;
	v22 =	vmul.f32 v51, v22  }
.LBB2_15:
0x246: {  	p0 =	slt.u32 s20, $0xC;
	v23 =	vmul.f32 v25, v23;
	v25 =	vld [tilespmem:s19+$0xFFFFFF90];
	v18 =	vmul.f32 v20, v18  }
0x247: {  	v20 =	vmul.f32 v33, v31;
	v26 =	vmul.f32 v27, v26;
	v27 =	vld [tilespmem:s19+$0x10]  }
0x248: {  	v31 =	vmul.f32 v38, v35;
	v32 =	vmul.f32 v34, v32;
	v33 =	vld [tilespmem:s19+$0x90]  }
0x249: {  	v34 =	vmul.f32 v44, v42;
	v35 =	vmul.f32 v39, v36;
	v36 =	vld [tilespmem:s19+$0x20]  }
0x24a: {  	v38 =	vmul.f32 v48, v47;
	v39 =	vmul.f32 v50, v49;
	v42 =	vld [tilespmem:s19+$0xA0]  }
0x24b: {  	v43 =	vmul.f32 v45, v43;
	v25 =	vmul.f32 v25, v46;
	v44 =	vld [tilespmem:s19+$0x30]  }
0x24c: {  	v37 =	vmul.f32 v40, v37;
	v38 =	vadd.f32 v39, v38;
	v27 =	vmul.f32 v27, v41;
	v39 =	vld [tilespmem:s19+$0xB0]  }
0x24d: {  	v28 =	vmul.f32 v29, v28;
	v25 =	vadd.f32 v25, v43;
	v40 =	vld [tilespmem:s19+$0x40];
	v29 =	vmul.f32 v33, v30  }
0x24e: {  	v30 =	vadd.f32 v34, v38;
	v27 =	vadd.f32 v27, v37;
	v24 =	vmul.f32 v36, v24;
	v33 =	vld [tilespmem:s19+$0xC0]  }
0x24f: {  	v25 =	vadd.f32 v35, v25;
	v34 =	vld [tilespmem:s19+$0x50];
	v28 =	vadd.f32 v29, v28;
	v19 =	vmul.f32 v42, v19  }
0x250: {  	v29 =	vadd.f32 v31, v30;
	v24 =	vadd.f32 v24, v27;
	v16 =	vmul.f32 v44, v16;
	v27 =	vld [tilespmem:s19+$0xD0]  }
0x251: {  	v25 =	vadd.f32 v32, v25;
	v30 =	vld [tilespmem:s19+$0x60];
	v19 =	vadd.f32 v19, v28;
	v14 =	vmul.f32 v39, v14  }
0x252: {  	v20 =	vadd.f32 v20, v29;
	v16 =	vadd.f32 v16, v24;
	v13 =	vmul.f32 v40, v13;
	v24 =	vld [tilespmem:s19+$0xE0]  }
0x253: {  	v25 =	vadd.f32 v26, v25;
	v26 =	vld [tilespmem:s19+$0x70];
	v14 =	vadd.f32 v14, v19;
	v12 =	vmul.f32 v33, v12  }
0x254: {  	s21 =	sadd.s32 $0x200, s21;
	v19 =	vadd.f32 v23, v20;
	v13 =	vadd.f32 v13, v16;
	v11 =	vmul.f32 v34, v11;
	v16 =	vld [tilespmem:s19+$0xF0]  }
0x255: {  	v20 =	vld [tilespmem:s21+$0xF0];
	v18 =	vadd.f32 v18, v25;
	v12 =	vadd.f32 v12, v14;
	v10 =	vmul.f32 v27, v10  }
0x256: {  	v14 =	vld [tilespmem:s21+$0x70];
	v19 =	vadd.f32 v21, v19;
	v11 =	vadd.f32 v11, v13;
	v9 =	vmul.f32 v30, v9  }
0x257: {  	s19 =	sadd.s32 $0x200, s19;
	v21 =	vld [tilespmem:s21+$0xFFFFFFF0];
	v13 =	vadd.f32 v22, v18;
	v10 =	vadd.f32 v10, v12;
	v12 =	vmul.f32 v24, v6  }
0x258: {  	v22 =	vld [tilespmem:s19+$0xFFFFFFF0];
	v18 =	vadd.f32 v17, v19;
	v9 =	vadd.f32 v9, v11;
	v23 =	vmul.f32 v26, v7  }
0x259: {  	v6 =	vld [tilespmem:s21+$0xE0];
	v11 =	vadd.f32 v15, v13;
	v10 =	vadd.f32 v12, v10;
	v12 =	vmul.f32 v16, v5  }
0x25a: {  	v15 =	vld [tilespmem:s21+$0xFFFFFF70];
	v13 =	vperm.xlane v18, v0;
	v16 =	vadd.f32 v23, v9;
	v5 =	vmov v20  }
0x25b: {  	v17 =	vld [tilespmem:s19+$0xFFFFFF70];
	v19 =	vperm.xlane v11, v0;
	v12 =	vadd.f32 v12, v10;
	v7 =	vmov v14  }
0x25c: {  	v9 =	vld [tilespmem:s21+$0x60];
	v13 =	vadd.f32 v18, v13;
	v10 =	vperm.xlane v16, v0  }
0x25d: {  	v51 =	vld [tilespmem:s21+$0xFFFFFFE0];
	v11 =	vadd.f32 v11, v19;
	v14 =	vperm.xlane v12, v0  }
0x25e: {  	v52 =	vld [tilespmem:s19+$0xFFFFFFE0];
	v18 =	vperm.xlane v13, v1;
	v16 =	vadd.f32 v16, v10  }
0x25f: {  	v10 =	vld [tilespmem:s21+$0xD0];
	v19 =	vperm.xlane v11, v1;
	v12 =	vadd.f32 v12, v14  }
0x260: {  	v53 =	vld [tilespmem:s21+$0xFFFFFF60];
	v13 =	vadd.f32 v13, v18;
	v14 =	vperm.xlane v16, v1  }
0x261: {  	v54 =	vld [tilespmem:s19+$0xFFFFFF60];
	v19 =	vadd.f32 v11, v19;
	v20 =	vperm.xlane v12, v1  }
0x262: {  	v11 =	vld [tilespmem:s21+$0x50];
	v23 =	vperm.xlane v13, v2;
	v14 =	vadd.f32 v16, v14  }
0x263: {  	v18 =	vld [tilespmem:s21+$0xFFFFFFD0];
	v16 =	vperm.xlane v19, v2;
	v24 =	vadd.f32 v12, v20  }
0x264: {  	v20 =	vld [tilespmem:s19+$0xFFFFFFD0];
	v26 =	vadd.f32 v13, v23;
	v13 =	vperm.xlane v14, v2  }
0x265: {  	s22 =	sadd.s32 $0x3, s18;
	v27 =	vmov s18;
	v12 =	vld [tilespmem:s21+$0xC0];
	v16 =	vadd.f32 v19, v16;
	v19 =	vperm.xlane v24, v2  }
0x266: {  	s23 =	sadd.s32 $0x2, s18;
	v29 =	vmov s22;
	v23 =	vld [tilespmem:s21+$0xFFFFFF50];
	v28 =	vperm.xlane v26, v3;
	v14 =	vadd.f32 v14, v13  }
0x267: {  	v31 =	vmov s23;
	v25 =	vld [tilespmem:s19+$0xFFFFFF50];
	v30 =	vperm.xlane v16, v3;
	v19 =	vadd.f32 v24, v19  }
0x268: {  	s22 =	sadd.s32 $0x1, s18;
	s18 =	smov.u32 s20;
	vm0 =	veq.s32 v27, v4;
	v13 =	vld [tilespmem:s21+$0x40];
	v24 =	vadd.f32 v26, v28;
	v28 =	vperm.xlane v14, v3  }
0x269: {  	v26 =	vld [tilespmem:s21+$0xFFFFFFC0];
	v16 =	vadd.f32 v16, v30;
	v30 =	vmov s22;
	v32 =	vperm.xlane v19, v3  }
0x26a: {  	v27 =	vld [tilespmem:s19+$0xFFFFFFC0];
	v8 =	vsel vm0, v24, v8;
	vm0 =	veq.s32 v30, v4;
	v24 =	vadd.f32 v14, v28  }
0x26b: {  	v14 =	vld [tilespmem:s21+$0xB0];
	v8 =	vsel vm0, v16, v8;
	vm0 =	veq.s32 v31, v4;
	v16 =	vadd.f32 v19, v32  }
0x26c: {  	v31 =	vld [tilespmem:s21+$0xFFFFFF40];
	v8 =	vsel vm0, v24, v8;
	vm0 =	veq.s32 v29, v4  }
0x26d: {  	v33 =	vld [tilespmem:s19+$0xFFFFFF40];
	v8 =	vsel vm0, v16, v8  }
0x26e: {  	v16 =	vld [tilespmem:s21+$0x30]  }
0x26f: {  	v32 =	vld [tilespmem:s21+$0xFFFFFFB0]  }
0x270: {  	v34 =	vld [tilespmem:s19+$0xFFFFFFB0]  }
0x271: {  	v19 =	vld [tilespmem:s21+$0xA0]  }
0x272: {  	v35 =	vld [tilespmem:s21+$0xFFFFFF30]  }
0x273: {  	v38 =	vld [tilespmem:s19+$0xFFFFFF30]  }
0x274: {  	v24 =	vld [tilespmem:s21+$0x20]  }
0x275: {  	v36 =	vld [tilespmem:s21+$0xFFFFFFA0]  }
0x276: {  	v39 =	vld [tilespmem:s19+$0xFFFFFFA0]  }
0x277: {  	v28 =	vld [tilespmem:s21+$0x80]  }
0x278: {  	v29 =	vld [tilespmem:s19+$0x80]  }
0x279: {  	v30 =	vld [tilespmem:s21+$0x90]  }
0x27a: {  	v42 =	vld [tilespmem:s21+$0xFFFFFF20]  }
0x27b: {  	v44 =	vld [tilespmem:s19+$0xFFFFFF20]  }
0x27c: {  	v37 =	vld [tilespmem:s21+$0x0]  }
0x27d: {  	v40 =	vld [tilespmem:s19+$0x0]  }
0x27e: {  	v41 =	vld [tilespmem:s21+$0x10]  }
0x27f: {  	v43 =	vld [tilespmem:s21+$0xFFFFFF80]  }
0x280: {  	v45 =	vld [tilespmem:s19+$0xFFFFFF80]  }
.Ltmp6:
0x281: {  	v46 =	vld [tilespmem:s21+$0xFFFFFF90];
	(pc) =	sbr.rel @p0 .LBB2_15-.Ltmp6, $4  }
0x282: {  	v47 =	vld [tilespmem:s21+$0xFFFFFF00]  }
0x283: {  	v48 =	vld [tilespmem:s19+$0xFFFFFF00]  }
0x284: {  	v17 =	vmul.f32 v17, v15;
	v15 =	vmul.f32 v22, v21;
	v49 =	vld [tilespmem:s21+$0xFFFFFF10]  }
0x285: {  	s20 =	sadd.s32 $0x4, s20;
	v22 =	vmul.f32 v52, v51;
	v21 =	vmul.f32 v54, v53;
	v50 =	vld [tilespmem:s19+$0xFFFFFF10]  }
0x286: {  	v23 =	vmul.f32 v25, v23;
	v61 =	vld [tilespmem:s19+$0xFFFFFF90];
	v18 =	vmul.f32 v20, v18  }
0x287: {  	v20 =	vmul.f32 v33, v31;
	v26 =	vmul.f32 v27, v26;
	v62 =	vld [tilespmem:s19+$0x10]  }
0x288: {  	v31 =	vmul.f32 v38, v35;
	v32 =	vmul.f32 v34, v32;
	v63 =	vld [tilespmem:s19+$0x90]  }
0x289: {  	v51 =	vmul.f32 v44, v42;
	v52 =	vmul.f32 v39, v36;
	v53 =	vld [tilespmem:s19+$0x20]  }
0x28a: {  	v56 =	vld [tilespmem:s19+$0xA0];
	v54 =	vmul.f32 v48, v47;
	v55 =	vmul.f32 v50, v49  }
0x28b: {  	v43 =	vmul.f32 v45, v43;
	v57 =	vld [tilespmem:s19+$0x30];
	v25 =	vmul.f32 v61, v46  }
0x28c: {  	v37 =	vmul.f32 v40, v37;
	v58 =	vld [tilespmem:s19+$0xB0];
	v27 =	vmul.f32 v62, v41;
	v38 =	vadd.f32 v55, v54  }
0x28d: {  	v59 =	vld [tilespmem:s19+$0x40];
	v28 =	vmul.f32 v29, v28;
	v60 =	vmul.f32 v63, v30;
	v25 =	vadd.f32 v25, v43  }
0x28e: {  	v24 =	vmul.f32 v53, v24;
	v62 =	vld [tilespmem:s19+$0xC0];
	v27 =	vadd.f32 v27, v37;
	v61 =	vadd.f32 v51, v38  }
0x28f: {  	v63 =	vld [tilespmem:s19+$0x50];
	v19 =	vmul.f32 v56, v19;
	v28 =	vadd.f32 v60, v28;
	v25 =	vadd.f32 v52, v25  }
0x290: {  	v36 =	vld [tilespmem:s19+$0xD0];
	v16 =	vmul.f32 v57, v16;
	v24 =	vadd.f32 v24, v27;
	v35 =	vadd.f32 v31, v61  }
0x291: {  	v14 =	vmul.f32 v58, v14;
	v37 =	vld [tilespmem:s19+$0x60];
	v19 =	vadd.f32 v19, v28;
	v25 =	vadd.f32 v32, v25  }
0x292: {  	v13 =	vmul.f32 v59, v13;
	v38 =	vld [tilespmem:s19+$0xE0];
	v16 =	vadd.f32 v16, v24;
	v20 =	vadd.f32 v20, v35  }
0x293: {  	v39 =	vld [tilespmem:s19+$0x70];
	v12 =	vmul.f32 v62, v12;
	v14 =	vadd.f32 v14, v19;
	v25 =	vadd.f32 v26, v25  }
0x294: {  	v41 =	vld [tilespmem:s19+$0xF0];
	v11 =	vmul.f32 v63, v11;
	v13 =	vadd.f32 v13, v16;
	v40 =	vadd.f32 v23, v20  }
0x295: {  	v10 =	vmul.f32 v36, v10;
	v12 =	vadd.f32 v12, v14;
	v18 =	vadd.f32 v18, v25  }
0x296: {  	v9 =	vmul.f32 v37, v9;
	v11 =	vadd.f32 v11, v13;
	v42 =	vadd.f32 v21, v40  }
0x297: {  	v6 =	vmul.f32 v38, v6;
	v10 =	vadd.f32 v10, v12;
	v43 =	vadd.f32 v22, v18  }
0x298: {  	v7 =	vmul.f32 v39, v7;
	v9 =	vadd.f32 v9, v11;
	v44 =	vadd.f32 v17, v42  }
0x299: {  	v5 =	vmul.f32 v41, v5;
	v6 =	vadd.f32 v6, v10;
	v45 =	vadd.f32 v15, v43  }
0x29a: {  	v7 =	vadd.f32 v7, v9;
	v46 =	vperm.xlane v44, v0  }
0x29b: {  	v5 =	vadd.f32 v5, v6;
	v47 =	vperm.xlane v45, v0  }
0x29c: {  	v48 =	vperm.xlane v7, v0;
	v6 =	vadd.f32 v44, v46  }
0x29d: {  	v49 =	vperm.xlane v5, v0;
	v9 =	vadd.f32 v45, v47  }
0x29e: {  	v7 =	vadd.f32 v7, v48;
	v12 =	vperm.xlane v6, v1  }
0x29f: {  	v5 =	vadd.f32 v5, v49;
	v50 =	vperm.xlane v9, v1  }
0x2a0: {  	v51 =	vperm.xlane v7, v1;
	v6 =	vadd.f32 v6, v12  }
0x2a1: {  	v52 =	vperm.xlane v5, v1;
	v9 =	vadd.f32 v9, v50  }
0x2a2: {  	v7 =	vadd.f32 v7, v51;
	v12 =	vperm.xlane v6, v2  }
0x2a3: {  	v5 =	vadd.f32 v5, v52;
	v53 =	vperm.xlane v9, v2  }
0x2a4: {  	s21 =	sadd.s32 $0x3, s18;
	v54 =	vperm.xlane v7, v2;
	v6 =	vadd.f32 v6, v12  }
0x2a5: {  	v58 =	vmov s21;
	v56 =	vperm.xlane v5, v2;
	v9 =	vadd.f32 v9, v53  }
0x2a6: {  	s20 =	sadd.s32 $0x2, s18;
	v55 =	vmov s18;
	v7 =	vadd.f32 v7, v54;
	v57 =	vperm.xlane v6, v3  }
0x2a7: {  	v60 =	vmov s20;
	v5 =	vadd.f32 v5, v56;
	v59 =	vperm.xlane v9, v3  }
0x2a8: {  	s22 =	sadd.s32 $0x1, s18;
	s23 =	sshll.u32 s31, $0x4;
	s31 =	sadd.s32 $0x1, s31;
	vm0 =	veq.s32 v55, v4;
	v61 =	vperm.xlane v7, v3;
	v6 =	vadd.f32 v6, v57  }
0x2a9: {  	p0 =	sne.s32 s31, $0x8;
	v62 =	vmov s22;
	v63 =	vperm.xlane v5, v3;
	v9 =	vadd.f32 v9, v59  }
.Ltmp7:
0x2aa: {  	vm13 =	veq.s32 v62, v4;
	v7 =	vadd.f32 v7, v61;
	v6 =	vsel vm0, v6, v8;
	(pc) =	sbr.rel @p0 .LBB2_14-.Ltmp7, $4  }
0x2ab: {  	vm14 =	veq.s32 v60, v4;
	v5 =	vadd.f32 v5, v63;
	v6 =	vsel vm13, v9, v6  }
0x2ac: {  	vm15 =	veq.s32 v58, v4;
	v6 =	vsel vm14, v7, v6  }
0x2ad: {  	s18 =	sand.u32 $0x3FFFFFF0, s23;
	v5 =	vsel vm15, v5, v6  }
0x2ae: {  	s0 =	sadd.s32 $0x800, s0;
	s4 =	sadd.s32 $0x800, s4;
	[tilespmem:s18+$0x18580] =	vst v5  }
0x2af: {  	s30 =	sadd.s32 $0x1, s30  }
0x2b0: {  	p0 =	sne.s32 s30, s10  }
.Ltmp8:
0x2b1: {  	_ = 	snop;
	(pc) =	sbr.rel @p0 .LBB2_1-.Ltmp8, $4  }
0x2b2: {  	[hbm4b:s9+s3] =	stream.linear.scatter [tilespmem:s28], [sflag:$0x4], $0x200, $0x38;
	[tilespmem:$0x18600] =	vst v63  }
0x2b3: {  	_ =	swait.ge [sflag:s29], $0x200  }
0x2b4: {  	[sflag:s29] =	ssyncset.done $0x0  }
0x2b5: {  	[sflag:s29] =	ssyncadd.s32 $0xFFFFFE00  }
0x2b6: {  	_ =	sfence.sel $0x180000  }
0x2b7: {  	[bflag:$0x0] =	sbarrier.arrive $0xFFFF  }
0x2b8: {  	_ =	strace $0x90000047  }
0x2b9: {  	s0 =	stileid.u32;
	[bflag:$0x2] =	sbarrier.arrive $0xFFFF  }
0x2ba: {  	p0 =	sne.s32 s0, $0x0;
	s0 =	rddreg [dreg:$0x5]  }
0x2bb: {  	s0 =	sadd.s32 @!p0 $0x100000, s0  }
0x2bc: {  	[sflag:s0] =	ssyncadd.tile.s32 @!p0 $0x1;
	_ =	shalt  }
.Lfunc_end2:
_tile_overlayer_lowered:
.L_overlay_start_2:
0x2bd: {  	(tag) =	ssettag $0x2  }
0x2be: {  	s0 =	rddreg [dreg:$0x0];
	s2 =	stileid.u32  }
0x2bf: {  	s1 =	rddreg [dreg:$0x1];
	p0 =	sne.s32 s2, $0x0  }
0x2c0: {  	s3 =	rddreg [dreg:$0x2];
	[bflag:$0x3] =	sbarrier.arrive $0xFFFF;
	s2 =	simm.s32 @!p0 $0x1C04  }
0x2c1: {  	[timem:s3], [sflag:s2] =	dma.local @!p0 [hbm:s0], s1  }
0x2c2: {  	s0 =	simm.s32 @!p0 $0x4  }
0x2c3: {  	_ =	swait.ge @!p0 [sflag:s0], s1  }
0x2c4: {  	s1 =	ssub.s32 @!p0 $0x0, s1;
	[sflag:s0] =	ssyncset.done @!p0 $0x0  }
0x2c5: {  	[sflag:s0] =	ssyncadd.s32 @!p0 s1  }
0x2c6: {  	[bflag:$0x3] =	sbarrier.arrive $0xFFFF  }
0x2c7: {  	_ =	shalt  }

</sc_bundles>
